<compile_context>
chip_gen: v7x
topology: tpu7x:2x2x1
jax: 0.10.2.dev20260603
libtpu: 0.0.44.dev20260713+nightly
codegen_flags: <defaults>
</compile_context>

<pallas_src>
import jax
import jax.numpy as jnp
from jax import lax
from jax.experimental import pallas as pl
from jax.experimental.pallas import tpu as pltpu
from jax.experimental.pallas import tpu_sc as plsc

_NTYPE = 9
_N = 50000
_NPAD = 50176
_E = 300000
_EPAD = 307200
_NC = 2
_NS = 16
_ECH = _EPAD // (_NC * _NS)
_PT = _NPAD // _NS

_MESH = plsc.VectorSubcoreMesh(
    core_axis_name="c", subcore_axis_name="s", num_cores=_NC, num_subcores=_NS)


def _fill(buf, nwords, value):
    @pl.loop(0, nwords // 16)
    def _(i):
        buf[pl.ds(i * 16, 16)] = jnp.full((16,), value, buf.dtype)


def _deg_body(sidx_hbm, ridx_hbm, w_hbm, deg_hbm, sidx_v, ridx_v, w_v, zbuf,
              deg_sp, dsem_a, dsem_b):
    cid = lax.axis_index("c")
    sid = lax.axis_index("s")
    base = (sid * _NC + cid) * _ECH
    pltpu.sync_copy(sidx_hbm.at[pl.ds(base, _ECH)], sidx_v)
    pltpu.sync_copy(ridx_hbm.at[pl.ds(base, _ECH)], ridx_v)
    pltpu.sync_copy(w_hbm.at[pl.ds(base, _ECH)], w_v)
    _fill(zbuf, _PT, 0.0)
    pltpu.sync_copy(zbuf, deg_sp.at[pl.ds(sid * _PT, _PT)])
    plsc.subcore_barrier()
    sc_a = pltpu.async_copy(w_v, deg_sp.at[sidx_v], dsem_a, add=True)
    sc_b = pltpu.async_copy(w_v, deg_sp.at[ridx_v], dsem_b, add=True)
    sc_a.wait()
    sc_b.wait()
    plsc.subcore_barrier()
    pltpu.sync_copy(deg_sp.at[pl.ds(sid * _PT, _PT)], zbuf)
    pltpu.sync_copy(zbuf, deg_hbm.at[pl.ds(cid * _NPAD + sid * _PT, _PT)])


_deg_call = pl.kernel(
    _deg_body,
    out_type=jax.ShapeDtypeStruct((_NC * _NPAD,), jnp.float32),
    mesh=_MESH,
    scratch_types=[
        pltpu.VMEM((_ECH,), jnp.int32),
        pltpu.VMEM((_ECH,), jnp.int32),
        pltpu.VMEM((_ECH,), jnp.float32),
        pltpu.VMEM((_PT,), jnp.float32),
        pltpu.VMEM_SHARED((_NPAD,), jnp.float32),
        pltpu.SemaphoreType.DMA,
        pltpu.SemaphoreType.DMA,
    ],
)


def _msg_body(sidx_hbm, ridx_hbm, w_hbm, z0_hbm, z1_hbm, z2_hbm, g_hbm,
              sidx_v, ridx_v, w_v, zg0, zg1, zg2, zg3, zg4, zg5, zbuf,
              g0, g1, g2, zt0, zt1, zt2, s0, s1, s2, s3, s4, s5):
    cid = lax.axis_index("c")
    sid = lax.axis_index("s")
    base = (sid * _NC + cid) * _ECH
    pltpu.sync_copy(sidx_hbm.at[pl.ds(base, _ECH)], sidx_v)
    pltpu.sync_copy(ridx_hbm.at[pl.ds(base, _ECH)], ridx_v)
    pltpu.sync_copy(w_hbm.at[pl.ds(base, _ECH)], w_v)
    zgs = (zg0, zg1, zg2, zg3, zg4, zg5)
    sems = (s0, s1, s2, s3, s4, s5)
    gtabs = (g0, g1, g2)
    ztabs = (zt0, zt1, zt2)
    nsl = pl.ds(sid * _PT, _PT)
    for z_hbm, ztab in zip((z0_hbm, z1_hbm, z2_hbm), ztabs):
        pltpu.sync_copy(z_hbm.at[nsl], zbuf)
        pltpu.sync_copy(zbuf, ztab.at[nsl])
    _fill(zbuf, _PT, 0.0)
    for gtab in gtabs:
        pltpu.sync_copy(zbuf, gtab.at[nsl])
    plsc.subcore_barrier()
    gathers = []
    for c, ztab in enumerate(ztabs):
        gathers.append(pltpu.async_copy(ztab.at[ridx_v], zgs[2 * c], sems[2 * c]))
        gathers.append(pltpu.async_copy(ztab.at[sidx_v], zgs[2 * c + 1], sems[2 * c + 1]))
    scatters = []
    for j in range(6):
        gathers[j].wait()
        zg = zgs[j]

        @pl.loop(0, _ECH // 16)
        def _(i):
            zg[pl.ds(i * 16, 16)] = (
                w_v[pl.ds(i * 16, 16)] * zg[pl.ds(i * 16, 16)])

        dst = sidx_v if j % 2 == 0 else ridx_v
        scatters.append(
            pltpu.async_copy(zg, gtabs[j // 2].at[dst], sems[j], add=True))
    for sc in scatters:
        sc.wait()
    plsc.subcore_barrier()
    for c, gtab in enumerate(gtabs):
        pltpu.sync_copy(gtab.at[pl.ds(sid * _PT, _PT)], zbuf)
        pltpu.sync_copy(zbuf, g_hbm.at[pl.ds((cid * 3 + c) * _NPAD + sid * _PT, _PT)])


_msg_call = pl.kernel(
    _msg_body,
    out_type=jax.ShapeDtypeStruct((_NC * 3 * _NPAD,), jnp.float32),
    mesh=_MESH,
    scratch_types=(
        [pltpu.VMEM((_ECH,), jnp.int32)] * 2
        + [pltpu.VMEM((_ECH,), jnp.float32)] * 7
        + [pltpu.VMEM((_PT,), jnp.float32)]
        + [pltpu.VMEM_SHARED((_NPAD,), jnp.float32)] * 6
        + [pltpu.SemaphoreType.DMA] * 6
    ),
)


def _col_mask(x):
    cols = lax.broadcasted_iota(jnp.int32, x.shape, 1)
    return jnp.where(cols < _N, x, 0.0)


def _prep_body(wpT_ref, pwpT_ref, ntT_ref, deg_ref, W1_ref, b1_ref, z_ref, dis_ref):
    vel = wpT_ref[...] - pwpT_ref[...]
    rows = lax.broadcasted_iota(jnp.int32, (_NTYPE, _NPAD), 0)
    onehot = (rows == jnp.broadcast_to(ntT_ref[...], (_NTYPE, _NPAD))).astype(jnp.float32)
    nfT = jnp.concatenate([vel, onehot], axis=0)
    y = lax.dot_general(W1_ref[...], nfT, (((1,), (0,)), ((), ())),
                        preferred_element_type=jnp.float32)
    deg = deg_ref[0:1, :] + deg_ref[1:2, :] + 2.0
    dis = lax.rsqrt(deg)
    z_ref[...] = _col_mask(dis * (y + b1_ref[...]))
    dis_ref[...] = dis


def _prep_call(wpT, pwpT, ntT, deg2, W1, b1col):
    return pl.pallas_call(
        _prep_body,
        out_shape=[jax.ShapeDtypeStruct((3, _NPAD), jnp.float32),
                   jax.ShapeDtypeStruct((1, _NPAD), jnp.float32)],
    )(wpT, pwpT, ntT, deg2, W1, b1col)


def _mid_body(g_ref, dis_ref, z_ref, W2_ref, b2_ref, z2_ref):
    dis = dis_ref[...]
    h = dis * g_ref[...] + 2.0 * dis * z_ref[...]
    y2 = lax.dot_general(W2_ref[...], h, (((1,), (0,)), ((), ())),
                         preferred_element_type=jnp.float32)
    z2_ref[...] = _col_mask(dis * (y2 + b2_ref[...]))


def _mid_call(gT, dis, z, W2, b2col):
    return pl.pallas_call(
        _mid_body,
        out_shape=jax.ShapeDtypeStruct((3, _NPAD), jnp.float32),
    )(gT, dis, z, W2, b2col)


def _fin_body(g_ref, dis_ref, z_ref, out_ref):
    dis = dis_ref[...]
    out_ref[...] = dis * g_ref[...] + 2.0 * dis * z_ref[...]


def _fin_call(gT, dis, z):
    return pl.pallas_call(
        _fin_body,
        out_shape=jax.ShapeDtypeStruct((3, _NPAD), jnp.float32),
    )(gT, dis, z)


def _from_planes(g6):
    g = g6.reshape(_NC * 3, _NPAD)
    return g[0:3] + g[3:6]


def kernel(world_pos, prev_world_pos, node_type, cells, mesh_pos, is_training, W1, b1, W2, b2):
    ct = cells.T.astype(jnp.uint32)
    a, b, c = ct[0], ct[1], ct[2]

    def _pack(x, y):
        return (jnp.maximum(x, y) << 16) | jnp.minimum(x, y)

    k1 = _pack(a, b)
    keyp = jnp.concatenate(
        [k1, _pack(b, c), _pack(c, a),
         jnp.broadcast_to(k1[0], (_EPAD - _E,))])
    sk = lax.sort(keyp, is_stable=False)
    prev = jnp.concatenate([sk[:1] ^ jnp.uint32(1), sk[:-1]])
    w = (sk != prev).astype(jnp.float32)
    sidx = (sk >> 16).astype(jnp.int32)
    ridx = (sk & jnp.uint32(0xFFFF)).astype(jnp.int32)

    pad = ((0, _NPAD - _N), (0, 0))
    wpT = jnp.pad(world_pos, pad).T
    pwpT = jnp.pad(prev_world_pos, pad).T
    ntT = jnp.pad(node_type, pad).T
    b1col = b1[:, None]
    b2col = b2[:, None]

    deg2 = _deg_call(sidx, ridx, w).reshape(_NC, _NPAD)
    z1, dis = _prep_call(wpT, pwpT, ntT, deg2, W1, b1col)

    g1 = _from_planes(_msg_call(sidx, ridx, w, z1[0], z1[1], z1[2]))
    z2 = _mid_call(g1, dis, z1, W2, b2col)

    g2 = _from_planes(_msg_call(sidx, ridx, w, z2[0], z2[1], z2[2]))
    h2T = _fin_call(g2, dis, z2)

    h = h2T[:, :_N].T
    return jnp.where(is_training != 0, h, 2.0 * world_pos + h - prev_world_pos)

# --- scband reference (transcript-rebuilt; emitter-appended) ---
"""Pipeline reference for scband-model-19310172963444 (READ-ONLY COPY).

The authoritative reference and input builder live on the scoring server;
editing this copy changes nothing except your own understanding.
"""

import jax, jax.numpy as jnp
import numpy as np

NODE_TYPE_SIZE = 9
N_NODES = 50000
N_CELLS = 100000


def _build_edge_index(cells, n):
    # common.triangles_to_edges: 3 edges per triangle, dedup undirected, emit both directions
    edges = jnp.concatenate([cells[:, 0:2], cells[:, 1:3],
                             jnp.stack([cells[:, 2], cells[:, 0]], axis=1)], axis=0)
    receivers = jnp.min(edges, axis=1)
    senders = jnp.max(edges, axis=1)
    order = jnp.lexsort((receivers, senders))
    s_sorted = senders[order]
    r_sorted = receivers[order]
    first = jnp.concatenate([jnp.ones((1,), dtype=bool),
                             (s_sorted[1:] != s_sorted[:-1]) | (r_sorted[1:] != r_sorted[:-1])])
    s_all = jnp.concatenate([s_sorted, r_sorted])  # senders
    r_all = jnp.concatenate([r_sorted, s_sorted])  # receivers
    keep = jnp.concatenate([first, first])
    # forward(): edge_index = stack((receivers, senders)); add_self_loops once
    loop = jnp.arange(n, dtype=s_all.dtype)
    row = jnp.concatenate([r_all, loop])
    col = jnp.concatenate([s_all, loop])
    mask = jnp.concatenate([keep, jnp.ones((n,), dtype=bool)])
    return row, col, mask


def _gcn(x, W, b, row, col, mask, n):
    # GCNConv adds its own self loops on top of the already-self-looped edge_index
    loop = jnp.arange(n, dtype=row.dtype)
    rr = jnp.concatenate([row, loop])
    cc = jnp.concatenate([col, loop])
    mm = jnp.concatenate([mask, jnp.ones((n,), dtype=bool)])
    rr = jnp.where(mm, rr, n)
    cc = jnp.where(mm, cc, n)
    x = x @ W.T + b
    deg = jnp.zeros((n,), x.dtype).at[cc].add(jnp.ones((cc.shape[0],), x.dtype), mode='drop')
    safe = jnp.where(deg > 0, deg, 1.0)
    dis = jnp.where(deg > 0, 1.0 / jnp.sqrt(safe), 0.0)
    norm = dis[rr] * dis[cc]
    out = jnp.zeros((n, x.shape[1]), x.dtype).at[cc].add(norm[:, None] * x[rr], mode='drop')
    return out


def setup_inputs(seed: int = 0) -> dict:
    key = jax.random.key(seed)
    ks = jax.random.split(key, 8)
    n, t = N_NODES, N_CELLS
    world_pos = jax.random.normal(ks[0], (n, 3), dtype=jnp.float32)
    prev_world_pos = jax.random.normal(ks[1], (n, 3), dtype=jnp.float32)
    node_type = jax.random.randint(ks[2], (n, 1), 0, NODE_TYPE_SIZE)
    cells = jax.random.randint(ks[3], (t, 3), 0, n)
    mesh_pos = jax.random.normal(ks[4], (n, 2), dtype=jnp.float32)
    W1 = jax.random.normal(ks[5], (3, 12), dtype=jnp.float32) * (1.0 / np.sqrt(12.0))
    b1 = jnp.zeros((3,), jnp.float32)
    W2 = jax.random.normal(ks[6], (3, 3), dtype=jnp.float32) * (1.0 / np.sqrt(3.0))
    b2 = jnp.zeros((3,), jnp.float32)
    return {"world_pos": world_pos, "prev_world_pos": prev_world_pos,
            "node_type": node_type, "cells": cells, "mesh_pos": mesh_pos,
            "is_training": 1, "W1": W1, "b1": b1, "W2": W2, "b2": b2}


def reference(world_pos, prev_world_pos, node_type, cells, mesh_pos, is_training, W1, b1, W2, b2):
    n = world_pos.shape[0]
    velocity = world_pos - prev_world_pos
    onehot = jax.nn.one_hot(node_type[:, 0], NODE_TYPE_SIZE, dtype=world_pos.dtype)
    node_features = jnp.concatenate([velocity, onehot], axis=-1)
    # mesh_pos feeds only edge_features, which the GCN path never consumes
    row, col, mask = _build_edge_index(cells, n)
    h = _gcn(node_features, W1, b1, row, col, mask, n)
    h = _gcn(h, W2, b2, row, col, mask, n)
    return jnp.where(is_training != 0, h, 2.0 * world_pos + h - prev_world_pos)

if __name__ == "__main__":
    import jax
    _d = setup_inputs()
    print(jax.jit(kernel)(*tuple(_d.values())))

</pallas_src>

<mosaic_0001>
#map = affine_map<(d0, d1) -> (0)>
module attributes {stable_mosaic.version = 14 : i64} {
  func.func @_msg_body(%arg0: i32, %arg1: i32, %arg2: memref<307200xi32, #tpu.memory_space<hbm>>, %arg3: memref<307200xi32, #tpu.memory_space<hbm>>, %arg4: memref<307200xf32, #tpu.memory_space<hbm>>, %arg5: memref<50176xf32, #tpu.memory_space<hbm>>, %arg6: memref<50176xf32, #tpu.memory_space<hbm>>, %arg7: memref<50176xf32, #tpu.memory_space<hbm>>, %arg8: memref<301056xf32, #tpu.memory_space<hbm>>, %arg9: memref<9600xi32, #tpu.memory_space<vmem>>, %arg10: memref<9600xi32, #tpu.memory_space<vmem>>, %arg11: memref<9600xf32, #tpu.memory_space<vmem>>, %arg12: memref<9600xf32, #tpu.memory_space<vmem>>, %arg13: memref<9600xf32, #tpu.memory_space<vmem>>, %arg14: memref<9600xf32, #tpu.memory_space<vmem>>, %arg15: memref<9600xf32, #tpu.memory_space<vmem>>, %arg16: memref<9600xf32, #tpu.memory_space<vmem>>, %arg17: memref<9600xf32, #tpu.memory_space<vmem>>, %arg18: memref<3136xf32, #tpu.memory_space<vmem>>, %arg19: memref<50176xf32, #tpu.memory_space<vmem_shared>>, %arg20: memref<50176xf32, #tpu.memory_space<vmem_shared>>, %arg21: memref<50176xf32, #tpu.memory_space<vmem_shared>>, %arg22: memref<50176xf32, #tpu.memory_space<vmem_shared>>, %arg23: memref<50176xf32, #tpu.memory_space<vmem_shared>>, %arg24: memref<50176xf32, #tpu.memory_space<vmem_shared>>, %arg25: memref<!tpu.dma_semaphore, #tpu.memory_space<semaphore_mem>>, %arg26: memref<!tpu.dma_semaphore, #tpu.memory_space<semaphore_mem>>, %arg27: memref<!tpu.dma_semaphore, #tpu.memory_space<semaphore_mem>>, %arg28: memref<!tpu.dma_semaphore, #tpu.memory_space<semaphore_mem>>, %arg29: memref<!tpu.dma_semaphore, #tpu.memory_space<semaphore_mem>>, %arg30: memref<!tpu.dma_semaphore, #tpu.memory_space<semaphore_mem>>) attributes {dimension_semantics = [#tpu.dimension_semantics<core_parallel>, #tpu.dimension_semantics<subcore_parallel>], iteration_bounds = array<i64: 2, 16>, scalar_prefetch = 0 : i64, scratch_operands = 22 : i64, tpu.core_type = #tpu.core_type<sc_vector_subcore>, window_params = [{transform_indices = #map}, {transform_indices = #map}, {transform_indices = #map}, {transform_indices = #map}, {transform_indices = #map}, {transform_indices = #map}, {transform_indices = #map}]} {
    %mul3A = arith.constant 2 : i32
    %mul3A_0 = arith.muli %arg1, %mul3A : i32
    %add3A = arith.addi %mul3A_0, %arg0 : i32
    %mul3A_1 = arith.constant 9600 : i32
    %mul3A_2 = arith.muli %add3A, %mul3A_1 : i32
    "tpu.region"() ({
      %run_scoped3A = tpu.sem_alloc : memref<!tpu.dma_semaphore, #tpu.memory_space<semaphore_mem>>
      %dma_start3A_119 = tpu.memref_slice %arg2[%mul3A_2] : memref<307200xi32, #tpu.memory_space<hbm>> -> memref<9600xi32, #tpu.memory_space<hbm>>
      %dma_start3A_120 = tpu.memref_slice %arg2[%mul3A_2] : memref<307200xi32, #tpu.memory_space<hbm>> -> memref<9600xi32, #tpu.memory_space<hbm>>
      tpu.enqueue_dma source(%dma_start3A_120 : memref<9600xi32, #tpu.memory_space<hbm>>) target(%arg9 : memref<9600xi32, #tpu.memory_space<vmem>>) target_semaphore(%run_scoped3A : memref<!tpu.dma_semaphore, #tpu.memory_space<semaphore_mem>>)
      %dma_wait3A_121 = tpu.memref_slice %arg2[%mul3A_2] : memref<307200xi32, #tpu.memory_space<hbm>> -> memref<9600xi32, #tpu.memory_space<hbm>>
      %dma_wait3A_122 = tpu.memref_slice %arg2[%mul3A_2] : memref<307200xi32, #tpu.memory_space<hbm>> -> memref<9600xi32, #tpu.memory_space<hbm>>
      tpu.wait_dma2 semaphore(%run_scoped3A : memref<!tpu.dma_semaphore, #tpu.memory_space<semaphore_mem>>) src(%dma_wait3A_122 : memref<9600xi32, #tpu.memory_space<hbm>>) dst(%arg9 : memref<9600xi32, #tpu.memory_space<vmem>>)
      tpu.yield
    }) : () -> ()
    "tpu.region"() ({
      %run_scoped3A = tpu.sem_alloc : memref<!tpu.dma_semaphore, #tpu.memory_space<semaphore_mem>>
      %dma_start3A_119 = tpu.memref_slice %arg3[%mul3A_2] : memref<307200xi32, #tpu.memory_space<hbm>> -> memref<9600xi32, #tpu.memory_space<hbm>>
      %dma_start3A_120 = tpu.memref_slice %arg3[%mul3A_2] : memref<307200xi32, #tpu.memory_space<hbm>> -> memref<9600xi32, #tpu.memory_space<hbm>>
      tpu.enqueue_dma source(%dma_start3A_120 : memref<9600xi32, #tpu.memory_space<hbm>>) target(%arg10 : memref<9600xi32, #tpu.memory_space<vmem>>) target_semaphore(%run_scoped3A : memref<!tpu.dma_semaphore, #tpu.memory_space<semaphore_mem>>)
      %dma_wait3A_121 = tpu.memref_slice %arg3[%mul3A_2] : memref<307200xi32, #tpu.memory_space<hbm>> -> memref<9600xi32, #tpu.memory_space<hbm>>
      %dma_wait3A_122 = tpu.memref_slice %arg3[%mul3A_2] : memref<307200xi32, #tpu.memory_space<hbm>> -> memref<9600xi32, #tpu.memory_space<hbm>>
      tpu.wait_dma2 semaphore(%run_scoped3A : memref<!tpu.dma_semaphore, #tpu.memory_space<semaphore_mem>>) src(%dma_wait3A_122 : memref<9600xi32, #tpu.memory_space<hbm>>) dst(%arg10 : memref<9600xi32, #tpu.memory_space<vmem>>)
      tpu.yield
    }) : () -> ()
    "tpu.region"() ({
      %run_scoped3A = tpu.sem_alloc : memref<!tpu.dma_semaphore, #tpu.memory_space<semaphore_mem>>
      %dma_start3A_119 = tpu.memref_slice %arg4[%mul3A_2] : memref<307200xf32, #tpu.memory_space<hbm>> -> memref<9600xf32, #tpu.memory_space<hbm>>
      %dma_start3A_120 = tpu.memref_slice %arg4[%mul3A_2] : memref<307200xf32, #tpu.memory_space<hbm>> -> memref<9600xf32, #tpu.memory_space<hbm>>
      tpu.enqueue_dma source(%dma_start3A_120 : memref<9600xf32, #tpu.memory_space<hbm>>) target(%arg11 : memref<9600xf32, #tpu.memory_space<vmem>>) target_semaphore(%run_scoped3A : memref<!tpu.dma_semaphore, #tpu.memory_space<semaphore_mem>>)
      %dma_wait3A_121 = tpu.memref_slice %arg4[%mul3A_2] : memref<307200xf32, #tpu.memory_space<hbm>> -> memref<9600xf32, #tpu.memory_space<hbm>>
      %dma_wait3A_122 = tpu.memref_slice %arg4[%mul3A_2] : memref<307200xf32, #tpu.memory_space<hbm>> -> memref<9600xf32, #tpu.memory_space<hbm>>
      tpu.wait_dma2 semaphore(%run_scoped3A : memref<!tpu.dma_semaphore, #tpu.memory_space<semaphore_mem>>) src(%dma_wait3A_122 : memref<9600xf32, #tpu.memory_space<hbm>>) dst(%arg11 : memref<9600xf32, #tpu.memory_space<vmem>>)
      tpu.yield
    }) : () -> ()
    %mul3A_3 = arith.constant 3136 : i32
    %mul3A_4 = arith.muli %arg1, %mul3A_3 : i32
    "tpu.region"() ({
      %run_scoped3A = tpu.sem_alloc : memref<!tpu.dma_semaphore, #tpu.memory_space<semaphore_mem>>
      %dma_start3A_119 = tpu.memref_slice %arg5[%mul3A_4] : memref<50176xf32, #tpu.memory_space<hbm>> -> memref<3136xf32, #tpu.memory_space<hbm>>
      %dma_start3A_120 = tpu.memref_slice %arg5[%mul3A_4] : memref<50176xf32, #tpu.memory_space<hbm>> -> memref<3136xf32, #tpu.memory_space<hbm>>
      tpu.enqueue_dma source(%dma_start3A_120 : memref<3136xf32, #tpu.memory_space<hbm>>) target(%arg18 : memref<3136xf32, #tpu.memory_space<vmem>>) target_semaphore(%run_scoped3A : memref<!tpu.dma_semaphore, #tpu.memory_space<semaphore_mem>>)
      %dma_wait3A_121 = tpu.memref_slice %arg5[%mul3A_4] : memref<50176xf32, #tpu.memory_space<hbm>> -> memref<3136xf32, #tpu.memory_space<hbm>>
      %dma_wait3A_122 = tpu.memref_slice %arg5[%mul3A_4] : memref<50176xf32, #tpu.memory_space<hbm>> -> memref<3136xf32, #tpu.memory_space<hbm>>
      tpu.wait_dma2 semaphore(%run_scoped3A : memref<!tpu.dma_semaphore, #tpu.memory_space<semaphore_mem>>) src(%dma_wait3A_122 : memref<3136xf32, #tpu.memory_space<hbm>>) dst(%arg18 : memref<3136xf32, #tpu.memory_space<vmem>>)
      tpu.yield
    }) : () -> ()
    "tpu.region"() ({
      %run_scoped3A = tpu.sem_alloc : memref<!tpu.dma_semaphore, #tpu.memory_space<semaphore_mem>>
      %dma_start3A_119 = tpu.memref_slice %arg22[%mul3A_4] : memref<50176xf32, #tpu.memory_space<vmem_shared>> -> memref<3136xf32, #tpu.memory_space<vmem_shared>>
      %dma_start3A_120 = tpu.memref_slice %arg22[%mul3A_4] : memref<50176xf32, #tpu.memory_space<vmem_shared>> -> memref<3136xf32, #tpu.memory_space<vmem_shared>>
      tpu.enqueue_dma source(%arg18 : memref<3136xf32, #tpu.memory_space<vmem>>) target(%dma_start3A_120 : memref<3136xf32, #tpu.memory_space<vmem_shared>>) target_semaphore(%run_scoped3A : memref<!tpu.dma_semaphore, #tpu.memory_space<semaphore_mem>>)
      %dma_wait3A_121 = tpu.memref_slice %arg22[%mul3A_4] : memref<50176xf32, #tpu.memory_space<vmem_shared>> -> memref<3136xf32, #tpu.memory_space<vmem_shared>>
      %dma_wait3A_122 = tpu.memref_slice %arg22[%mul3A_4] : memref<50176xf32, #tpu.memory_space<vmem_shared>> -> memref<3136xf32, #tpu.memory_space<vmem_shared>>
      tpu.wait_dma2 semaphore(%run_scoped3A : memref<!tpu.dma_semaphore, #tpu.memory_space<semaphore_mem>>) src(%arg18 : memref<3136xf32, #tpu.memory_space<vmem>>) dst(%dma_wait3A_122 : memref<3136xf32, #tpu.memory_space<vmem_shared>>)
      tpu.yield
    }) : () -> ()
    "tpu.region"() ({
      %run_scoped3A = tpu.sem_alloc : memref<!tpu.dma_semaphore, #tpu.memory_space<semaphore_mem>>
      %dma_start3A_119 = tpu.memref_slice %arg6[%mul3A_4] : memref<50176xf32, #tpu.memory_space<hbm>> -> memref<3136xf32, #tpu.memory_space<hbm>>
      %dma_start3A_120 = tpu.memref_slice %arg6[%mul3A_4] : memref<50176xf32, #tpu.memory_space<hbm>> -> memref<3136xf32, #tpu.memory_space<hbm>>
      tpu.enqueue_dma source(%dma_start3A_120 : memref<3136xf32, #tpu.memory_space<hbm>>) target(%arg18 : memref<3136xf32, #tpu.memory_space<vmem>>) target_semaphore(%run_scoped3A : memref<!tpu.dma_semaphore, #tpu.memory_space<semaphore_mem>>)
      %dma_wait3A_121 = tpu.memref_slice %arg6[%mul3A_4] : memref<50176xf32, #tpu.memory_space<hbm>> -> memref<3136xf32, #tpu.memory_space<hbm>>
      %dma_wait3A_122 = tpu.memref_slice %arg6[%mul3A_4] : memref<50176xf32, #tpu.memory_space<hbm>> -> memref<3136xf32, #tpu.memory_space<hbm>>
      tpu.wait_dma2 semaphore(%run_scoped3A : memref<!tpu.dma_semaphore, #tpu.memory_space<semaphore_mem>>) src(%dma_wait3A_122 : memref<3136xf32, #tpu.memory_space<hbm>>) dst(%arg18 : memref<3136xf32, #tpu.memory_space<vmem>>)
      tpu.yield
    }) : () -> ()
    "tpu.region"() ({
      %run_scoped3A = tpu.sem_alloc : memref<!tpu.dma_semaphore, #tpu.memory_space<semaphore_mem>>
      %dma_start3A_119 = tpu.memref_slice %arg23[%mul3A_4] : memref<50176xf32, #tpu.memory_space<vmem_shared>> -> memref<3136xf32, #tpu.memory_space<vmem_shared>>
      %dma_start3A_120 = tpu.memref_slice %arg23[%mul3A_4] : memref<50176xf32, #tpu.memory_space<vmem_shared>> -> memref<3136xf32, #tpu.memory_space<vmem_shared>>
      tpu.enqueue_dma source(%arg18 : memref<3136xf32, #tpu.memory_space<vmem>>) target(%dma_start3A_120 : memref<3136xf32, #tpu.memory_space<vmem_shared>>) target_semaphore(%run_scoped3A : memref<!tpu.dma_semaphore, #tpu.memory_space<semaphore_mem>>)
      %dma_wait3A_121 = tpu.memref_slice %arg23[%mul3A_4] : memref<50176xf32, #tpu.memory_space<vmem_shared>> -> memref<3136xf32, #tpu.memory_space<vmem_shared>>
      %dma_wait3A_122 = tpu.memref_slice %arg23[%mul3A_4] : memref<50176xf32, #tpu.memory_space<vmem_shared>> -> memref<3136xf32, #tpu.memory_space<vmem_shared>>
      tpu.wait_dma2 semaphore(%run_scoped3A : memref<!tpu.dma_semaphore, #tpu.memory_space<semaphore_mem>>) src(%arg18 : memref<3136xf32, #tpu.memory_space<vmem>>) dst(%dma_wait3A_122 : memref<3136xf32, #tpu.memory_space<vmem_shared>>)
      tpu.yield
    }) : () -> ()
    "tpu.region"() ({
      %run_scoped3A = tpu.sem_alloc : memref<!tpu.dma_semaphore, #tpu.memory_space<semaphore_mem>>
      %dma_start3A_119 = tpu.memref_slice %arg7[%mul3A_4] : memref<50176xf32, #tpu.memory_space<hbm>> -> memref<3136xf32, #tpu.memory_space<hbm>>
      %dma_start3A_120 = tpu.memref_slice %arg7[%mul3A_4] : memref<50176xf32, #tpu.memory_space<hbm>> -> memref<3136xf32, #tpu.memory_space<hbm>>
      tpu.enqueue_dma source(%dma_start3A_120 : memref<3136xf32, #tpu.memory_space<hbm>>) target(%arg18 : memref<3136xf32, #tpu.memory_space<vmem>>) target_semaphore(%run_scoped3A : memref<!tpu.dma_semaphore, #tpu.memory_space<semaphore_mem>>)
      %dma_wait3A_121 = tpu.memref_slice %arg7[%mul3A_4] : memref<50176xf32, #tpu.memory_space<hbm>> -> memref<3136xf32, #tpu.memory_space<hbm>>
      %dma_wait3A_122 = tpu.memref_slice %arg7[%mul3A_4] : memref<50176xf32, #tpu.memory_space<hbm>> -> memref<3136xf32, #tpu.memory_space<hbm>>
      tpu.wait_dma2 semaphore(%run_scoped3A : memref<!tpu.dma_semaphore, #tpu.memory_space<semaphore_mem>>) src(%dma_wait3A_122 : memref<3136xf32, #tpu.memory_space<hbm>>) dst(%arg18 : memref<3136xf32, #tpu.memory_space<vmem>>)
      tpu.yield
    }) : () -> ()
    "tpu.region"() ({
      %run_scoped3A = tpu.sem_alloc : memref<!tpu.dma_semaphore, #tpu.memory_space<semaphore_mem>>
      %dma_start3A_119 = tpu.memref_slice %arg24[%mul3A_4] : memref<50176xf32, #tpu.memory_space<vmem_shared>> -> memref<3136xf32, #tpu.memory_space<vmem_shared>>
      %dma_start3A_120 = tpu.memref_slice %arg24[%mul3A_4] : memref<50176xf32, #tpu.memory_space<vmem_shared>> -> memref<3136xf32, #tpu.memory_space<vmem_shared>>
      tpu.enqueue_dma source(%arg18 : memref<3136xf32, #tpu.memory_space<vmem>>) target(%dma_start3A_120 : memref<3136xf32, #tpu.memory_space<vmem_shared>>) target_semaphore(%run_scoped3A : memref<!tpu.dma_semaphore, #tpu.memory_space<semaphore_mem>>)
      %dma_wait3A_121 = tpu.memref_slice %arg24[%mul3A_4] : memref<50176xf32, #tpu.memory_space<vmem_shared>> -> memref<3136xf32, #tpu.memory_space<vmem_shared>>
      %dma_wait3A_122 = tpu.memref_slice %arg24[%mul3A_4] : memref<50176xf32, #tpu.memory_space<vmem_shared>> -> memref<3136xf32, #tpu.memory_space<vmem_shared>>
      tpu.wait_dma2 semaphore(%run_scoped3A : memref<!tpu.dma_semaphore, #tpu.memory_space<semaphore_mem>>) src(%arg18 : memref<3136xf32, #tpu.memory_space<vmem>>) dst(%dma_wait3A_122 : memref<3136xf32, #tpu.memory_space<vmem_shared>>)
      tpu.yield
    }) : () -> ()
    %scan3A = arith.constant 0 : i32
    %scan3A_5 = arith.constant 196 : i32
    %scan3A_6 = arith.addi %scan3A, %scan3A_5 : i32
    %scan3A_7 = arith.constant 1 : i32
    scf.for %scan3A_119 = %scan3A to %scan3A_6 step %scan3A_7  : i32 {
      %mul3A_120 = arith.constant 1 : i32
      %mul3A_121 = arith.muli %scan3A_119, %mul3A_120 : i32
      %add3A_122 = arith.constant 0 : i32
      %add3A_123 = arith.addi %add3A_122, %mul3A_121 : i32
      %broadcast_in_dim3A = arith.constant 0.000000e+00 : f32
      %broadcast_in_dim3A_124 = vector.broadcast %broadcast_in_dim3A : f32 to vector<16xf32>
      %mul3A_125 = arith.constant 16 : i32
      %mul3A_126 = arith.muli %add3A_123, %mul3A_125 : i32
      %swap3A = arith.index_cast %mul3A_126 : i32 to index
      %swap3A_127 = tpu.vector_load %arg18[%swap3A] {strides = array<i32>} : memref<3136xf32, #tpu.memory_space<vmem>>, vector<16xf32>,
      %swap3A_128 = vector.shape_cast %swap3A_127 : vector<16xf32> to vector<16xf32>
      %swap3A_129 = vector.shape_cast %broadcast_in_dim3A_124 : vector<16xf32> to vector<16xf32>
      tpu.vector_store %arg18[%swap3A], %swap3A_129 {strides = array<i32>} : memref<3136xf32, #tpu.memory_space<vmem>>, vector<16xf32>,
    }
    %scan3A_8 = arith.constant 196 : i32
    "tpu.region"() ({
      %run_scoped3A = tpu.sem_alloc : memref<!tpu.dma_semaphore, #tpu.memory_space<semaphore_mem>>
      %dma_start3A_119 = tpu.memref_slice %arg19[%mul3A_4] : memref<50176xf32, #tpu.memory_space<vmem_shared>> -> memref<3136xf32, #tpu.memory_space<vmem_shared>>
      %dma_start3A_120 = tpu.memref_slice %arg19[%mul3A_4] : memref<50176xf32, #tpu.memory_space<vmem_shared>> -> memref<3136xf32, #tpu.memory_space<vmem_shared>>
      tpu.enqueue_dma source(%arg18 : memref<3136xf32, #tpu.memory_space<vmem>>) target(%dma_start3A_120 : memref<3136xf32, #tpu.memory_space<vmem_shared>>) target_semaphore(%run_scoped3A : memref<!tpu.dma_semaphore, #tpu.memory_space<semaphore_mem>>)
      %dma_wait3A_121 = tpu.memref_slice %arg19[%mul3A_4] : memref<50176xf32, #tpu.memory_space<vmem_shared>> -> memref<3136xf32, #tpu.memory_space<vmem_shared>>
      %dma_wait3A_122 = tpu.memref_slice %arg19[%mul3A_4] : memref<50176xf32, #tpu.memory_space<vmem_shared>> -> memref<3136xf32, #tpu.memory_space<vmem_shared>>
      tpu.wait_dma2 semaphore(%run_scoped3A : memref<!tpu.dma_semaphore, #tpu.memory_space<semaphore_mem>>) src(%arg18 : memref<3136xf32, #tpu.memory_space<vmem>>) dst(%dma_wait3A_122 : memref<3136xf32, #tpu.memory_space<vmem_shared>>)
      tpu.yield
    }) : () -> ()
    "tpu.region"() ({
      %run_scoped3A = tpu.sem_alloc : memref<!tpu.dma_semaphore, #tpu.memory_space<semaphore_mem>>
      %dma_start3A_119 = tpu.memref_slice %arg20[%mul3A_4] : memref<50176xf32, #tpu.memory_space<vmem_shared>> -> memref<3136xf32, #tpu.memory_space<vmem_shared>>
      %dma_start3A_120 = tpu.memref_slice %arg20[%mul3A_4] : memref<50176xf32, #tpu.memory_space<vmem_shared>> -> memref<3136xf32, #tpu.memory_space<vmem_shared>>
      tpu.enqueue_dma source(%arg18 : memref<3136xf32, #tpu.memory_space<vmem>>) target(%dma_start3A_120 : memref<3136xf32, #tpu.memory_space<vmem_shared>>) target_semaphore(%run_scoped3A : memref<!tpu.dma_semaphore, #tpu.memory_space<semaphore_mem>>)
      %dma_wait3A_121 = tpu.memref_slice %arg20[%mul3A_4] : memref<50176xf32, #tpu.memory_space<vmem_shared>> -> memref<3136xf32, #tpu.memory_space<vmem_shared>>
      %dma_wait3A_122 = tpu.memref_slice %arg20[%mul3A_4] : memref<50176xf32, #tpu.memory_space<vmem_shared>> -> memref<3136xf32, #tpu.memory_space<vmem_shared>>
      tpu.wait_dma2 semaphore(%run_scoped3A : memref<!tpu.dma_semaphore, #tpu.memory_space<semaphore_mem>>) src(%arg18 : memref<3136xf32, #tpu.memory_space<vmem>>) dst(%dma_wait3A_122 : memref<3136xf32, #tpu.memory_space<vmem_shared>>)
      tpu.yield
    }) : () -> ()
    "tpu.region"() ({
      %run_scoped3A = tpu.sem_alloc : memref<!tpu.dma_semaphore, #tpu.memory_space<semaphore_mem>>
      %dma_start3A_119 = tpu.memref_slice %arg21[%mul3A_4] : memref<50176xf32, #tpu.memory_space<vmem_shared>> -> memref<3136xf32, #tpu.memory_space<vmem_shared>>
      %dma_start3A_120 = tpu.memref_slice %arg21[%mul3A_4] : memref<50176xf32, #tpu.memory_space<vmem_shared>> -> memref<3136xf32, #tpu.memory_space<vmem_shared>>
      tpu.enqueue_dma source(%arg18 : memref<3136xf32, #tpu.memory_space<vmem>>) target(%dma_start3A_120 : memref<3136xf32, #tpu.memory_space<vmem_shared>>) target_semaphore(%run_scoped3A : memref<!tpu.dma_semaphore, #tpu.memory_space<semaphore_mem>>)
      %dma_wait3A_121 = tpu.memref_slice %arg21[%mul3A_4] : memref<50176xf32, #tpu.memory_space<vmem_shared>> -> memref<3136xf32, #tpu.memory_space<vmem_shared>>
      %dma_wait3A_122 = tpu.memref_slice %arg21[%mul3A_4] : memref<50176xf32, #tpu.memory_space<vmem_shared>> -> memref<3136xf32, #tpu.memory_space<vmem_shared>>
      tpu.wait_dma2 semaphore(%run_scoped3A : memref<!tpu.dma_semaphore, #tpu.memory_space<semaphore_mem>>) src(%arg18 : memref<3136xf32, #tpu.memory_space<vmem>>) dst(%dma_wait3A_122 : memref<3136xf32, #tpu.memory_space<vmem_shared>>)
      tpu.yield
    }) : () -> ()
    %barrier3A = arith.constant 0 : index
    tpu.barrier barrier_id(%barrier3A)
    %dma_start3A = arith.constant 0 : i32
    %dma_start3A_9 = tpu.memref_slice %arg22[%dma_start3A] : memref<50176xf32, #tpu.memory_space<vmem_shared>> -> memref<50176xf32, #tpu.memory_space<vmem_shared>>
    tpu.enqueue_indirect_dma source(%dma_start3A_9 : memref<50176xf32, #tpu.memory_space<vmem_shared>>) target(%arg12 : memref<9600xf32, #tpu.memory_space<vmem>>) offsets(%arg10 : memref<9600xi32, #tpu.memory_space<vmem>>) semaphore(%arg25 : memref<!tpu.dma_semaphore, #tpu.memory_space<semaphore_mem>>)
    %dma_start3A_10 = arith.constant 0 : i32
    %dma_start3A_11 = tpu.memref_slice %arg22[%dma_start3A_10] : memref<50176xf32, #tpu.memory_space<vmem_shared>> -> memref<50176xf32, #tpu.memory_space<vmem_shared>>
    tpu.enqueue_indirect_dma source(%dma_start3A_11 : memref<50176xf32, #tpu.memory_space<vmem_shared>>) target(%arg13 : memref<9600xf32, #tpu.memory_space<vmem>>) offsets(%arg9 : memref<9600xi32, #tpu.memory_space<vmem>>) semaphore(%arg26 : memref<!tpu.dma_semaphore, #tpu.memory_space<semaphore_mem>>)
    %dma_start3A_12 = arith.constant 0 : i32
    %dma_start3A_13 = tpu.memref_slice %arg23[%dma_start3A_12] : memref<50176xf32, #tpu.memory_space<vmem_shared>> -> memref<50176xf32, #tpu.memory_space<vmem_shared>>
    tpu.enqueue_indirect_dma source(%dma_start3A_13 : memref<50176xf32, #tpu.memory_space<vmem_shared>>) target(%arg14 : memref<9600xf32, #tpu.memory_space<vmem>>) offsets(%arg10 : memref<9600xi32, #tpu.memory_space<vmem>>) semaphore(%arg27 : memref<!tpu.dma_semaphore, #tpu.memory_space<semaphore_mem>>)
    %dma_start3A_14 = arith.constant 0 : i32
    %dma_start3A_15 = tpu.memref_slice %arg23[%dma_start3A_14] : memref<50176xf32, #tpu.memory_space<vmem_shared>> -> memref<50176xf32, #tpu.memory_space<vmem_shared>>
    tpu.enqueue_indirect_dma source(%dma_start3A_15 : memref<50176xf32, #tpu.memory_space<vmem_shared>>) target(%arg15 : memref<9600xf32, #tpu.memory_space<vmem>>) offsets(%arg9 : memref<9600xi32, #tpu.memory_space<vmem>>) semaphore(%arg28 : memref<!tpu.dma_semaphore, #tpu.memory_space<semaphore_mem>>)
    %dma_start3A_16 = arith.constant 0 : i32
    %dma_start3A_17 = tpu.memref_slice %arg24[%dma_start3A_16] : memref<50176xf32, #tpu.memory_space<vmem_shared>> -> memref<50176xf32, #tpu.memory_space<vmem_shared>>
    tpu.enqueue_indirect_dma source(%dma_start3A_17 : memref<50176xf32, #tpu.memory_space<vmem_shared>>) target(%arg16 : memref<9600xf32, #tpu.memory_space<vmem>>) offsets(%arg10 : memref<9600xi32, #tpu.memory_space<vmem>>) semaphore(%arg29 : memref<!tpu.dma_semaphore, #tpu.memory_space<semaphore_mem>>)
    %dma_start3A_18 = arith.constant 0 : i32
    %dma_start3A_19 = tpu.memref_slice %arg24[%dma_start3A_18] : memref<50176xf32, #tpu.memory_space<vmem_shared>> -> memref<50176xf32, #tpu.memory_space<vmem_shared>>
    tpu.enqueue_indirect_dma source(%dma_start3A_19 : memref<50176xf32, #tpu.memory_space<vmem_shared>>) target(%arg17 : memref<9600xf32, #tpu.memory_space<vmem>>) offsets(%arg9 : memref<9600xi32, #tpu.memory_space<vmem>>) semaphore(%arg30 : memref<!tpu.dma_semaphore, #tpu.memory_space<semaphore_mem>>)
    %dma_wait3A = arith.constant 0 : i32
    %dma_wait3A_20 = tpu.memref_slice %arg22[%dma_wait3A] : memref<50176xf32, #tpu.memory_space<vmem_shared>> -> memref<50176xf32, #tpu.memory_space<vmem_shared>>
    tpu.wait_indirect_dma semaphore(%arg25 : memref<!tpu.dma_semaphore, #tpu.memory_space<semaphore_mem>>) src(%dma_wait3A_20 : memref<50176xf32, #tpu.memory_space<vmem_shared>>) dst(%arg12 : memref<9600xf32, #tpu.memory_space<vmem>>)
    %scan3A_21 = arith.constant 0 : i32
    %scan3A_22 = arith.constant 600 : i32
    %scan3A_23 = arith.addi %scan3A_21, %scan3A_22 : i32
    %scan3A_24 = arith.constant 1 : i32
    scf.for %scan3A_119 = %scan3A_21 to %scan3A_23 step %scan3A_24  : i32 {
      %mul3A_120 = arith.constant 1 : i32
      %mul3A_121 = arith.muli %scan3A_119, %mul3A_120 : i32
      %add3A_122 = arith.constant 0 : i32
      %add3A_123 = arith.addi %add3A_122, %mul3A_121 : i32
      %mul3A_124 = arith.constant 16 : i32
      %mul3A_125 = arith.muli %add3A_123, %mul3A_124 : i32
      %get3A = arith.index_cast %mul3A_125 : i32 to index
      %get3A_126 = tpu.vector_load %arg11[%get3A] {strides = array<i32>} : memref<9600xf32, #tpu.memory_space<vmem>>, vector<16xf32>,
      %get3A_127 = vector.shape_cast %get3A_126 : vector<16xf32> to vector<16xf32>
      %mul3A_128 = arith.constant 16 : i32
      %mul3A_129 = arith.muli %add3A_123, %mul3A_128 : i32
      %get3A_130 = arith.index_cast %mul3A_129 : i32 to index
      %get3A_131 = tpu.vector_load %arg12[%get3A_130] {strides = array<i32>} : memref<9600xf32, #tpu.memory_space<vmem>>, vector<16xf32>,
      %get3A_132 = vector.shape_cast %get3A_131 : vector<16xf32> to vector<16xf32>
      %mul3A_133 = arith.mulf %get3A_127, %get3A_132 : vector<16xf32>
      %mul3A_134 = arith.constant 16 : i32
      %mul3A_135 = arith.muli %add3A_123, %mul3A_134 : i32
      %swap3A = arith.index_cast %mul3A_135 : i32 to index
      %swap3A_136 = tpu.vector_load %arg12[%swap3A] {strides = array<i32>} : memref<9600xf32, #tpu.memory_space<vmem>>, vector<16xf32>,
      %swap3A_137 = vector.shape_cast %swap3A_136 : vector<16xf32> to vector<16xf32>
      %swap3A_138 = vector.shape_cast %mul3A_133 : vector<16xf32> to vector<16xf32>
      tpu.vector_store %arg12[%swap3A], %swap3A_138 {strides = array<i32>} : memref<9600xf32, #tpu.memory_space<vmem>>, vector<16xf32>,
    }
    %scan3A_25 = arith.constant 600 : i32
    %dma_start3A_26 = arith.constant 0 : i32
    %dma_start3A_27 = tpu.memref_slice %arg19[%dma_start3A_26] : memref<50176xf32, #tpu.memory_space<vmem_shared>> -> memref<50176xf32, #tpu.memory_space<vmem_shared>>
    tpu.enqueue_indirect_dma source(%arg12 : memref<9600xf32, #tpu.memory_space<vmem>>) target(%dma_start3A_27 : memref<50176xf32, #tpu.memory_space<vmem_shared>>) offsets(%arg9 : memref<9600xi32, #tpu.memory_space<vmem>>) semaphore(%arg25 : memref<!tpu.dma_semaphore, #tpu.memory_space<semaphore_mem>>) {add = true}
    %dma_wait3A_28 = arith.constant 0 : i32
    %dma_wait3A_29 = tpu.memref_slice %arg22[%dma_wait3A_28] : memref<50176xf32, #tpu.memory_space<vmem_shared>> -> memref<50176xf32, #tpu.memory_space<vmem_shared>>
    tpu.wait_indirect_dma semaphore(%arg26 : memref<!tpu.dma_semaphore, #tpu.memory_space<semaphore_mem>>) src(%dma_wait3A_29 : memref<50176xf32, #tpu.memory_space<vmem_shared>>) dst(%arg13 : memref<9600xf32, #tpu.memory_space<vmem>>)
    %scan3A_30 = arith.constant 0 : i32
    %scan3A_31 = arith.constant 600 : i32
    %scan3A_32 = arith.addi %scan3A_30, %scan3A_31 : i32
    %scan3A_33 = arith.constant 1 : i32
    scf.for %scan3A_119 = %scan3A_30 to %scan3A_32 step %scan3A_33  : i32 {
      %mul3A_120 = arith.constant 1 : i32
      %mul3A_121 = arith.muli %scan3A_119, %mul3A_120 : i32
      %add3A_122 = arith.constant 0 : i32
      %add3A_123 = arith.addi %add3A_122, %mul3A_121 : i32
      %mul3A_124 = arith.constant 16 : i32
      %mul3A_125 = arith.muli %add3A_123, %mul3A_124 : i32
      %get3A = arith.index_cast %mul3A_125 : i32 to index
      %get3A_126 = tpu.vector_load %arg11[%get3A] {strides = array<i32>} : memref<9600xf32, #tpu.memory_space<vmem>>, vector<16xf32>,
      %get3A_127 = vector.shape_cast %get3A_126 : vector<16xf32> to vector<16xf32>
      %mul3A_128 = arith.constant 16 : i32
      %mul3A_129 = arith.muli %add3A_123, %mul3A_128 : i32
      %get3A_130 = arith.index_cast %mul3A_129 : i32 to index
      %get3A_131 = tpu.vector_load %arg13[%get3A_130] {strides = array<i32>} : memref<9600xf32, #tpu.memory_space<vmem>>, vector<16xf32>,
      %get3A_132 = vector.shape_cast %get3A_131 : vector<16xf32> to vector<16xf32>
      %mul3A_133 = arith.mulf %get3A_127, %get3A_132 : vector<16xf32>
      %mul3A_134 = arith.constant 16 : i32
      %mul3A_135 = arith.muli %add3A_123, %mul3A_134 : i32
      %swap3A = arith.index_cast %mul3A_135 : i32 to index
      %swap3A_136 = tpu.vector_load %arg13[%swap3A] {strides = array<i32>} : memref<9600xf32, #tpu.memory_space<vmem>>, vector<16xf32>,
      %swap3A_137 = vector.shape_cast %swap3A_136 : vector<16xf32> to vector<16xf32>
      %swap3A_138 = vector.shape_cast %mul3A_133 : vector<16xf32> to vector<16xf32>
      tpu.vector_store %arg13[%swap3A], %swap3A_138 {strides = array<i32>} : memref<9600xf32, #tpu.memory_space<vmem>>, vector<16xf32>,
    }
    %scan3A_34 = arith.constant 600 : i32
    %dma_start3A_35 = arith.constant 0 : i32
    %dma_start3A_36 = tpu.memref_slice %arg19[%dma_start3A_35] : memref<50176xf32, #tpu.memory_space<vmem_shared>> -> memref<50176xf32, #tpu.memory_space<vmem_shared>>
    tpu.enqueue_indirect_dma source(%arg13 : memref<9600xf32, #tpu.memory_space<vmem>>) target(%dma_start3A_36 : memref<50176xf32, #tpu.memory_space<vmem_shared>>) offsets(%arg10 : memref<9600xi32, #tpu.memory_space<vmem>>) semaphore(%arg26 : memref<!tpu.dma_semaphore, #tpu.memory_space<semaphore_mem>>) {add = true}
    %dma_wait3A_37 = arith.constant 0 : i32
    %dma_wait3A_38 = tpu.memref_slice %arg23[%dma_wait3A_37] : memref<50176xf32, #tpu.memory_space<vmem_shared>> -> memref<50176xf32, #tpu.memory_space<vmem_shared>>
    tpu.wait_indirect_dma semaphore(%arg27 : memref<!tpu.dma_semaphore, #tpu.memory_space<semaphore_mem>>) src(%dma_wait3A_38 : memref<50176xf32, #tpu.memory_space<vmem_shared>>) dst(%arg14 : memref<9600xf32, #tpu.memory_space<vmem>>)
    %scan3A_39 = arith.constant 0 : i32
    %scan3A_40 = arith.constant 600 : i32
    %scan3A_41 = arith.addi %scan3A_39, %scan3A_40 : i32
    %scan3A_42 = arith.constant 1 : i32
    scf.for %scan3A_119 = %scan3A_39 to %scan3A_41 step %scan3A_42  : i32 {
      %mul3A_120 = arith.constant 1 : i32
      %mul3A_121 = arith.muli %scan3A_119, %mul3A_120 : i32
      %add3A_122 = arith.constant 0 : i32
      %add3A_123 = arith.addi %add3A_122, %mul3A_121 : i32
      %mul3A_124 = arith.constant 16 : i32
      %mul3A_125 = arith.muli %add3A_123, %mul3A_124 : i32
      %get3A = arith.index_cast %mul3A_125 : i32 to index
      %get3A_126 = tpu.vector_load %arg11[%get3A] {strides = array<i32>} : memref<9600xf32, #tpu.memory_space<vmem>>, vector<16xf32>,
      %get3A_127 = vector.shape_cast %get3A_126 : vector<16xf32> to vector<16xf32>
      %mul3A_128 = arith.constant 16 : i32
      %mul3A_129 = arith.muli %add3A_123, %mul3A_128 : i32
      %get3A_130 = arith.index_cast %mul3A_129 : i32 to index
      %get3A_131 = tpu.vector_load %arg14[%get3A_130] {strides = array<i32>} : memref<9600xf32, #tpu.memory_space<vmem>>, vector<16xf32>,
      %get3A_132 = vector.shape_cast %get3A_131 : vector<16xf32> to vector<16xf32>
      %mul3A_133 = arith.mulf %get3A_127, %get3A_132 : vector<16xf32>
      %mul3A_134 = arith.constant 16 : i32
      %mul3A_135 = arith.muli %add3A_123, %mul3A_134 : i32
      %swap3A = arith.index_cast %mul3A_135 : i32 to index
      %swap3A_136 = tpu.vector_load %arg14[%swap3A] {strides = array<i32>} : memref<9600xf32, #tpu.memory_space<vmem>>, vector<16xf32>,
      %swap3A_137 = vector.shape_cast %swap3A_136 : vector<16xf32> to vector<16xf32>
      %swap3A_138 = vector.shape_cast %mul3A_133 : vector<16xf32> to vector<16xf32>
      tpu.vector_store %arg14[%swap3A], %swap3A_138 {strides = array<i32>} : memref<9600xf32, #tpu.memory_space<vmem>>, vector<16xf32>,
    }
    %scan3A_43 = arith.constant 600 : i32
    %dma_start3A_44 = arith.constant 0 : i32
    %dma_start3A_45 = tpu.memref_slice %arg20[%dma_start3A_44] : memref<50176xf32, #tpu.memory_space<vmem_shared>> -> memref<50176xf32, #tpu.memory_space<vmem_shared>>
    tpu.enqueue_indirect_dma source(%arg14 : memref<9600xf32, #tpu.memory_space<vmem>>) target(%dma_start3A_45 : memref<50176xf32, #tpu.memory_space<vmem_shared>>) offsets(%arg9 : memref<9600xi32, #tpu.memory_space<vmem>>) semaphore(%arg27 : memref<!tpu.dma_semaphore, #tpu.memory_space<semaphore_mem>>) {add = true}
    %dma_wait3A_46 = arith.constant 0 : i32
    %dma_wait3A_47 = tpu.memref_slice %arg23[%dma_wait3A_46] : memref<50176xf32, #tpu.memory_space<vmem_shared>> -> memref<50176xf32, #tpu.memory_space<vmem_shared>>
    tpu.wait_indirect_dma semaphore(%arg28 : memref<!tpu.dma_semaphore, #tpu.memory_space<semaphore_mem>>) src(%dma_wait3A_47 : memref<50176xf32, #tpu.memory_space<vmem_shared>>) dst(%arg15 : memref<9600xf32, #tpu.memory_space<vmem>>)
    %scan3A_48 = arith.constant 0 : i32
    %scan3A_49 = arith.constant 600 : i32
    %scan3A_50 = arith.addi %scan3A_48, %scan3A_49 : i32
    %scan3A_51 = arith.constant 1 : i32
    scf.for %scan3A_119 = %scan3A_48 to %scan3A_50 step %scan3A_51  : i32 {
      %mul3A_120 = arith.constant 1 : i32
      %mul3A_121 = arith.muli %scan3A_119, %mul3A_120 : i32
      %add3A_122 = arith.constant 0 : i32
      %add3A_123 = arith.addi %add3A_122, %mul3A_121 : i32
      %mul3A_124 = arith.constant 16 : i32
      %mul3A_125 = arith.muli %add3A_123, %mul3A_124 : i32
      %get3A = arith.index_cast %mul3A_125 : i32 to index
      %get3A_126 = tpu.vector_load %arg11[%get3A] {strides = array<i32>} : memref<9600xf32, #tpu.memory_space<vmem>>, vector<16xf32>,
      %get3A_127 = vector.shape_cast %get3A_126 : vector<16xf32> to vector<16xf32>
      %mul3A_128 = arith.constant 16 : i32
      %mul3A_129 = arith.muli %add3A_123, %mul3A_128 : i32
      %get3A_130 = arith.index_cast %mul3A_129 : i32 to index
      %get3A_131 = tpu.vector_load %arg15[%get3A_130] {strides = array<i32>} : memref<9600xf32, #tpu.memory_space<vmem>>, vector<16xf32>,
      %get3A_132 = vector.shape_cast %get3A_131 : vector<16xf32> to vector<16xf32>
      %mul3A_133 = arith.mulf %get3A_127, %get3A_132 : vector<16xf32>
      %mul3A_134 = arith.constant 16 : i32
      %mul3A_135 = arith.muli %add3A_123, %mul3A_134 : i32
      %swap3A = arith.index_cast %mul3A_135 : i32 to index
      %swap3A_136 = tpu.vector_load %arg15[%swap3A] {strides = array<i32>} : memref<9600xf32, #tpu.memory_space<vmem>>, vector<16xf32>,
      %swap3A_137 = vector.shape_cast %swap3A_136 : vector<16xf32> to vector<16xf32>
      %swap3A_138 = vector.shape_cast %mul3A_133 : vector<16xf32> to vector<16xf32>
      tpu.vector_store %arg15[%swap3A], %swap3A_138 {strides = array<i32>} : memref<9600xf32, #tpu.memory_space<vmem>>, vector<16xf32>,
    }
    %scan3A_52 = arith.constant 600 : i32
    %dma_start3A_53 = arith.constant 0 : i32
    %dma_start3A_54 = tpu.memref_slice %arg20[%dma_start3A_53] : memref<50176xf32, #tpu.memory_space<vmem_shared>> -> memref<50176xf32, #tpu.memory_space<vmem_shared>>
    tpu.enqueue_indirect_dma source(%arg15 : memref<9600xf32, #tpu.memory_space<vmem>>) target(%dma_start3A_54 : memref<50176xf32, #tpu.memory_space<vmem_shared>>) offsets(%arg10 : memref<9600xi32, #tpu.memory_space<vmem>>) semaphore(%arg28 : memref<!tpu.dma_semaphore, #tpu.memory_space<semaphore_mem>>) {add = true}
    %dma_wait3A_55 = arith.constant 0 : i32
    %dma_wait3A_56 = tpu.memref_slice %arg24[%dma_wait3A_55] : memref<50176xf32, #tpu.memory_space<vmem_shared>> -> memref<50176xf32, #tpu.memory_space<vmem_shared>>
    tpu.wait_indirect_dma semaphore(%arg29 : memref<!tpu.dma_semaphore, #tpu.memory_space<semaphore_mem>>) src(%dma_wait3A_56 : memref<50176xf32, #tpu.memory_space<vmem_shared>>) dst(%arg16 : memref<9600xf32, #tpu.memory_space<vmem>>)
    %scan3A_57 = arith.constant 0 : i32
    %scan3A_58 = arith.constant 600 : i32
    %scan3A_59 = arith.addi %scan3A_57, %scan3A_58 : i32
    %scan3A_60 = arith.constant 1 : i32
    scf.for %scan3A_119 = %scan3A_57 to %scan3A_59 step %scan3A_60  : i32 {
      %mul3A_120 = arith.constant 1 : i32
      %mul3A_121 = arith.muli %scan3A_119, %mul3A_120 : i32
      %add3A_122 = arith.constant 0 : i32
      %add3A_123 = arith.addi %add3A_122, %mul3A_121 : i32
      %mul3A_124 = arith.constant 16 : i32
      %mul3A_125 = arith.muli %add3A_123, %mul3A_124 : i32
      %get3A = arith.index_cast %mul3A_125 : i32 to index
      %get3A_126 = tpu.vector_load %arg11[%get3A] {strides = array<i32>} : memref<9600xf32, #tpu.memory_space<vmem>>, vector<16xf32>,
      %get3A_127 = vector.shape_cast %get3A_126 : vector<16xf32> to vector<16xf32>
      %mul3A_128 = arith.constant 16 : i32
      %mul3A_129 = arith.muli %add3A_123, %mul3A_128 : i32
      %get3A_130 = arith.index_cast %mul3A_129 : i32 to index
      %get3A_131 = tpu.vector_load %arg16[%get3A_130] {strides = array<i32>} : memref<9600xf32, #tpu.memory_space<vmem>>, vector<16xf32>,
      %get3A_132 = vector.shape_cast %get3A_131 : vector<16xf32> to vector<16xf32>
      %mul3A_133 = arith.mulf %get3A_127, %get3A_132 : vector<16xf32>
      %mul3A_134 = arith.constant 16 : i32
      %mul3A_135 = arith.muli %add3A_123, %mul3A_134 : i32
      %swap3A = arith.index_cast %mul3A_135 : i32 to index
      %swap3A_136 = tpu.vector_load %arg16[%swap3A] {strides = array<i32>} : memref<9600xf32, #tpu.memory_space<vmem>>, vector<16xf32>,
      %swap3A_137 = vector.shape_cast %swap3A_136 : vector<16xf32> to vector<16xf32>
      %swap3A_138 = vector.shape_cast %mul3A_133 : vector<16xf32> to vector<16xf32>
      tpu.vector_store %arg16[%swap3A], %swap3A_138 {strides = array<i32>} : memref<9600xf32, #tpu.memory_space<vmem>>, vector<16xf32>,
    }
    %scan3A_61 = arith.constant 600 : i32
    %dma_start3A_62 = arith.constant 0 : i32
    %dma_start3A_63 = tpu.memref_slice %arg21[%dma_start3A_62] : memref<50176xf32, #tpu.memory_space<vmem_shared>> -> memref<50176xf32, #tpu.memory_space<vmem_shared>>
    tpu.enqueue_indirect_dma source(%arg16 : memref<9600xf32, #tpu.memory_space<vmem>>) target(%dma_start3A_63 : memref<50176xf32, #tpu.memory_space<vmem_shared>>) offsets(%arg9 : memref<9600xi32, #tpu.memory_space<vmem>>) semaphore(%arg29 : memref<!tpu.dma_semaphore, #tpu.memory_space<semaphore_mem>>) {add = true}
    %dma_wait3A_64 = arith.constant 0 : i32
    %dma_wait3A_65 = tpu.memref_slice %arg24[%dma_wait3A_64] : memref<50176xf32, #tpu.memory_space<vmem_shared>> -> memref<50176xf32, #tpu.memory_space<vmem_shared>>
    tpu.wait_indirect_dma semaphore(%arg30 : memref<!tpu.dma_semaphore, #tpu.memory_space<semaphore_mem>>) src(%dma_wait3A_65 : memref<50176xf32, #tpu.memory_space<vmem_shared>>) dst(%arg17 : memref<9600xf32, #tpu.memory_space<vmem>>)
    %scan3A_66 = arith.constant 0 : i32
    %scan3A_67 = arith.constant 600 : i32
    %scan3A_68 = arith.addi %scan3A_66, %scan3A_67 : i32
    %scan3A_69 = arith.constant 1 : i32
    scf.for %scan3A_119 = %scan3A_66 to %scan3A_68 step %scan3A_69  : i32 {
      %mul3A_120 = arith.constant 1 : i32
      %mul3A_121 = arith.muli %scan3A_119, %mul3A_120 : i32
      %add3A_122 = arith.constant 0 : i32
      %add3A_123 = arith.addi %add3A_122, %mul3A_121 : i32
      %mul3A_124 = arith.constant 16 : i32
      %mul3A_125 = arith.muli %add3A_123, %mul3A_124 : i32
      %get3A = arith.index_cast %mul3A_125 : i32 to index
      %get3A_126 = tpu.vector_load %arg11[%get3A] {strides = array<i32>} : memref<9600xf32, #tpu.memory_space<vmem>>, vector<16xf32>,
      %get3A_127 = vector.shape_cast %get3A_126 : vector<16xf32> to vector<16xf32>
      %mul3A_128 = arith.constant 16 : i32
      %mul3A_129 = arith.muli %add3A_123, %mul3A_128 : i32
      %get3A_130 = arith.index_cast %mul3A_129 : i32 to index
      %get3A_131 = tpu.vector_load %arg17[%get3A_130] {strides = array<i32>} : memref<9600xf32, #tpu.memory_space<vmem>>, vector<16xf32>,
      %get3A_132 = vector.shape_cast %get3A_131 : vector<16xf32> to vector<16xf32>
      %mul3A_133 = arith.mulf %get3A_127, %get3A_132 : vector<16xf32>
      %mul3A_134 = arith.constant 16 : i32
      %mul3A_135 = arith.muli %add3A_123, %mul3A_134 : i32
      %swap3A = arith.index_cast %mul3A_135 : i32 to index
      %swap3A_136 = tpu.vector_load %arg17[%swap3A] {strides = array<i32>} : memref<9600xf32, #tpu.memory_space<vmem>>, vector<16xf32>,
      %swap3A_137 = vector.shape_cast %swap3A_136 : vector<16xf32> to vector<16xf32>
      %swap3A_138 = vector.shape_cast %mul3A_133 : vector<16xf32> to vector<16xf32>
      tpu.vector_store %arg17[%swap3A], %swap3A_138 {strides = array<i32>} : memref<9600xf32, #tpu.memory_space<vmem>>, vector<16xf32>,
    }
    %scan3A_70 = arith.constant 600 : i32
    %dma_start3A_71 = arith.constant 0 : i32
    %dma_start3A_72 = tpu.memref_slice %arg21[%dma_start3A_71] : memref<50176xf32, #tpu.memory_space<vmem_shared>> -> memref<50176xf32, #tpu.memory_space<vmem_shared>>
    tpu.enqueue_indirect_dma source(%arg17 : memref<9600xf32, #tpu.memory_space<vmem>>) target(%dma_start3A_72 : memref<50176xf32, #tpu.memory_space<vmem_shared>>) offsets(%arg10 : memref<9600xi32, #tpu.memory_space<vmem>>) semaphore(%arg30 : memref<!tpu.dma_semaphore, #tpu.memory_space<semaphore_mem>>) {add = true}
    %dma_wait3A_73 = arith.constant 0 : i32
    %dma_wait3A_74 = tpu.memref_slice %arg19[%dma_wait3A_73] : memref<50176xf32, #tpu.memory_space<vmem_shared>> -> memref<50176xf32, #tpu.memory_space<vmem_shared>>
    tpu.wait_indirect_dma semaphore(%arg25 : memref<!tpu.dma_semaphore, #tpu.memory_space<semaphore_mem>>) src(%arg12 : memref<9600xf32, #tpu.memory_space<vmem>>) dst(%dma_wait3A_74 : memref<50176xf32, #tpu.memory_space<vmem_shared>>)
    %dma_wait3A_75 = arith.constant 0 : i32
    %dma_wait3A_76 = tpu.memref_slice %arg19[%dma_wait3A_75] : memref<50176xf32, #tpu.memory_space<vmem_shared>> -> memref<50176xf32, #tpu.memory_space<vmem_shared>>
    tpu.wait_indirect_dma semaphore(%arg26 : memref<!tpu.dma_semaphore, #tpu.memory_space<semaphore_mem>>) src(%arg13 : memref<9600xf32, #tpu.memory_space<vmem>>) dst(%dma_wait3A_76 : memref<50176xf32, #tpu.memory_space<vmem_shared>>)
    %dma_wait3A_77 = arith.constant 0 : i32
    %dma_wait3A_78 = tpu.memref_slice %arg20[%dma_wait3A_77] : memref<50176xf32, #tpu.memory_space<vmem_shared>> -> memref<50176xf32, #tpu.memory_space<vmem_shared>>
    tpu.wait_indirect_dma semaphore(%arg27 : memref<!tpu.dma_semaphore, #tpu.memory_space<semaphore_mem>>) src(%arg14 : memref<9600xf32, #tpu.memory_space<vmem>>) dst(%dma_wait3A_78 : memref<50176xf32, #tpu.memory_space<vmem_shared>>)
    %dma_wait3A_79 = arith.constant 0 : i32
    %dma_wait3A_80 = tpu.memref_slice %arg20[%dma_wait3A_79] : memref<50176xf32, #tpu.memory_space<vmem_shared>> -> memref<50176xf32, #tpu.memory_space<vmem_shared>>
    tpu.wait_indirect_dma semaphore(%arg28 : memref<!tpu.dma_semaphore, #tpu.memory_space<semaphore_mem>>) src(%arg15 : memref<9600xf32, #tpu.memory_space<vmem>>) dst(%dma_wait3A_80 : memref<50176xf32, #tpu.memory_space<vmem_shared>>)
    %dma_wait3A_81 = arith.constant 0 : i32
    %dma_wait3A_82 = tpu.memref_slice %arg21[%dma_wait3A_81] : memref<50176xf32, #tpu.memory_space<vmem_shared>> -> memref<50176xf32, #tpu.memory_space<vmem_shared>>
    tpu.wait_indirect_dma semaphore(%arg29 : memref<!tpu.dma_semaphore, #tpu.memory_space<semaphore_mem>>) src(%arg16 : memref<9600xf32, #tpu.memory_space<vmem>>) dst(%dma_wait3A_82 : memref<50176xf32, #tpu.memory_space<vmem_shared>>)
    %dma_wait3A_83 = arith.constant 0 : i32
    %dma_wait3A_84 = tpu.memref_slice %arg21[%dma_wait3A_83] : memref<50176xf32, #tpu.memory_space<vmem_shared>> -> memref<50176xf32, #tpu.memory_space<vmem_shared>>
    tpu.wait_indirect_dma semaphore(%arg30 : memref<!tpu.dma_semaphore, #tpu.memory_space<semaphore_mem>>) src(%arg17 : memref<9600xf32, #tpu.memory_space<vmem>>) dst(%dma_wait3A_84 : memref<50176xf32, #tpu.memory_space<vmem_shared>>)
    %barrier3A_85 = arith.constant 0 : index
    tpu.barrier barrier_id(%barrier3A_85)
    %mul3A_86 = arith.constant 3136 : i32
    %mul3A_87 = arith.muli %arg1, %mul3A_86 : i32
    "tpu.region"() ({
      %run_scoped3A = tpu.sem_alloc : memref<!tpu.dma_semaphore, #tpu.memory_space<semaphore_mem>>
      %dma_start3A_119 = tpu.memref_slice %arg19[%mul3A_87] : memref<50176xf32, #tpu.memory_space<vmem_shared>> -> memref<3136xf32, #tpu.memory_space<vmem_shared>>
      %dma_start3A_120 = tpu.memref_slice %arg19[%mul3A_87] : memref<50176xf32, #tpu.memory_space<vmem_shared>> -> memref<3136xf32, #tpu.memory_space<vmem_shared>>
      tpu.enqueue_dma source(%dma_start3A_120 : memref<3136xf32, #tpu.memory_space<vmem_shared>>) target(%arg18 : memref<3136xf32, #tpu.memory_space<vmem>>) target_semaphore(%run_scoped3A : memref<!tpu.dma_semaphore, #tpu.memory_space<semaphore_mem>>)
      %dma_wait3A_121 = tpu.memref_slice %arg19[%mul3A_87] : memref<50176xf32, #tpu.memory_space<vmem_shared>> -> memref<3136xf32, #tpu.memory_space<vmem_shared>>
      %dma_wait3A_122 = tpu.memref_slice %arg19[%mul3A_87] : memref<50176xf32, #tpu.memory_space<vmem_shared>> -> memref<3136xf32, #tpu.memory_space<vmem_shared>>
      tpu.wait_dma2 semaphore(%run_scoped3A : memref<!tpu.dma_semaphore, #tpu.memory_space<semaphore_mem>>) src(%dma_wait3A_122 : memref<3136xf32, #tpu.memory_space<vmem_shared>>) dst(%arg18 : memref<3136xf32, #tpu.memory_space<vmem>>)
      tpu.yield
    }) : () -> ()
    %mul3A_88 = arith.constant 3 : i32
    %mul3A_89 = arith.muli %arg0, %mul3A_88 : i32
    %add3A_90 = arith.constant 0 : i32
    %add3A_91 = arith.addi %mul3A_89, %add3A_90 : i32
    %mul3A_92 = arith.constant 50176 : i32
    %mul3A_93 = arith.muli %add3A_91, %mul3A_92 : i32
    %mul3A_94 = arith.constant 3136 : i32
    %mul3A_95 = arith.muli %arg1, %mul3A_94 : i32
    %add3A_96 = arith.addi %mul3A_93, %mul3A_95 : i32
    "tpu.region"() ({
      %run_scoped3A = tpu.sem_alloc : memref<!tpu.dma_semaphore, #tpu.memory_space<semaphore_mem>>
      %dma_start3A_119 = tpu.memref_slice %arg8[%add3A_96] : memref<301056xf32, #tpu.memory_space<hbm>> -> memref<3136xf32, #tpu.memory_space<hbm>>
      %dma_start3A_120 = tpu.memref_slice %arg8[%add3A_96] : memref<301056xf32, #tpu.memory_space<hbm>> -> memref<3136xf32, #tpu.memory_space<hbm>>
      tpu.enqueue_dma source(%arg18 : memref<3136xf32, #tpu.memory_space<vmem>>) target(%dma_start3A_120 : memref<3136xf32, #tpu.memory_space<hbm>>) target_semaphore(%run_scoped3A : memref<!tpu.dma_semaphore, #tpu.memory_space<semaphore_mem>>)
      %dma_wait3A_121 = tpu.memref_slice %arg8[%add3A_96] : memref<301056xf32, #tpu.memory_space<hbm>> -> memref<3136xf32, #tpu.memory_space<hbm>>
      %dma_wait3A_122 = tpu.memref_slice %arg8[%add3A_96] : memref<301056xf32, #tpu.memory_space<hbm>> -> memref<3136xf32, #tpu.memory_space<hbm>>
      tpu.wait_dma2 semaphore(%run_scoped3A : memref<!tpu.dma_semaphore, #tpu.memory_space<semaphore_mem>>) src(%arg18 : memref<3136xf32, #tpu.memory_space<vmem>>) dst(%dma_wait3A_122 : memref<3136xf32, #tpu.memory_space<hbm>>)
      tpu.yield
    }) : () -> ()
    %mul3A_97 = arith.constant 3136 : i32
    %mul3A_98 = arith.muli %arg1, %mul3A_97 : i32
    "tpu.region"() ({
      %run_scoped3A = tpu.sem_alloc : memref<!tpu.dma_semaphore, #tpu.memory_space<semaphore_mem>>
      %dma_start3A_119 = tpu.memref_slice %arg20[%mul3A_98] : memref<50176xf32, #tpu.memory_space<vmem_shared>> -> memref<3136xf32, #tpu.memory_space<vmem_shared>>
      %dma_start3A_120 = tpu.memref_slice %arg20[%mul3A_98] : memref<50176xf32, #tpu.memory_space<vmem_shared>> -> memref<3136xf32, #tpu.memory_space<vmem_shared>>
      tpu.enqueue_dma source(%dma_start3A_120 : memref<3136xf32, #tpu.memory_space<vmem_shared>>) target(%arg18 : memref<3136xf32, #tpu.memory_space<vmem>>) target_semaphore(%run_scoped3A : memref<!tpu.dma_semaphore, #tpu.memory_space<semaphore_mem>>)
      %dma_wait3A_121 = tpu.memref_slice %arg20[%mul3A_98] : memref<50176xf32, #tpu.memory_space<vmem_shared>> -> memref<3136xf32, #tpu.memory_space<vmem_shared>>
      %dma_wait3A_122 = tpu.memref_slice %arg20[%mul3A_98] : memref<50176xf32, #tpu.memory_space<vmem_shared>> -> memref<3136xf32, #tpu.memory_space<vmem_shared>>
      tpu.wait_dma2 semaphore(%run_scoped3A : memref<!tpu.dma_semaphore, #tpu.memory_space<semaphore_mem>>) src(%dma_wait3A_122 : memref<3136xf32, #tpu.memory_space<vmem_shared>>) dst(%arg18 : memref<3136xf32, #tpu.memory_space<vmem>>)
      tpu.yield
    }) : () -> ()
    %mul3A_99 = arith.constant 3 : i32
    %mul3A_100 = arith.muli %arg0, %mul3A_99 : i32
    %add3A_101 = arith.constant 1 : i32
    %add3A_102 = arith.addi %mul3A_100, %add3A_101 : i32
    %mul3A_103 = arith.constant 50176 : i32
    %mul3A_104 = arith.muli %add3A_102, %mul3A_103 : i32
    %mul3A_105 = arith.constant 3136 : i32
    %mul3A_106 = arith.muli %arg1, %mul3A_105 : i32
    %add3A_107 = arith.addi %mul3A_104, %mul3A_106 : i32
    "tpu.region"() ({
      %run_scoped3A = tpu.sem_alloc : memref<!tpu.dma_semaphore, #tpu.memory_space<semaphore_mem>>
      %dma_start3A_119 = tpu.memref_slice %arg8[%add3A_107] : memref<301056xf32, #tpu.memory_space<hbm>> -> memref<3136xf32, #tpu.memory_space<hbm>>
      %dma_start3A_120 = tpu.memref_slice %arg8[%add3A_107] : memref<301056xf32, #tpu.memory_space<hbm>> -> memref<3136xf32, #tpu.memory_space<hbm>>
      tpu.enqueue_dma source(%arg18 : memref<3136xf32, #tpu.memory_space<vmem>>) target(%dma_start3A_120 : memref<3136xf32, #tpu.memory_space<hbm>>) target_semaphore(%run_scoped3A : memref<!tpu.dma_semaphore, #tpu.memory_space<semaphore_mem>>)
      %dma_wait3A_121 = tpu.memref_slice %arg8[%add3A_107] : memref<301056xf32, #tpu.memory_space<hbm>> -> memref<3136xf32, #tpu.memory_space<hbm>>
      %dma_wait3A_122 = tpu.memref_slice %arg8[%add3A_107] : memref<301056xf32, #tpu.memory_space<hbm>> -> memref<3136xf32, #tpu.memory_space<hbm>>
      tpu.wait_dma2 semaphore(%run_scoped3A : memref<!tpu.dma_semaphore, #tpu.memory_space<semaphore_mem>>) src(%arg18 : memref<3136xf32, #tpu.memory_space<vmem>>) dst(%dma_wait3A_122 : memref<3136xf32, #tpu.memory_space<hbm>>)
      tpu.yield
    }) : () -> ()
    %mul3A_108 = arith.constant 3136 : i32
    %mul3A_109 = arith.muli %arg1, %mul3A_108 : i32
    "tpu.region"() ({
      %run_scoped3A = tpu.sem_alloc : memref<!tpu.dma_semaphore, #tpu.memory_space<semaphore_mem>>
      %dma_start3A_119 = tpu.memref_slice %arg21[%mul3A_109] : memref<50176xf32, #tpu.memory_space<vmem_shared>> -> memref<3136xf32, #tpu.memory_space<vmem_shared>>
      %dma_start3A_120 = tpu.memref_slice %arg21[%mul3A_109] : memref<50176xf32, #tpu.memory_space<vmem_shared>> -> memref<3136xf32, #tpu.memory_space<vmem_shared>>
      tpu.enqueue_dma source(%dma_start3A_120 : memref<3136xf32, #tpu.memory_space<vmem_shared>>) target(%arg18 : memref<3136xf32, #tpu.memory_space<vmem>>) target_semaphore(%run_scoped3A : memref<!tpu.dma_semaphore, #tpu.memory_space<semaphore_mem>>)
      %dma_wait3A_121 = tpu.memref_slice %arg21[%mul3A_109] : memref<50176xf32, #tpu.memory_space<vmem_shared>> -> memref<3136xf32, #tpu.memory_space<vmem_shared>>
      %dma_wait3A_122 = tpu.memref_slice %arg21[%mul3A_109] : memref<50176xf32, #tpu.memory_space<vmem_shared>> -> memref<3136xf32, #tpu.memory_space<vmem_shared>>
      tpu.wait_dma2 semaphore(%run_scoped3A : memref<!tpu.dma_semaphore, #tpu.memory_space<semaphore_mem>>) src(%dma_wait3A_122 : memref<3136xf32, #tpu.memory_space<vmem_shared>>) dst(%arg18 : memref<3136xf32, #tpu.memory_space<vmem>>)
      tpu.yield
    }) : () -> ()
    %mul3A_110 = arith.constant 3 : i32
    %mul3A_111 = arith.muli %arg0, %mul3A_110 : i32
    %add3A_112 = arith.constant 2 : i32
    %add3A_113 = arith.addi %mul3A_111, %add3A_112 : i32
    %mul3A_114 = arith.constant 50176 : i32
    %mul3A_115 = arith.muli %add3A_113, %mul3A_114 : i32
    %mul3A_116 = arith.constant 3136 : i32
    %mul3A_117 = arith.muli %arg1, %mul3A_116 : i32
    %add3A_118 = arith.addi %mul3A_115, %mul3A_117 : i32
    "tpu.region"() ({
      %run_scoped3A = tpu.sem_alloc : memref<!tpu.dma_semaphore, #tpu.memory_space<semaphore_mem>>
      %dma_start3A_119 = tpu.memref_slice %arg8[%add3A_118] : memref<301056xf32, #tpu.memory_space<hbm>> -> memref<3136xf32, #tpu.memory_space<hbm>>
      %dma_start3A_120 = tpu.memref_slice %arg8[%add3A_118] : memref<301056xf32, #tpu.memory_space<hbm>> -> memref<3136xf32, #tpu.memory_space<hbm>>
      tpu.enqueue_dma source(%arg18 : memref<3136xf32, #tpu.memory_space<vmem>>) target(%dma_start3A_120 : memref<3136xf32, #tpu.memory_space<hbm>>) target_semaphore(%run_scoped3A : memref<!tpu.dma_semaphore, #tpu.memory_space<semaphore_mem>>)
      %dma_wait3A_121 = tpu.memref_slice %arg8[%add3A_118] : memref<301056xf32, #tpu.memory_space<hbm>> -> memref<3136xf32, #tpu.memory_space<hbm>>
      %dma_wait3A_122 = tpu.memref_slice %arg8[%add3A_118] : memref<301056xf32, #tpu.memory_space<hbm>> -> memref<3136xf32, #tpu.memory_space<hbm>>
      tpu.wait_dma2 semaphore(%run_scoped3A : memref<!tpu.dma_semaphore, #tpu.memory_space<semaphore_mem>>) src(%arg18 : memref<3136xf32, #tpu.memory_space<vmem>>) dst(%dma_wait3A_122 : memref<3136xf32, #tpu.memory_space<hbm>>)
      tpu.yield
    }) : () -> ()
    return
  }
}

#map = affine_map<(d0, d1) -> (0)>
module attributes {stable_mosaic.version = 14 : i64} {
  func.func @_msg_body(%arg0: i32, %arg1: i32, %arg2: memref<307200xi32, #tpu.memory_space<hbm>>, %arg3: memref<307200xi32, #tpu.memory_space<hbm>>, %arg4: memref<307200xf32, #tpu.memory_space<hbm>>, %arg5: memref<50176xf32, #tpu.memory_space<hbm>>, %arg6: memref<50176xf32, #tpu.memory_space<hbm>>, %arg7: memref<50176xf32, #tpu.memory_space<hbm>>, %arg8: memref<301056xf32, #tpu.memory_space<hbm>>, %arg9: memref<9600xi32, #tpu.memory_space<vmem>>, %arg10: memref<9600xi32, #tpu.memory_space<vmem>>, %arg11: memref<9600xf32, #tpu.memory_space<vmem>>, %arg12: memref<9600xf32, #tpu.memory_space<vmem>>, %arg13: memref<9600xf32, #tpu.memory_space<vmem>>, %arg14: memref<9600xf32, #tpu.memory_space<vmem>>, %arg15: memref<9600xf32, #tpu.memory_space<vmem>>, %arg16: memref<9600xf32, #tpu.memory_space<vmem>>, %arg17: memref<9600xf32, #tpu.memory_space<vmem>>, %arg18: memref<3136xf32, #tpu.memory_space<vmem>>, %arg19: memref<50176xf32, #tpu.memory_space<vmem_shared>>, %arg20: memref<50176xf32, #tpu.memory_space<vmem_shared>>, %arg21: memref<50176xf32, #tpu.memory_space<vmem_shared>>, %arg22: memref<50176xf32, #tpu.memory_space<vmem_shared>>, %arg23: memref<50176xf32, #tpu.memory_space<vmem_shared>>, %arg24: memref<50176xf32, #tpu.memory_space<vmem_shared>>, %arg25: memref<!tpu.dma_semaphore, #tpu.memory_space<semaphore_mem>>, %arg26: memref<!tpu.dma_semaphore, #tpu.memory_space<semaphore_mem>>, %arg27: memref<!tpu.dma_semaphore, #tpu.memory_space<semaphore_mem>>, %arg28: memref<!tpu.dma_semaphore, #tpu.memory_space<semaphore_mem>>, %arg29: memref<!tpu.dma_semaphore, #tpu.memory_space<semaphore_mem>>, %arg30: memref<!tpu.dma_semaphore, #tpu.memory_space<semaphore_mem>>) attributes {dimension_semantics = [#tpu.dimension_semantics<core_parallel>, #tpu.dimension_semantics<subcore_parallel>], iteration_bounds = array<i64: 2, 16>, scalar_prefetch = 0 : i64, scratch_operands = 22 : i64, tpu.core_type = #tpu.core_type<sc_vector_subcore>, window_params = [{transform_indices = #map}, {transform_indices = #map}, {transform_indices = #map}, {transform_indices = #map}, {transform_indices = #map}, {transform_indices = #map}, {transform_indices = #map}]} {
    %mul3A = arith.constant 2 : i32
    %mul3A_0 = arith.muli %arg1, %mul3A : i32
    %add3A = arith.addi %mul3A_0, %arg0 : i32
    %mul3A_1 = arith.constant 9600 : i32
    %mul3A_2 = arith.muli %add3A, %mul3A_1 : i32
    "tpu.region"() ({
      %run_scoped3A = tpu.sem_alloc : memref<!tpu.dma_semaphore, #tpu.memory_space<semaphore_mem>>
      %dma_start3A_119 = tpu.memref_slice %arg2[%mul3A_2] : memref<307200xi32, #tpu.memory_space<hbm>> -> memref<9600xi32, #tpu.memory_space<hbm>>
      %dma_start3A_120 = tpu.memref_slice %arg2[%mul3A_2] : memref<307200xi32, #tpu.memory_space<hbm>> -> memref<9600xi32, #tpu.memory_space<hbm>>
      tpu.enqueue_dma source(%dma_start3A_120 : memref<9600xi32, #tpu.memory_space<hbm>>) target(%arg9 : memref<9600xi32, #tpu.memory_space<vmem>>) target_semaphore(%run_scoped3A : memref<!tpu.dma_semaphore, #tpu.memory_space<semaphore_mem>>)
      %dma_wait3A_121 = tpu.memref_slice %arg2[%mul3A_2] : memref<307200xi32, #tpu.memory_space<hbm>> -> memref<9600xi32, #tpu.memory_space<hbm>>
      %dma_wait3A_122 = tpu.memref_slice %arg2[%mul3A_2] : memref<307200xi32, #tpu.memory_space<hbm>> -> memref<9600xi32, #tpu.memory_space<hbm>>
      tpu.wait_dma2 semaphore(%run_scoped3A : memref<!tpu.dma_semaphore, #tpu.memory_space<semaphore_mem>>) src(%dma_wait3A_122 : memref<9600xi32, #tpu.memory_space<hbm>>) dst(%arg9 : memref<9600xi32, #tpu.memory_space<vmem>>)
      tpu.yield
    }) : () -> ()
    "tpu.region"() ({
      %run_scoped3A = tpu.sem_alloc : memref<!tpu.dma_semaphore, #tpu.memory_space<semaphore_mem>>
      %dma_start3A_119 = tpu.memref_slice %arg3[%mul3A_2] : memref<307200xi32, #tpu.memory_space<hbm>> -> memref<9600xi32, #tpu.memory_space<hbm>>
      %dma_start3A_120 = tpu.memref_slice %arg3[%mul3A_2] : memref<307200xi32, #tpu.memory_space<hbm>> -> memref<9600xi32, #tpu.memory_space<hbm>>
      tpu.enqueue_dma source(%dma_start3A_120 : memref<9600xi32, #tpu.memory_space<hbm>>) target(%arg10 : memref<9600xi32, #tpu.memory_space<vmem>>) target_semaphore(%run_scoped3A : memref<!tpu.dma_semaphore, #tpu.memory_space<semaphore_mem>>)
      %dma_wait3A_121 = tpu.memref_slice %arg3[%mul3A_2] : memref<307200xi32, #tpu.memory_space<hbm>> -> memref<9600xi32, #tpu.memory_space<hbm>>
      %dma_wait3A_122 = tpu.memref_slice %arg3[%mul3A_2] : memref<307200xi32, #tpu.memory_space<hbm>> -> memref<9600xi32, #tpu.memory_space<hbm>>
      tpu.wait_dma2 semaphore(%run_scoped3A : memref<!tpu.dma_semaphore, #tpu.memory_space<semaphore_mem>>) src(%dma_wait3A_122 : memref<9600xi32, #tpu.memory_space<hbm>>) dst(%arg10 : memref<9600xi32, #tpu.memory_space<vmem>>)
      tpu.yield
    }) : () -> ()
    "tpu.region"() ({
      %run_scoped3A = tpu.sem_alloc : memref<!tpu.dma_semaphore, #tpu.memory_space<semaphore_mem>>
      %dma_start3A_119 = tpu.memref_slice %arg4[%mul3A_2] : memref<307200xf32, #tpu.memory_space<hbm>> -> memref<9600xf32, #tpu.memory_space<hbm>>
      %dma_start3A_120 = tpu.memref_slice %arg4[%mul3A_2] : memref<307200xf32, #tpu.memory_space<hbm>> -> memref<9600xf32, #tpu.memory_space<hbm>>
      tpu.enqueue_dma source(%dma_start3A_120 : memref<9600xf32, #tpu.memory_space<hbm>>) target(%arg11 : memref<9600xf32, #tpu.memory_space<vmem>>) target_semaphore(%run_scoped3A : memref<!tpu.dma_semaphore, #tpu.memory_space<semaphore_mem>>)
      %dma_wait3A_121 = tpu.memref_slice %arg4[%mul3A_2] : memref<307200xf32, #tpu.memory_space<hbm>> -> memref<9600xf32, #tpu.memory_space<hbm>>
      %dma_wait3A_122 = tpu.memref_slice %arg4[%mul3A_2] : memref<307200xf32, #tpu.memory_space<hbm>> -> memref<9600xf32, #tpu.memory_space<hbm>>
      tpu.wait_dma2 semaphore(%run_scoped3A : memref<!tpu.dma_semaphore, #tpu.memory_space<semaphore_mem>>) src(%dma_wait3A_122 : memref<9600xf32, #tpu.memory_space<hbm>>) dst(%arg11 : memref<9600xf32, #tpu.memory_space<vmem>>)
      tpu.yield
    }) : () -> ()
    %mul3A_3 = arith.constant 3136 : i32
    %mul3A_4 = arith.muli %arg1, %mul3A_3 : i32
    "tpu.region"() ({
      %run_scoped3A = tpu.sem_alloc : memref<!tpu.dma_semaphore, #tpu.memory_space<semaphore_mem>>
      %dma_start3A_119 = tpu.memref_slice %arg5[%mul3A_4] : memref<50176xf32, #tpu.memory_space<hbm>> -> memref<3136xf32, #tpu.memory_space<hbm>>
      %dma_start3A_120 = tpu.memref_slice %arg5[%mul3A_4] : memref<50176xf32, #tpu.memory_space<hbm>> -> memref<3136xf32, #tpu.memory_space<hbm>>
      tpu.enqueue_dma source(%dma_start3A_120 : memref<3136xf32, #tpu.memory_space<hbm>>) target(%arg18 : memref<3136xf32, #tpu.memory_space<vmem>>) target_semaphore(%run_scoped3A : memref<!tpu.dma_semaphore, #tpu.memory_space<semaphore_mem>>)
      %dma_wait3A_121 = tpu.memref_slice %arg5[%mul3A_4] : memref<50176xf32, #tpu.memory_space<hbm>> -> memref<3136xf32, #tpu.memory_space<hbm>>
      %dma_wait3A_122 = tpu.memref_slice %arg5[%mul3A_4] : memref<50176xf32, #tpu.memory_space<hbm>> -> memref<3136xf32, #tpu.memory_space<hbm>>
      tpu.wait_dma2 semaphore(%run_scoped3A : memref<!tpu.dma_semaphore, #tpu.memory_space<semaphore_mem>>) src(%dma_wait3A_122 : memref<3136xf32, #tpu.memory_space<hbm>>) dst(%arg18 : memref<3136xf32, #tpu.memory_space<vmem>>)
      tpu.yield
    }) : () -> ()
    "tpu.region"() ({
      %run_scoped3A = tpu.sem_alloc : memref<!tpu.dma_semaphore, #tpu.memory_space<semaphore_mem>>
      %dma_start3A_119 = tpu.memref_slice %arg22[%mul3A_4] : memref<50176xf32, #tpu.memory_space<vmem_shared>> -> memref<3136xf32, #tpu.memory_space<vmem_shared>>
      %dma_start3A_120 = tpu.memref_slice %arg22[%mul3A_4] : memref<50176xf32, #tpu.memory_space<vmem_shared>> -> memref<3136xf32, #tpu.memory_space<vmem_shared>>
      tpu.enqueue_dma source(%arg18 : memref<3136xf32, #tpu.memory_space<vmem>>) target(%dma_start3A_120 : memref<3136xf32, #tpu.memory_space<vmem_shared>>) target_semaphore(%run_scoped3A : memref<!tpu.dma_semaphore, #tpu.memory_space<semaphore_mem>>)
      %dma_wait3A_121 = tpu.memref_slice %arg22[%mul3A_4] : memref<50176xf32, #tpu.memory_space<vmem_shared>> -> memref<3136xf32, #tpu.memory_space<vmem_shared>>
      %dma_wait3A_122 = tpu.memref_slice %arg22[%mul3A_4] : memref<50176xf32, #tpu.memory_space<vmem_shared>> -> memref<3136xf32, #tpu.memory_space<vmem_shared>>
      tpu.wait_dma2 semaphore(%run_scoped3A : memref<!tpu.dma_semaphore, #tpu.memory_space<semaphore_mem>>) src(%arg18 : memref<3136xf32, #tpu.memory_space<vmem>>) dst(%dma_wait3A_122 : memref<3136xf32, #tpu.memory_space<vmem_shared>>)
      tpu.yield
    }) : () -> ()
    "tpu.region"() ({
      %run_scoped3A = tpu.sem_alloc : memref<!tpu.dma_semaphore, #tpu.memory_space<semaphore_mem>>
      %dma_start3A_119 = tpu.memref_slice %arg6[%mul3A_4] : memref<50176xf32, #tpu.memory_space<hbm>> -> memref<3136xf32, #tpu.memory_space<hbm>>
      %dma_start3A_120 = tpu.memref_slice %arg6[%mul3A_4] : memref<50176xf32, #tpu.memory_space<hbm>> -> memref<3136xf32, #tpu.memory_space<hbm>>
      tpu.enqueue_dma source(%dma_start3A_120 : memref<3136xf32, #tpu.memory_space<hbm>>) target(%arg18 : memref<3136xf32, #tpu.memory_space<vmem>>) target_semaphore(%run_scoped3A : memref<!tpu.dma_semaphore, #tpu.memory_space<semaphore_mem>>)
      %dma_wait3A_121 = tpu.memref_slice %arg6[%mul3A_4] : memref<50176xf32, #tpu.memory_space<hbm>> -> memref<3136xf32, #tpu.memory_space<hbm>>
      %dma_wait3A_122 = tpu.memref_slice %arg6[%mul3A_4] : memref<50176xf32, #tpu.memory_space<hbm>> -> memref<3136xf32, #tpu.memory_space<hbm>>
      tpu.wait_dma2 semaphore(%run_scoped3A : memref<!tpu.dma_semaphore, #tpu.memory_space<semaphore_mem>>) src(%dma_wait3A_122 : memref<3136xf32, #tpu.memory_space<hbm>>) dst(%arg18 : memref<3136xf32, #tpu.memory_space<vmem>>)
      tpu.yield
    }) : () -> ()
    "tpu.region"() ({
      %run_scoped3A = tpu.sem_alloc : memref<!tpu.dma_semaphore, #tpu.memory_space<semaphore_mem>>
      %dma_start3A_119 = tpu.memref_slice %arg23[%mul3A_4] : memref<50176xf32, #tpu.memory_space<vmem_shared>> -> memref<3136xf32, #tpu.memory_space<vmem_shared>>
      %dma_start3A_120 = tpu.memref_slice %arg23[%mul3A_4] : memref<50176xf32, #tpu.memory_space<vmem_shared>> -> memref<3136xf32, #tpu.memory_space<vmem_shared>>
      tpu.enqueue_dma source(%arg18 : memref<3136xf32, #tpu.memory_space<vmem>>) target(%dma_start3A_120 : memref<3136xf32, #tpu.memory_space<vmem_shared>>) target_semaphore(%run_scoped3A : memref<!tpu.dma_semaphore, #tpu.memory_space<semaphore_mem>>)
      %dma_wait3A_121 = tpu.memref_slice %arg23[%mul3A_4] : memref<50176xf32, #tpu.memory_space<vmem_shared>> -> memref<3136xf32, #tpu.memory_space<vmem_shared>>
      %dma_wait3A_122 = tpu.memref_slice %arg23[%mul3A_4] : memref<50176xf32, #tpu.memory_space<vmem_shared>> -> memref<3136xf32, #tpu.memory_space<vmem_shared>>
      tpu.wait_dma2 semaphore(%run_scoped3A : memref<!tpu.dma_semaphore, #tpu.memory_space<semaphore_mem>>) src(%arg18 : memref<3136xf32, #tpu.memory_space<vmem>>) dst(%dma_wait3A_122 : memref<3136xf32, #tpu.memory_space<vmem_shared>>)
      tpu.yield
    }) : () -> ()
    "tpu.region"() ({
      %run_scoped3A = tpu.sem_alloc : memref<!tpu.dma_semaphore, #tpu.memory_space<semaphore_mem>>
      %dma_start3A_119 = tpu.memref_slice %arg7[%mul3A_4] : memref<50176xf32, #tpu.memory_space<hbm>> -> memref<3136xf32, #tpu.memory_space<hbm>>
      %dma_start3A_120 = tpu.memref_slice %arg7[%mul3A_4] : memref<50176xf32, #tpu.memory_space<hbm>> -> memref<3136xf32, #tpu.memory_space<hbm>>
      tpu.enqueue_dma source(%dma_start3A_120 : memref<3136xf32, #tpu.memory_space<hbm>>) target(%arg18 : memref<3136xf32, #tpu.memory_space<vmem>>) target_semaphore(%run_scoped3A : memref<!tpu.dma_semaphore, #tpu.memory_space<semaphore_mem>>)
      %dma_wait3A_121 = tpu.memref_slice %arg7[%mul3A_4] : memref<50176xf32, #tpu.memory_space<hbm>> -> memref<3136xf32, #tpu.memory_space<hbm>>
      %dma_wait3A_122 = tpu.memref_slice %arg7[%mul3A_4] : memref<50176xf32, #tpu.memory_space<hbm>> -> memref<3136xf32, #tpu.memory_space<hbm>>
      tpu.wait_dma2 semaphore(%run_scoped3A : memref<!tpu.dma_semaphore, #tpu.memory_space<semaphore_mem>>) src(%dma_wait3A_122 : memref<3136xf32, #tpu.memory_space<hbm>>) dst(%arg18 : memref<3136xf32, #tpu.memory_space<vmem>>)
      tpu.yield
    }) : () -> ()
    "tpu.region"() ({
      %run_scoped3A = tpu.sem_alloc : memref<!tpu.dma_semaphore, #tpu.memory_space<semaphore_mem>>
      %dma_start3A_119 = tpu.memref_slice %arg24[%mul3A_4] : memref<50176xf32, #tpu.memory_space<vmem_shared>> -> memref<3136xf32, #tpu.memory_space<vmem_shared>>
      %dma_start3A_120 = tpu.memref_slice %arg24[%mul3A_4] : memref<50176xf32, #tpu.memory_space<vmem_shared>> -> memref<3136xf32, #tpu.memory_space<vmem_shared>>
      tpu.enqueue_dma source(%arg18 : memref<3136xf32, #tpu.memory_space<vmem>>) target(%dma_start3A_120 : memref<3136xf32, #tpu.memory_space<vmem_shared>>) target_semaphore(%run_scoped3A : memref<!tpu.dma_semaphore, #tpu.memory_space<semaphore_mem>>)
      %dma_wait3A_121 = tpu.memref_slice %arg24[%mul3A_4] : memref<50176xf32, #tpu.memory_space<vmem_shared>> -> memref<3136xf32, #tpu.memory_space<vmem_shared>>
      %dma_wait3A_122 = tpu.memref_slice %arg24[%mul3A_4] : memref<50176xf32, #tpu.memory_space<vmem_shared>> -> memref<3136xf32, #tpu.memory_space<vmem_shared>>
      tpu.wait_dma2 semaphore(%run_scoped3A : memref<!tpu.dma_semaphore, #tpu.memory_space<semaphore_mem>>) src(%arg18 : memref<3136xf32, #tpu.memory_space<vmem>>) dst(%dma_wait3A_122 : memref<3136xf32, #tpu.memory_space<vmem_shared>>)
      tpu.yield
    }) : () -> ()
    %scan3A = arith.constant 0 : i32
    %scan3A_5 = arith.constant 196 : i32
    %scan3A_6 = arith.addi %scan3A, %scan3A_5 : i32
    %scan3A_7 = arith.constant 1 : i32
    scf.for %scan3A_119 = %scan3A to %scan3A_6 step %scan3A_7  : i32 {
      %mul3A_120 = arith.constant 1 : i32
      %mul3A_121 = arith.muli %scan3A_119, %mul3A_120 : i32
      %add3A_122 = arith.constant 0 : i32
      %add3A_123 = arith.addi %add3A_122, %mul3A_121 : i32
      %broadcast_in_dim3A = arith.constant 0.000000e+00 : f32
      %broadcast_in_dim3A_124 = vector.broadcast %broadcast_in_dim3A : f32 to vector<16xf32>
      %mul3A_125 = arith.constant 16 : i32
      %mul3A_126 = arith.muli %add3A_123, %mul3A_125 : i32
      %swap3A = arith.index_cast %mul3A_126 : i32 to index
      %swap3A_127 = tpu.vector_load %arg18[%swap3A] {strides = array<i32>} : memref<3136xf32, #tpu.memory_space<vmem>>, vector<16xf32>,
      %swap3A_128 = vector.shape_cast %swap3A_127 : vector<16xf32> to vector<16xf32>
      %swap3A_129 = vector.shape_cast %broadcast_in_dim3A_124 : vector<16xf32> to vector<16xf32>
      tpu.vector_store %arg18[%swap3A], %swap3A_129 {strides = array<i32>} : memref<3136xf32, #tpu.memory_space<vmem>>, vector<16xf32>,
    }
    %scan3A_8 = arith.constant 196 : i32
    "tpu.region"() ({
      %run_scoped3A = tpu.sem_alloc : memref<!tpu.dma_semaphore, #tpu.memory_space<semaphore_mem>>
      %dma_start3A_119 = tpu.memref_slice %arg19[%mul3A_4] : memref<50176xf32, #tpu.memory_space<vmem_shared>> -> memref<3136xf32, #tpu.memory_space<vmem_shared>>
      %dma_start3A_120 = tpu.memref_slice %arg19[%mul3A_4] : memref<50176xf32, #tpu.memory_space<vmem_shared>> -> memref<3136xf32, #tpu.memory_space<vmem_shared>>
      tpu.enqueue_dma source(%arg18 : memref<3136xf32, #tpu.memory_space<vmem>>) target(%dma_start3A_120 : memref<3136xf32, #tpu.memory_space<vmem_shared>>) target_semaphore(%run_scoped3A : memref<!tpu.dma_semaphore, #tpu.memory_space<semaphore_mem>>)
      %dma_wait3A_121 = tpu.memref_slice %arg19[%mul3A_4] : memref<50176xf32, #tpu.memory_space<vmem_shared>> -> memref<3136xf32, #tpu.memory_space<vmem_shared>>
      %dma_wait3A_122 = tpu.memref_slice %arg19[%mul3A_4] : memref<50176xf32, #tpu.memory_space<vmem_shared>> -> memref<3136xf32, #tpu.memory_space<vmem_shared>>
      tpu.wait_dma2 semaphore(%run_scoped3A : memref<!tpu.dma_semaphore, #tpu.memory_space<semaphore_mem>>) src(%arg18 : memref<3136xf32, #tpu.memory_space<vmem>>) dst(%dma_wait3A_122 : memref<3136xf32, #tpu.memory_space<vmem_shared>>)
      tpu.yield
    }) : () -> ()
    "tpu.region"() ({
      %run_scoped3A = tpu.sem_alloc : memref<!tpu.dma_semaphore, #tpu.memory_space<semaphore_mem>>
      %dma_start3A_119 = tpu.memref_slice %arg20[%mul3A_4] : memref<50176xf32, #tpu.memory_space<vmem_shared>> -> memref<3136xf32, #tpu.memory_space<vmem_shared>>
      %dma_start3A_120 = tpu.memref_slice %arg20[%mul3A_4] : memref<50176xf32, #tpu.memory_space<vmem_shared>> -> memref<3136xf32, #tpu.memory_space<vmem_shared>>
      tpu.enqueue_dma source(%arg18 : memref<3136xf32, #tpu.memory_space<vmem>>) target(%dma_start3A_120 : memref<3136xf32, #tpu.memory_space<vmem_shared>>) target_semaphore(%run_scoped3A : memref<!tpu.dma_semaphore, #tpu.memory_space<semaphore_mem>>)
      %dma_wait3A_121 = tpu.memref_slice %arg20[%mul3A_4] : memref<50176xf32, #tpu.memory_space<vmem_shared>> -> memref<3136xf32, #tpu.memory_space<vmem_shared>>
      %dma_wait3A_122 = tpu.memref_slice %arg20[%mul3A_4] : memref<50176xf32, #tpu.memory_space<vmem_shared>> -> memref<3136xf32, #tpu.memory_space<vmem_shared>>
      tpu.wait_dma2 semaphore(%run_scoped3A : memref<!tpu.dma_semaphore, #tpu.memory_space<semaphore_mem>>) src(%arg18 : memref<3136xf32, #tpu.memory_space<vmem>>) dst(%dma_wait3A_122 : memref<3136xf32, #tpu.memory_space<vmem_shared>>)
      tpu.yield
    }) : () -> ()
    "tpu.region"() ({
      %run_scoped3A = tpu.sem_alloc : memref<!tpu.dma_semaphore, #tpu.memory_space<semaphore_mem>>
      %dma_start3A_119 = tpu.memref_slice %arg21[%mul3A_4] : memref<50176xf32, #tpu.memory_space<vmem_shared>> -> memref<3136xf32, #tpu.memory_space<vmem_shared>>
      %dma_start3A_120 = tpu.memref_slice %arg21[%mul3A_4] : memref<50176xf32, #tpu.memory_space<vmem_shared>> -> memref<3136xf32, #tpu.memory_space<vmem_shared>>
      tpu.enqueue_dma source(%arg18 : memref<3136xf32, #tpu.memory_space<vmem>>) target(%dma_start3A_120 : memref<3136xf32, #tpu.memory_space<vmem_shared>>) target_semaphore(%run_scoped3A : memref<!tpu.dma_semaphore, #tpu.memory_space<semaphore_mem>>)
      %dma_wait3A_121 = tpu.memref_slice %arg21[%mul3A_4] : memref<50176xf32, #tpu.memory_space<vmem_shared>> -> memref<3136xf32, #tpu.memory_space<vmem_shared>>
      %dma_wait3A_122 = tpu.memref_slice %arg21[%mul3A_4] : memref<50176xf32, #tpu.memory_space<vmem_shared>> -> memref<3136xf32, #tpu.memory_space<vmem_shared>>
      tpu.wait_dma2 semaphore(%run_scoped3A : memref<!tpu.dma_semaphore, #tpu.memory_space<semaphore_mem>>) src(%arg18 : memref<3136xf32, #tpu.memory_space<vmem>>) dst(%dma_wait3A_122 : memref<3136xf32, #tpu.memory_space<vmem_shared>>)
      tpu.yield
    }) : () -> ()
    %barrier3A = arith.constant 0 : index
    tpu.barrier barrier_id(%barrier3A)
    %dma_start3A = arith.constant 0 : i32
    %dma_start3A_9 = tpu.memref_slice %arg22[%dma_start3A] : memref<50176xf32, #tpu.memory_space<vmem_shared>> -> memref<50176xf32, #tpu.memory_space<vmem_shared>>
    tpu.enqueue_indirect_dma source(%dma_start3A_9 : memref<50176xf32, #tpu.memory_space<vmem_shared>>) target(%arg12 : memref<9600xf32, #tpu.memory_space<vmem>>) offsets(%arg10 : memref<9600xi32, #tpu.memory_space<vmem>>) semaphore(%arg25 : memref<!tpu.dma_semaphore, #tpu.memory_space<semaphore_mem>>)
    %dma_start3A_10 = arith.constant 0 : i32
    %dma_start3A_11 = tpu.memref_slice %arg22[%dma_start3A_10] : memref<50176xf32, #tpu.memory_space<vmem_shared>> -> memref<50176xf32, #tpu.memory_space<vmem_shared>>
    tpu.enqueue_indirect_dma source(%dma_start3A_11 : memref<50176xf32, #tpu.memory_space<vmem_shared>>) target(%arg13 : memref<9600xf32, #tpu.memory_space<vmem>>) offsets(%arg9 : memref<9600xi32, #tpu.memory_space<vmem>>) semaphore(%arg26 : memref<!tpu.dma_semaphore, #tpu.memory_space<semaphore_mem>>)
    %dma_start3A_12 = arith.constant 0 : i32
    %dma_start3A_13 = tpu.memref_slice %arg23[%dma_start3A_12] : memref<50176xf32, #tpu.memory_space<vmem_shared>> -> memref<50176xf32, #tpu.memory_space<vmem_shared>>
    tpu.enqueue_indirect_dma source(%dma_start3A_13 : memref<50176xf32, #tpu.memory_space<vmem_shared>>) target(%arg14 : memref<9600xf32, #tpu.memory_space<vmem>>) offsets(%arg10 : memref<9600xi32, #tpu.memory_space<vmem>>) semaphore(%arg27 : memref<!tpu.dma_semaphore, #tpu.memory_space<semaphore_mem>>)
    %dma_start3A_14 = arith.constant 0 : i32
    %dma_start3A_15 = tpu.memref_slice %arg23[%dma_start3A_14] : memref<50176xf32, #tpu.memory_space<vmem_shared>> -> memref<50176xf32, #tpu.memory_space<vmem_shared>>
    tpu.enqueue_indirect_dma source(%dma_start3A_15 : memref<50176xf32, #tpu.memory_space<vmem_shared>>) target(%arg15 : memref<9600xf32, #tpu.memory_space<vmem>>) offsets(%arg9 : memref<9600xi32, #tpu.memory_space<vmem>>) semaphore(%arg28 : memref<!tpu.dma_semaphore, #tpu.memory_space<semaphore_mem>>)
    %dma_start3A_16 = arith.constant 0 : i32
    %dma_start3A_17 = tpu.memref_slice %arg24[%dma_start3A_16] : memref<50176xf32, #tpu.memory_space<vmem_shared>> -> memref<50176xf32, #tpu.memory_space<vmem_shared>>
    tpu.enqueue_indirect_dma source(%dma_start3A_17 : memref<50176xf32, #tpu.memory_space<vmem_shared>>) target(%arg16 : memref<9600xf32, #tpu.memory_space<vmem>>) offsets(%arg10 : memref<9600xi32, #tpu.memory_space<vmem>>) semaphore(%arg29 : memref<!tpu.dma_semaphore, #tpu.memory_space<semaphore_mem>>)
    %dma_start3A_18 = arith.constant 0 : i32
    %dma_start3A_19 = tpu.memref_slice %arg24[%dma_start3A_18] : memref<50176xf32, #tpu.memory_space<vmem_shared>> -> memref<50176xf32, #tpu.memory_space<vmem_shared>>
    tpu.enqueue_indirect_dma source(%dma_start3A_19 : memref<50176xf32, #tpu.memory_space<vmem_shared>>) target(%arg17 : memref<9600xf32, #tpu.memory_space<vmem>>) offsets(%arg9 : memref<9600xi32, #tpu.memory_space<vmem>>) semaphore(%arg30 : memref<!tpu.dma_semaphore, #tpu.memory_space<semaphore_mem>>)
    %dma_wait3A = arith.constant 0 : i32
    %dma_wait3A_20 = tpu.memref_slice %arg22[%dma_wait3A] : memref<50176xf32, #tpu.memory_space<vmem_shared>> -> memref<50176xf32, #tpu.memory_space<vmem_shared>>
    tpu.wait_indirect_dma semaphore(%arg25 : memref<!tpu.dma_semaphore, #tpu.memory_space<semaphore_mem>>) src(%dma_wait3A_20 : memref<50176xf32, #tpu.memory_space<vmem_shared>>) dst(%arg12 : memref<9600xf32, #tpu.memory_space<vmem>>)
    %scan3A_21 = arith.constant 0 : i32
    %scan3A_22 = arith.constant 600 : i32
    %scan3A_23 = arith.addi %scan3A_21, %scan3A_22 : i32
    %scan3A_24 = arith.constant 1 : i32
    scf.for %scan3A_119 = %scan3A_21 to %scan3A_23 step %scan3A_24  : i32 {
      %mul3A_120 = arith.constant 1 : i32
      %mul3A_121 = arith.muli %scan3A_119, %mul3A_120 : i32
      %add3A_122 = arith.constant 0 : i32
      %add3A_123 = arith.addi %add3A_122, %mul3A_121 : i32
      %mul3A_124 = arith.constant 16 : i32
      %mul3A_125 = arith.muli %add3A_123, %mul3A_124 : i32
      %get3A = arith.index_cast %mul3A_125 : i32 to index
      %get3A_126 = tpu.vector_load %arg11[%get3A] {strides = array<i32>} : memref<9600xf32, #tpu.memory_space<vmem>>, vector<16xf32>,
      %get3A_127 = vector.shape_cast %get3A_126 : vector<16xf32> to vector<16xf32>
      %mul3A_128 = arith.constant 16 : i32
      %mul3A_129 = arith.muli %add3A_123, %mul3A_128 : i32
      %get3A_130 = arith.index_cast %mul3A_129 : i32 to index
      %get3A_131 = tpu.vector_load %arg12[%get3A_130] {strides = array<i32>} : memref<9600xf32, #tpu.memory_space<vmem>>, vector<16xf32>,
      %get3A_132 = vector.shape_cast %get3A_131 : vector<16xf32> to vector<16xf32>
      %mul3A_133 = arith.mulf %get3A_127, %get3A_132 : vector<16xf32>
      %mul3A_134 = arith.constant 16 : i32
      %mul3A_135 = arith.muli %add3A_123, %mul3A_134 : i32
      %swap3A = arith.index_cast %mul3A_135 : i32 to index
      %swap3A_136 = tpu.vector_load %arg12[%swap3A] {strides = array<i32>} : memref<9600xf32, #tpu.memory_space<vmem>>, vector<16xf32>,
      %swap3A_137 = vector.shape_cast %swap3A_136 : vector<16xf32> to vector<16xf32>
      %swap3A_138 = vector.shape_cast %mul3A_133 : vector<16xf32> to vector<16xf32>
      tpu.vector_store %arg12[%swap3A], %swap3A_138 {strides = array<i32>} : memref<9600xf32, #tpu.memory_space<vmem>>, vector<16xf32>,
    }
    %scan3A_25 = arith.constant 600 : i32
    %dma_start3A_26 = arith.constant 0 : i32
    %dma_start3A_27 = tpu.memref_slice %arg19[%dma_start3A_26] : memref<50176xf32, #tpu.memory_space<vmem_shared>> -> memref<50176xf32, #tpu.memory_space<vmem_shared>>
    tpu.enqueue_indirect_dma source(%arg12 : memref<9600xf32, #tpu.memory_space<vmem>>) target(%dma_start3A_27 : memref<50176xf32, #tpu.memory_space<vmem_shared>>) offsets(%arg9 : memref<9600xi32, #tpu.memory_space<vmem>>) semaphore(%arg25 : memref<!tpu.dma_semaphore, #tpu.memory_space<semaphore_mem>>) {add = true}
    %dma_wait3A_28 = arith.constant 0 : i32
    %dma_wait3A_29 = tpu.memref_slice %arg22[%dma_wait3A_28] : memref<50176xf32, #tpu.memory_space<vmem_shared>> -> memref<50176xf32, #tpu.memory_space<vmem_shared>>
    tpu.wait_indirect_dma semaphore(%arg26 : memref<!tpu.dma_semaphore, #tpu.memory_space<semaphore_mem>>) src(%dma_wait3A_29 : memref<50176xf32, #tpu.memory_space<vmem_shared>>) dst(%arg13 : memref<9600xf32, #tpu.memory_space<vmem>>)
    %scan3A_30 = arith.constant 0 : i32
    %scan3A_31 = arith.constant 600 : i32
    %scan3A_32 = arith.addi %scan3A_30, %scan3A_31 : i32
    %scan3A_33 = arith.constant 1 : i32
    scf.for %scan3A_119 = %scan3A_30 to %scan3A_32 step %scan3A_33  : i32 {
      %mul3A_120 = arith.constant 1 : i32
      %mul3A_121 = arith.muli %scan3A_119, %mul3A_120 : i32
      %add3A_122 = arith.constant 0 : i32
      %add3A_123 = arith.addi %add3A_122, %mul3A_121 : i32
      %mul3A_124 = arith.constant 16 : i32
      %mul3A_125 = arith.muli %add3A_123, %mul3A_124 : i32
      %get3A = arith.index_cast %mul3A_125 : i32 to index
      %get3A_126 = tpu.vector_load %arg11[%get3A] {strides = array<i32>} : memref<9600xf32, #tpu.memory_space<vmem>>, vector<16xf32>,
      %get3A_127 = vector.shape_cast %get3A_126 : vector<16xf32> to vector<16xf32>
      %mul3A_128 = arith.constant 16 : i32
      %mul3A_129 = arith.muli %add3A_123, %mul3A_128 : i32
      %get3A_130 = arith.index_cast %mul3A_129 : i32 to index
      %get3A_131 = tpu.vector_load %arg13[%get3A_130] {strides = array<i32>} : memref<9600xf32, #tpu.memory_space<vmem>>, vector<16xf32>,
      %get3A_132 = vector.shape_cast %get3A_131 : vector<16xf32> to vector<16xf32>
      %mul3A_133 = arith.mulf %get3A_127, %get3A_132 : vector<16xf32>
      %mul3A_134 = arith.constant 16 : i32
      %mul3A_135 = arith.muli %add3A_123, %mul3A_134 : i32
      %swap3A = arith.index_cast %mul3A_135 : i32 to index
      %swap3A_136 = tpu.vector_load %arg13[%swap3A] {strides = array<i32>} : memref<9600xf32, #tpu.memory_space<vmem>>, vector<16xf32>,
      %swap3A_137 = vector.shape_cast %swap3A_136 : vector<16xf32> to vector<16xf32>
      %swap3A_138 = vector.shape_cast %mul3A_133 : vector<16xf32> to vector<16xf32>
      tpu.vector_store %arg13[%swap3A], %swap3A_138 {strides = array<i32>} : memref<9600xf32, #tpu.memory_space<vmem>>, vector<16xf32>,
    }
    %scan3A_34 = arith.constant 600 : i32
    %dma_start3A_35 = arith.constant 0 : i32
    %dma_start3A_36 = tpu.memref_slice %arg19[%dma_start3A_35] : memref<50176xf32, #tpu.memory_space<vmem_shared>> -> memref<50176xf32, #tpu.memory_space<vmem_shared>>
    tpu.enqueue_indirect_dma source(%arg13 : memref<9600xf32, #tpu.memory_space<vmem>>) target(%dma_start3A_36 : memref<50176xf32, #tpu.memory_space<vmem_shared>>) offsets(%arg10 : memref<9600xi32, #tpu.memory_space<vmem>>) semaphore(%arg26 : memref<!tpu.dma_semaphore, #tpu.memory_space<semaphore_mem>>) {add = true}
    %dma_wait3A_37 = arith.constant 0 : i32
    %dma_wait3A_38 = tpu.memref_slice %arg23[%dma_wait3A_37] : memref<50176xf32, #tpu.memory_space<vmem_shared>> -> memref<50176xf32, #tpu.memory_space<vmem_shared>>
    tpu.wait_indirect_dma semaphore(%arg27 : memref<!tpu.dma_semaphore, #tpu.memory_space<semaphore_mem>>) src(%dma_wait3A_38 : memref<50176xf32, #tpu.memory_space<vmem_shared>>) dst(%arg14 : memref<9600xf32, #tpu.memory_space<vmem>>)
    %scan3A_39 = arith.constant 0 : i32
    %scan3A_40 = arith.constant 600 : i32
    %scan3A_41 = arith.addi %scan3A_39, %scan3A_40 : i32
    %scan3A_42 = arith.constant 1 : i32
    scf.for %scan3A_119 = %scan3A_39 to %scan3A_41 step %scan3A_42  : i32 {
      %mul3A_120 = arith.constant 1 : i32
      %mul3A_121 = arith.muli %scan3A_119, %mul3A_120 : i32
      %add3A_122 = arith.constant 0 : i32
      %add3A_123 = arith.addi %add3A_122, %mul3A_121 : i32
      %mul3A_124 = arith.constant 16 : i32
      %mul3A_125 = arith.muli %add3A_123, %mul3A_124 : i32
      %get3A = arith.index_cast %mul3A_125 : i32 to index
      %get3A_126 = tpu.vector_load %arg11[%get3A] {strides = array<i32>} : memref<9600xf32, #tpu.memory_space<vmem>>, vector<16xf32>,
      %get3A_127 = vector.shape_cast %get3A_126 : vector<16xf32> to vector<16xf32>
      %mul3A_128 = arith.constant 16 : i32
      %mul3A_129 = arith.muli %add3A_123, %mul3A_128 : i32
      %get3A_130 = arith.index_cast %mul3A_129 : i32 to index
      %get3A_131 = tpu.vector_load %arg14[%get3A_130] {strides = array<i32>} : memref<9600xf32, #tpu.memory_space<vmem>>, vector<16xf32>,
      %get3A_132 = vector.shape_cast %get3A_131 : vector<16xf32> to vector<16xf32>
      %mul3A_133 = arith.mulf %get3A_127, %get3A_132 : vector<16xf32>
      %mul3A_134 = arith.constant 16 : i32
      %mul3A_135 = arith.muli %add3A_123, %mul3A_134 : i32
      %swap3A = arith.index_cast %mul3A_135 : i32 to index
      %swap3A_136 = tpu.vector_load %arg14[%swap3A] {strides = array<i32>} : memref<9600xf32, #tpu.memory_space<vmem>>, vector<16xf32>,
      %swap3A_137 = vector.shape_cast %swap3A_136 : vector<16xf32> to vector<16xf32>
      %swap3A_138 = vector.shape_cast %mul3A_133 : vector<16xf32> to vector<16xf32>
      tpu.vector_store %arg14[%swap3A], %swap3A_138 {strides = array<i32>} : memref<9600xf32, #tpu.memory_space<vmem>>, vector<16xf32>,
    }
    %scan3A_43 = arith.constant 600 : i32
    %dma_start3A_44 = arith.constant 0 : i32
    %dma_start3A_45 = tpu.memref_slice %arg20[%dma_start3A_44] : memref<50176xf32, #tpu.memory_space<vmem_shared>> -> memref<50176xf32, #tpu.memory_space<vmem_shared>>
    tpu.enqueue_indirect_dma source(%arg14 : memref<9600xf32, #tpu.memory_space<vmem>>) target(%dma_start3A_45 : memref<50176xf32, #tpu.memory_space<vmem_shared>>) offsets(%arg9 : memref<9600xi32, #tpu.memory_space<vmem>>) semaphore(%arg27 : memref<!tpu.dma_semaphore, #tpu.memory_space<semaphore_mem>>) {add = true}
    %dma_wait3A_46 = arith.constant 0 : i32
    %dma_wait3A_47 = tpu.memref_slice %arg23[%dma_wait3A_46] : memref<50176xf32, #tpu.memory_space<vmem_shared>> -> memref<50176xf32, #tpu.memory_space<vmem_shared>>
    tpu.wait_indirect_dma semaphore(%arg28 : memref<!tpu.dma_semaphore, #tpu.memory_space<semaphore_mem>>) src(%dma_wait3A_47 : memref<50176xf32, #tpu.memory_space<vmem_shared>>) dst(%arg15 : memref<9600xf32, #tpu.memory_space<vmem>>)
    %scan3A_48 = arith.constant 0 : i32
    %scan3A_49 = arith.constant 600 : i32
    %scan3A_50 = arith.addi %scan3A_48, %scan3A_49 : i32
    %scan3A_51 = arith.constant 1 : i32
    scf.for %scan3A_119 = %scan3A_48 to %scan3A_50 step %scan3A_51  : i32 {
      %mul3A_120 = arith.constant 1 : i32
      %mul3A_121 = arith.muli %scan3A_119, %mul3A_120 : i32
      %add3A_122 = arith.constant 0 : i32
      %add3A_123 = arith.addi %add3A_122, %mul3A_121 : i32
      %mul3A_124 = arith.constant 16 : i32
      %mul3A_125 = arith.muli %add3A_123, %mul3A_124 : i32
      %get3A = arith.index_cast %mul3A_125 : i32 to index
      %get3A_126 = tpu.vector_load %arg11[%get3A] {strides = array<i32>} : memref<9600xf32, #tpu.memory_space<vmem>>, vector<16xf32>,
      %get3A_127 = vector.shape_cast %get3A_126 : vector<16xf32> to vector<16xf32>
      %mul3A_128 = arith.constant 16 : i32
      %mul3A_129 = arith.muli %add3A_123, %mul3A_128 : i32
      %get3A_130 = arith.index_cast %mul3A_129 : i32 to index
      %get3A_131 = tpu.vector_load %arg15[%get3A_130] {strides = array<i32>} : memref<9600xf32, #tpu.memory_space<vmem>>, vector<16xf32>,
      %get3A_132 = vector.shape_cast %get3A_131 : vector<16xf32> to vector<16xf32>
      %mul3A_133 = arith.mulf %get3A_127, %get3A_132 : vector<16xf32>
      %mul3A_134 = arith.constant 16 : i32
      %mul3A_135 = arith.muli %add3A_123, %mul3A_134 : i32
      %swap3A = arith.index_cast %mul3A_135 : i32 to index
      %swap3A_136 = tpu.vector_load %arg15[%swap3A] {strides = array<i32>} : memref<9600xf32, #tpu.memory_space<vmem>>, vector<16xf32>,
      %swap3A_137 = vector.shape_cast %swap3A_136 : vector<16xf32> to vector<16xf32>
      %swap3A_138 = vector.shape_cast %mul3A_133 : vector<16xf32> to vector<16xf32>
      tpu.vector_store %arg15[%swap3A], %swap3A_138 {strides = array<i32>} : memref<9600xf32, #tpu.memory_space<vmem>>, vector<16xf32>,
    }
    %scan3A_52 = arith.constant 600 : i32
    %dma_start3A_53 = arith.constant 0 : i32
    %dma_start3A_54 = tpu.memref_slice %arg20[%dma_start3A_53] : memref<50176xf32, #tpu.memory_space<vmem_shared>> -> memref<50176xf32, #tpu.memory_space<vmem_shared>>
    tpu.enqueue_indirect_dma source(%arg15 : memref<9600xf32, #tpu.memory_space<vmem>>) target(%dma_start3A_54 : memref<50176xf32, #tpu.memory_space<vmem_shared>>) offsets(%arg10 : memref<9600xi32, #tpu.memory_space<vmem>>) semaphore(%arg28 : memref<!tpu.dma_semaphore, #tpu.memory_space<semaphore_mem>>) {add = true}
    %dma_wait3A_55 = arith.constant 0 : i32
    %dma_wait3A_56 = tpu.memref_slice %arg24[%dma_wait3A_55] : memref<50176xf32, #tpu.memory_space<vmem_shared>> -> memref<50176xf32, #tpu.memory_space<vmem_shared>>
    tpu.wait_indirect_dma semaphore(%arg29 : memref<!tpu.dma_semaphore, #tpu.memory_space<semaphore_mem>>) src(%dma_wait3A_56 : memref<50176xf32, #tpu.memory_space<vmem_shared>>) dst(%arg16 : memref<9600xf32, #tpu.memory_space<vmem>>)
    %scan3A_57 = arith.constant 0 : i32
    %scan3A_58 = arith.constant 600 : i32
    %scan3A_59 = arith.addi %scan3A_57, %scan3A_58 : i32
    %scan3A_60 = arith.constant 1 : i32
    scf.for %scan3A_119 = %scan3A_57 to %scan3A_59 step %scan3A_60  : i32 {
      %mul3A_120 = arith.constant 1 : i32
      %mul3A_121 = arith.muli %scan3A_119, %mul3A_120 : i32
      %add3A_122 = arith.constant 0 : i32
      %add3A_123 = arith.addi %add3A_122, %mul3A_121 : i32
      %mul3A_124 = arith.constant 16 : i32
      %mul3A_125 = arith.muli %add3A_123, %mul3A_124 : i32
      %get3A = arith.index_cast %mul3A_125 : i32 to index
      %get3A_126 = tpu.vector_load %arg11[%get3A] {strides = array<i32>} : memref<9600xf32, #tpu.memory_space<vmem>>, vector<16xf32>,
      %get3A_127 = vector.shape_cast %get3A_126 : vector<16xf32> to vector<16xf32>
      %mul3A_128 = arith.constant 16 : i32
      %mul3A_129 = arith.muli %add3A_123, %mul3A_128 : i32
      %get3A_130 = arith.index_cast %mul3A_129 : i32 to index
      %get3A_131 = tpu.vector_load %arg16[%get3A_130] {strides = array<i32>} : memref<9600xf32, #tpu.memory_space<vmem>>, vector<16xf32>,
      %get3A_132 = vector.shape_cast %get3A_131 : vector<16xf32> to vector<16xf32>
      %mul3A_133 = arith.mulf %get3A_127, %get3A_132 : vector<16xf32>
      %mul3A_134 = arith.constant 16 : i32
      %mul3A_135 = arith.muli %add3A_123, %mul3A_134 : i32
      %swap3A = arith.index_cast %mul3A_135 : i32 to index
      %swap3A_136 = tpu.vector_load %arg16[%swap3A] {strides = array<i32>} : memref<9600xf32, #tpu.memory_space<vmem>>, vector<16xf32>,
      %swap3A_137 = vector.shape_cast %swap3A_136 : vector<16xf32> to vector<16xf32>
      %swap3A_138 = vector.shape_cast %mul3A_133 : vector<16xf32> to vector<16xf32>
      tpu.vector_store %arg16[%swap3A], %swap3A_138 {strides = array<i32>} : memref<9600xf32, #tpu.memory_space<vmem>>, vector<16xf32>,
    }
    %scan3A_61 = arith.constant 600 : i32
    %dma_start3A_62 = arith.constant 0 : i32
    %dma_start3A_63 = tpu.memref_slice %arg21[%dma_start3A_62] : memref<50176xf32, #tpu.memory_space<vmem_shared>> -> memref<50176xf32, #tpu.memory_space<vmem_shared>>
    tpu.enqueue_indirect_dma source(%arg16 : memref<9600xf32, #tpu.memory_space<vmem>>) target(%dma_start3A_63 : memref<50176xf32, #tpu.memory_space<vmem_shared>>) offsets(%arg9 : memref<9600xi32, #tpu.memory_space<vmem>>) semaphore(%arg29 : memref<!tpu.dma_semaphore, #tpu.memory_space<semaphore_mem>>) {add = true}
    %dma_wait3A_64 = arith.constant 0 : i32
    %dma_wait3A_65 = tpu.memref_slice %arg24[%dma_wait3A_64] : memref<50176xf32, #tpu.memory_space<vmem_shared>> -> memref<50176xf32, #tpu.memory_space<vmem_shared>>
    tpu.wait_indirect_dma semaphore(%arg30 : memref<!tpu.dma_semaphore, #tpu.memory_space<semaphore_mem>>) src(%dma_wait3A_65 : memref<50176xf32, #tpu.memory_space<vmem_shared>>) dst(%arg17 : memref<9600xf32, #tpu.memory_space<vmem>>)
    %scan3A_66 = arith.constant 0 : i32
    %scan3A_67 = arith.constant 600 : i32
    %scan3A_68 = arith.addi %scan3A_66, %scan3A_67 : i32
    %scan3A_69 = arith.constant 1 : i32
    scf.for %scan3A_119 = %scan3A_66 to %scan3A_68 step %scan3A_69  : i32 {
      %mul3A_120 = arith.constant 1 : i32
      %mul3A_121 = arith.muli %scan3A_119, %mul3A_120 : i32
      %add3A_122 = arith.constant 0 : i32
      %add3A_123 = arith.addi %add3A_122, %mul3A_121 : i32
      %mul3A_124 = arith.constant 16 : i32
      %mul3A_125 = arith.muli %add3A_123, %mul3A_124 : i32
      %get3A = arith.index_cast %mul3A_125 : i32 to index
      %get3A_126 = tpu.vector_load %arg11[%get3A] {strides = array<i32>} : memref<9600xf32, #tpu.memory_space<vmem>>, vector<16xf32>,
      %get3A_127 = vector.shape_cast %get3A_126 : vector<16xf32> to vector<16xf32>
      %mul3A_128 = arith.constant 16 : i32
      %mul3A_129 = arith.muli %add3A_123, %mul3A_128 : i32
      %get3A_130 = arith.index_cast %mul3A_129 : i32 to index
      %get3A_131 = tpu.vector_load %arg17[%get3A_130] {strides = array<i32>} : memref<9600xf32, #tpu.memory_space<vmem>>, vector<16xf32>,
      %get3A_132 = vector.shape_cast %get3A_131 : vector<16xf32> to vector<16xf32>
      %mul3A_133 = arith.mulf %get3A_127, %get3A_132 : vector<16xf32>
      %mul3A_134 = arith.constant 16 : i32
      %mul3A_135 = arith.muli %add3A_123, %mul3A_134 : i32
      %swap3A = arith.index_cast %mul3A_135 : i32 to index
      %swap3A_136 = tpu.vector_load %arg17[%swap3A] {strides = array<i32>} : memref<9600xf32, #tpu.memory_space<vmem>>, vector<16xf32>,
      %swap3A_137 = vector.shape_cast %swap3A_136 : vector<16xf32> to vector<16xf32>
      %swap3A_138 = vector.shape_cast %mul3A_133 : vector<16xf32> to vector<16xf32>
      tpu.vector_store %arg17[%swap3A], %swap3A_138 {strides = array<i32>} : memref<9600xf32, #tpu.memory_space<vmem>>, vector<16xf32>,
    }
    %scan3A_70 = arith.constant 600 : i32
    %dma_start3A_71 = arith.constant 0 : i32
    %dma_start3A_72 = tpu.memref_slice %arg21[%dma_start3A_71] : memref<50176xf32, #tpu.memory_space<vmem_shared>> -> memref<50176xf32, #tpu.memory_space<vmem_shared>>
    tpu.enqueue_indirect_dma source(%arg17 : memref<9600xf32, #tpu.memory_space<vmem>>) target(%dma_start3A_72 : memref<50176xf32, #tpu.memory_space<vmem_shared>>) offsets(%arg10 : memref<9600xi32, #tpu.memory_space<vmem>>) semaphore(%arg30 : memref<!tpu.dma_semaphore, #tpu.memory_space<semaphore_mem>>) {add = true}
    %dma_wait3A_73 = arith.constant 0 : i32
    %dma_wait3A_74 = tpu.memref_slice %arg19[%dma_wait3A_73] : memref<50176xf32, #tpu.memory_space<vmem_shared>> -> memref<50176xf32, #tpu.memory_space<vmem_shared>>
    tpu.wait_indirect_dma semaphore(%arg25 : memref<!tpu.dma_semaphore, #tpu.memory_space<semaphore_mem>>) src(%arg12 : memref<9600xf32, #tpu.memory_space<vmem>>) dst(%dma_wait3A_74 : memref<50176xf32, #tpu.memory_space<vmem_shared>>)
    %dma_wait3A_75 = arith.constant 0 : i32
    %dma_wait3A_76 = tpu.memref_slice %arg19[%dma_wait3A_75] : memref<50176xf32, #tpu.memory_space<vmem_shared>> -> memref<50176xf32, #tpu.memory_space<vmem_shared>>
    tpu.wait_indirect_dma semaphore(%arg26 : memref<!tpu.dma_semaphore, #tpu.memory_space<semaphore_mem>>) src(%arg13 : memref<9600xf32, #tpu.memory_space<vmem>>) dst(%dma_wait3A_76 : memref<50176xf32, #tpu.memory_space<vmem_shared>>)
    %dma_wait3A_77 = arith.constant 0 : i32
    %dma_wait3A_78 = tpu.memref_slice %arg20[%dma_wait3A_77] : memref<50176xf32, #tpu.memory_space<vmem_shared>> -> memref<50176xf32, #tpu.memory_space<vmem_shared>>
    tpu.wait_indirect_dma semaphore(%arg27 : memref<!tpu.dma_semaphore, #tpu.memory_space<semaphore_mem>>) src(%arg14 : memref<9600xf32, #tpu.memory_space<vmem>>) dst(%dma_wait3A_78 : memref<50176xf32, #tpu.memory_space<vmem_shared>>)
    %dma_wait3A_79 = arith.constant 0 : i32
    %dma_wait3A_80 = tpu.memref_slice %arg20[%dma_wait3A_79] : memref<50176xf32, #tpu.memory_space<vmem_shared>> -> memref<50176xf32, #tpu.memory_space<vmem_shared>>
    tpu.wait_indirect_dma semaphore(%arg28 : memref<!tpu.dma_semaphore, #tpu.memory_space<semaphore_mem>>) src(%arg15 : memref<9600xf32, #tpu.memory_space<vmem>>) dst(%dma_wait3A_80 : memref<50176xf32, #tpu.memory_space<vmem_shared>>)
    %dma_wait3A_81 = arith.constant 0 : i32
    %dma_wait3A_82 = tpu.memref_slice %arg21[%dma_wait3A_81] : memref<50176xf32, #tpu.memory_space<vmem_shared>> -> memref<50176xf32, #tpu.memory_space<vmem_shared>>
    tpu.wait_indirect_dma semaphore(%arg29 : memref<!tpu.dma_semaphore, #tpu.memory_space<semaphore_mem>>) src(%arg16 : memref<9600xf32, #tpu.memory_space<vmem>>) dst(%dma_wait3A_82 : memref<50176xf32, #tpu.memory_space<vmem_shared>>)
    %dma_wait3A_83 = arith.constant 0 : i32
    %dma_wait3A_84 = tpu.memref_slice %arg21[%dma_wait3A_83] : memref<50176xf32, #tpu.memory_space<vmem_shared>> -> memref<50176xf32, #tpu.memory_space<vmem_shared>>
    tpu.wait_indirect_dma semaphore(%arg30 : memref<!tpu.dma_semaphore, #tpu.memory_space<semaphore_mem>>) src(%arg17 : memref<9600xf32, #tpu.memory_space<vmem>>) dst(%dma_wait3A_84 : memref<50176xf32, #tpu.memory_space<vmem_shared>>)
    %barrier3A_85 = arith.constant 0 : index
    tpu.barrier barrier_id(%barrier3A_85)
    %mul3A_86 = arith.constant 3136 : i32
    %mul3A_87 = arith.muli %arg1, %mul3A_86 : i32
    "tpu.region"() ({
      %run_scoped3A = tpu.sem_alloc : memref<!tpu.dma_semaphore, #tpu.memory_space<semaphore_mem>>
      %dma_start3A_119 = tpu.memref_slice %arg19[%mul3A_87] : memref<50176xf32, #tpu.memory_space<vmem_shared>> -> memref<3136xf32, #tpu.memory_space<vmem_shared>>
      %dma_start3A_120 = tpu.memref_slice %arg19[%mul3A_87] : memref<50176xf32, #tpu.memory_space<vmem_shared>> -> memref<3136xf32, #tpu.memory_space<vmem_shared>>
      tpu.enqueue_dma source(%dma_start3A_120 : memref<3136xf32, #tpu.memory_space<vmem_shared>>) target(%arg18 : memref<3136xf32, #tpu.memory_space<vmem>>) target_semaphore(%run_scoped3A : memref<!tpu.dma_semaphore, #tpu.memory_space<semaphore_mem>>)
      %dma_wait3A_121 = tpu.memref_slice %arg19[%mul3A_87] : memref<50176xf32, #tpu.memory_space<vmem_shared>> -> memref<3136xf32, #tpu.memory_space<vmem_shared>>
      %dma_wait3A_122 = tpu.memref_slice %arg19[%mul3A_87] : memref<50176xf32, #tpu.memory_space<vmem_shared>> -> memref<3136xf32, #tpu.memory_space<vmem_shared>>
      tpu.wait_dma2 semaphore(%run_scoped3A : memref<!tpu.dma_semaphore, #tpu.memory_space<semaphore_mem>>) src(%dma_wait3A_122 : memref<3136xf32, #tpu.memory_space<vmem_shared>>) dst(%arg18 : memref<3136xf32, #tpu.memory_space<vmem>>)
      tpu.yield
    }) : () -> ()
    %mul3A_88 = arith.constant 3 : i32
    %mul3A_89 = arith.muli %arg0, %mul3A_88 : i32
    %add3A_90 = arith.constant 0 : i32
    %add3A_91 = arith.addi %mul3A_89, %add3A_90 : i32
    %mul3A_92 = arith.constant 50176 : i32
    %mul3A_93 = arith.muli %add3A_91, %mul3A_92 : i32
    %mul3A_94 = arith.constant 3136 : i32
    %mul3A_95 = arith.muli %arg1, %mul3A_94 : i32
    %add3A_96 = arith.addi %mul3A_93, %mul3A_95 : i32
    "tpu.region"() ({
      %run_scoped3A = tpu.sem_alloc : memref<!tpu.dma_semaphore, #tpu.memory_space<semaphore_mem>>
      %dma_start3A_119 = tpu.memref_slice %arg8[%add3A_96] : memref<301056xf32, #tpu.memory_space<hbm>> -> memref<3136xf32, #tpu.memory_space<hbm>>
      %dma_start3A_120 = tpu.memref_slice %arg8[%add3A_96] : memref<301056xf32, #tpu.memory_space<hbm>> -> memref<3136xf32, #tpu.memory_space<hbm>>
      tpu.enqueue_dma source(%arg18 : memref<3136xf32, #tpu.memory_space<vmem>>) target(%dma_start3A_120 : memref<3136xf32, #tpu.memory_space<hbm>>) target_semaphore(%run_scoped3A : memref<!tpu.dma_semaphore, #tpu.memory_space<semaphore_mem>>)
      %dma_wait3A_121 = tpu.memref_slice %arg8[%add3A_96] : memref<301056xf32, #tpu.memory_space<hbm>> -> memref<3136xf32, #tpu.memory_space<hbm>>
      %dma_wait3A_122 = tpu.memref_slice %arg8[%add3A_96] : memref<301056xf32, #tpu.memory_space<hbm>> -> memref<3136xf32, #tpu.memory_space<hbm>>
      tpu.wait_dma2 semaphore(%run_scoped3A : memref<!tpu.dma_semaphore, #tpu.memory_space<semaphore_mem>>) src(%arg18 : memref<3136xf32, #tpu.memory_space<vmem>>) dst(%dma_wait3A_122 : memref<3136xf32, #tpu.memory_space<hbm>>)
      tpu.yield
    }) : () -> ()
    %mul3A_97 = arith.constant 3136 : i32
    %mul3A_98 = arith.muli %arg1, %mul3A_97 : i32
    "tpu.region"() ({
      %run_scoped3A = tpu.sem_alloc : memref<!tpu.dma_semaphore, #tpu.memory_space<semaphore_mem>>
      %dma_start3A_119 = tpu.memref_slice %arg20[%mul3A_98] : memref<50176xf32, #tpu.memory_space<vmem_shared>> -> memref<3136xf32, #tpu.memory_space<vmem_shared>>
      %dma_start3A_120 = tpu.memref_slice %arg20[%mul3A_98] : memref<50176xf32, #tpu.memory_space<vmem_shared>> -> memref<3136xf32, #tpu.memory_space<vmem_shared>>
      tpu.enqueue_dma source(%dma_start3A_120 : memref<3136xf32, #tpu.memory_space<vmem_shared>>) target(%arg18 : memref<3136xf32, #tpu.memory_space<vmem>>) target_semaphore(%run_scoped3A : memref<!tpu.dma_semaphore, #tpu.memory_space<semaphore_mem>>)
      %dma_wait3A_121 = tpu.memref_slice %arg20[%mul3A_98] : memref<50176xf32, #tpu.memory_space<vmem_shared>> -> memref<3136xf32, #tpu.memory_space<vmem_shared>>
      %dma_wait3A_122 = tpu.memref_slice %arg20[%mul3A_98] : memref<50176xf32, #tpu.memory_space<vmem_shared>> -> memref<3136xf32, #tpu.memory_space<vmem_shared>>
      tpu.wait_dma2 semaphore(%run_scoped3A : memref<!tpu.dma_semaphore, #tpu.memory_space<semaphore_mem>>) src(%dma_wait3A_122 : memref<3136xf32, #tpu.memory_space<vmem_shared>>) dst(%arg18 : memref<3136xf32, #tpu.memory_space<vmem>>)
      tpu.yield
    }) : () -> ()
    %mul3A_99 = arith.constant 3 : i32
    %mul3A_100 = arith.muli %arg0, %mul3A_99 : i32
    %add3A_101 = arith.constant 1 : i32
    %add3A_102 = arith.addi %mul3A_100, %add3A_101 : i32
    %mul3A_103 = arith.constant 50176 : i32
    %mul3A_104 = arith.muli %add3A_102, %mul3A_103 : i32
    %mul3A_105 = arith.constant 3136 : i32
    %mul3A_106 = arith.muli %arg1, %mul3A_105 : i32
    %add3A_107 = arith.addi %mul3A_104, %mul3A_106 : i32
    "tpu.region"() ({
      %run_scoped3A = tpu.sem_alloc : memref<!tpu.dma_semaphore, #tpu.memory_space<semaphore_mem>>
      %dma_start3A_119 = tpu.memref_slice %arg8[%add3A_107] : memref<301056xf32, #tpu.memory_space<hbm>> -> memref<3136xf32, #tpu.memory_space<hbm>>
      %dma_start3A_120 = tpu.memref_slice %arg8[%add3A_107] : memref<301056xf32, #tpu.memory_space<hbm>> -> memref<3136xf32, #tpu.memory_space<hbm>>
      tpu.enqueue_dma source(%arg18 : memref<3136xf32, #tpu.memory_space<vmem>>) target(%dma_start3A_120 : memref<3136xf32, #tpu.memory_space<hbm>>) target_semaphore(%run_scoped3A : memref<!tpu.dma_semaphore, #tpu.memory_space<semaphore_mem>>)
      %dma_wait3A_121 = tpu.memref_slice %arg8[%add3A_107] : memref<301056xf32, #tpu.memory_space<hbm>> -> memref<3136xf32, #tpu.memory_space<hbm>>
      %dma_wait3A_122 = tpu.memref_slice %arg8[%add3A_107] : memref<301056xf32, #tpu.memory_space<hbm>> -> memref<3136xf32, #tpu.memory_space<hbm>>
      tpu.wait_dma2 semaphore(%run_scoped3A : memref<!tpu.dma_semaphore, #tpu.memory_space<semaphore_mem>>) src(%arg18 : memref<3136xf32, #tpu.memory_space<vmem>>) dst(%dma_wait3A_122 : memref<3136xf32, #tpu.memory_space<hbm>>)
      tpu.yield
    }) : () -> ()
    %mul3A_108 = arith.constant 3136 : i32
    %mul3A_109 = arith.muli %arg1, %mul3A_108 : i32
    "tpu.region"() ({
      %run_scoped3A = tpu.sem_alloc : memref<!tpu.dma_semaphore, #tpu.memory_space<semaphore_mem>>
      %dma_start3A_119 = tpu.memref_slice %arg21[%mul3A_109] : memref<50176xf32, #tpu.memory_space<vmem_shared>> -> memref<3136xf32, #tpu.memory_space<vmem_shared>>
      %dma_start3A_120 = tpu.memref_slice %arg21[%mul3A_109] : memref<50176xf32, #tpu.memory_space<vmem_shared>> -> memref<3136xf32, #tpu.memory_space<vmem_shared>>
      tpu.enqueue_dma source(%dma_start3A_120 : memref<3136xf32, #tpu.memory_space<vmem_shared>>) target(%arg18 : memref<3136xf32, #tpu.memory_space<vmem>>) target_semaphore(%run_scoped3A : memref<!tpu.dma_semaphore, #tpu.memory_space<semaphore_mem>>)
      %dma_wait3A_121 = tpu.memref_slice %arg21[%mul3A_109] : memref<50176xf32, #tpu.memory_space<vmem_shared>> -> memref<3136xf32, #tpu.memory_space<vmem_shared>>
      %dma_wait3A_122 = tpu.memref_slice %arg21[%mul3A_109] : memref<50176xf32, #tpu.memory_space<vmem_shared>> -> memref<3136xf32, #tpu.memory_space<vmem_shared>>
      tpu.wait_dma2 semaphore(%run_scoped3A : memref<!tpu.dma_semaphore, #tpu.memory_space<semaphore_mem>>) src(%dma_wait3A_122 : memref<3136xf32, #tpu.memory_space<vmem_shared>>) dst(%arg18 : memref<3136xf32, #tpu.memory_space<vmem>>)
      tpu.yield
    }) : () -> ()
    %mul3A_110 = arith.constant 3 : i32
    %mul3A_111 = arith.muli %arg0, %mul3A_110 : i32
    %add3A_112 = arith.constant 2 : i32
    %add3A_113 = arith.addi %mul3A_111, %add3A_112 : i32
    %mul3A_114 = arith.constant 50176 : i32
    %mul3A_115 = arith.muli %add3A_113, %mul3A_114 : i32
    %mul3A_116 = arith.constant 3136 : i32
    %mul3A_117 = arith.muli %arg1, %mul3A_116 : i32
    %add3A_118 = arith.addi %mul3A_115, %mul3A_117 : i32
    "tpu.region"() ({
      %run_scoped3A = tpu.sem_alloc : memref<!tpu.dma_semaphore, #tpu.memory_space<semaphore_mem>>
      %dma_start3A_119 = tpu.memref_slice %arg8[%add3A_118] : memref<301056xf32, #tpu.memory_space<hbm>> -> memref<3136xf32, #tpu.memory_space<hbm>>
      %dma_start3A_120 = tpu.memref_slice %arg8[%add3A_118] : memref<301056xf32, #tpu.memory_space<hbm>> -> memref<3136xf32, #tpu.memory_space<hbm>>
      tpu.enqueue_dma source(%arg18 : memref<3136xf32, #tpu.memory_space<vmem>>) target(%dma_start3A_120 : memref<3136xf32, #tpu.memory_space<hbm>>) target_semaphore(%run_scoped3A : memref<!tpu.dma_semaphore, #tpu.memory_space<semaphore_mem>>)
      %dma_wait3A_121 = tpu.memref_slice %arg8[%add3A_118] : memref<301056xf32, #tpu.memory_space<hbm>> -> memref<3136xf32, #tpu.memory_space<hbm>>
      %dma_wait3A_122 = tpu.memref_slice %arg8[%add3A_118] : memref<301056xf32, #tpu.memory_space<hbm>> -> memref<3136xf32, #tpu.memory_space<hbm>>
      tpu.wait_dma2 semaphore(%run_scoped3A : memref<!tpu.dma_semaphore, #tpu.memory_space<semaphore_mem>>) src(%arg18 : memref<3136xf32, #tpu.memory_space<vmem>>) dst(%dma_wait3A_122 : memref<3136xf32, #tpu.memory_space<hbm>>)
      tpu.yield
    }) : () -> ()
    return
  }
}

#map = affine_map<(d0, d1) -> (0)>
module attributes {stable_mosaic.version = 14 : i64} {
  func.func @_deg_body(%arg0: i32, %arg1: i32, %arg2: memref<307200xi32, #tpu.memory_space<hbm>>, %arg3: memref<307200xi32, #tpu.memory_space<hbm>>, %arg4: memref<307200xf32, #tpu.memory_space<hbm>>, %arg5: memref<100352xf32, #tpu.memory_space<hbm>>, %arg6: memref<9600xi32, #tpu.memory_space<vmem>>, %arg7: memref<9600xi32, #tpu.memory_space<vmem>>, %arg8: memref<9600xf32, #tpu.memory_space<vmem>>, %arg9: memref<3136xf32, #tpu.memory_space<vmem>>, %arg10: memref<50176xf32, #tpu.memory_space<vmem_shared>>, %arg11: memref<!tpu.dma_semaphore, #tpu.memory_space<semaphore_mem>>, %arg12: memref<!tpu.dma_semaphore, #tpu.memory_space<semaphore_mem>>) attributes {dimension_semantics = [#tpu.dimension_semantics<core_parallel>, #tpu.dimension_semantics<subcore_parallel>], iteration_bounds = array<i64: 2, 16>, scalar_prefetch = 0 : i64, scratch_operands = 7 : i64, tpu.core_type = #tpu.core_type<sc_vector_subcore>, window_params = [{transform_indices = #map}, {transform_indices = #map}, {transform_indices = #map}, {transform_indices = #map}]} {
    %mul3A = arith.constant 2 : i32
    %mul3A_0 = arith.muli %arg1, %mul3A : i32
    %add3A = arith.addi %mul3A_0, %arg0 : i32
    %mul3A_1 = arith.constant 9600 : i32
    %mul3A_2 = arith.muli %add3A, %mul3A_1 : i32
    "tpu.region"() ({
      %run_scoped3A = tpu.sem_alloc : memref<!tpu.dma_semaphore, #tpu.memory_space<semaphore_mem>>
      %dma_start3A_23 = tpu.memref_slice %arg2[%mul3A_2] : memref<307200xi32, #tpu.memory_space<hbm>> -> memref<9600xi32, #tpu.memory_space<hbm>>
      %dma_start3A_24 = tpu.memref_slice %arg2[%mul3A_2] : memref<307200xi32, #tpu.memory_space<hbm>> -> memref<9600xi32, #tpu.memory_space<hbm>>
      tpu.enqueue_dma source(%dma_start3A_24 : memref<9600xi32, #tpu.memory_space<hbm>>) target(%arg6 : memref<9600xi32, #tpu.memory_space<vmem>>) target_semaphore(%run_scoped3A : memref<!tpu.dma_semaphore, #tpu.memory_space<semaphore_mem>>)
      %dma_wait3A_25 = tpu.memref_slice %arg2[%mul3A_2] : memref<307200xi32, #tpu.memory_space<hbm>> -> memref<9600xi32, #tpu.memory_space<hbm>>
      %dma_wait3A_26 = tpu.memref_slice %arg2[%mul3A_2] : memref<307200xi32, #tpu.memory_space<hbm>> -> memref<9600xi32, #tpu.memory_space<hbm>>
      tpu.wait_dma2 semaphore(%run_scoped3A : memref<!tpu.dma_semaphore, #tpu.memory_space<semaphore_mem>>) src(%dma_wait3A_26 : memref<9600xi32, #tpu.memory_space<hbm>>) dst(%arg6 : memref<9600xi32, #tpu.memory_space<vmem>>)
      tpu.yield
    }) : () -> ()
    "tpu.region"() ({
      %run_scoped3A = tpu.sem_alloc : memref<!tpu.dma_semaphore, #tpu.memory_space<semaphore_mem>>
      %dma_start3A_23 = tpu.memref_slice %arg3[%mul3A_2] : memref<307200xi32, #tpu.memory_space<hbm>> -> memref<9600xi32, #tpu.memory_space<hbm>>
      %dma_start3A_24 = tpu.memref_slice %arg3[%mul3A_2] : memref<307200xi32, #tpu.memory_space<hbm>> -> memref<9600xi32, #tpu.memory_space<hbm>>
      tpu.enqueue_dma source(%dma_start3A_24 : memref<9600xi32, #tpu.memory_space<hbm>>) target(%arg7 : memref<9600xi32, #tpu.memory_space<vmem>>) target_semaphore(%run_scoped3A : memref<!tpu.dma_semaphore, #tpu.memory_space<semaphore_mem>>)
      %dma_wait3A_25 = tpu.memref_slice %arg3[%mul3A_2] : memref<307200xi32, #tpu.memory_space<hbm>> -> memref<9600xi32, #tpu.memory_space<hbm>>
      %dma_wait3A_26 = tpu.memref_slice %arg3[%mul3A_2] : memref<307200xi32, #tpu.memory_space<hbm>> -> memref<9600xi32, #tpu.memory_space<hbm>>
      tpu.wait_dma2 semaphore(%run_scoped3A : memref<!tpu.dma_semaphore, #tpu.memory_space<semaphore_mem>>) src(%dma_wait3A_26 : memref<9600xi32, #tpu.memory_space<hbm>>) dst(%arg7 : memref<9600xi32, #tpu.memory_space<vmem>>)
      tpu.yield
    }) : () -> ()
    "tpu.region"() ({
      %run_scoped3A = tpu.sem_alloc : memref<!tpu.dma_semaphore, #tpu.memory_space<semaphore_mem>>
      %dma_start3A_23 = tpu.memref_slice %arg4[%mul3A_2] : memref<307200xf32, #tpu.memory_space<hbm>> -> memref<9600xf32, #tpu.memory_space<hbm>>
      %dma_start3A_24 = tpu.memref_slice %arg4[%mul3A_2] : memref<307200xf32, #tpu.memory_space<hbm>> -> memref<9600xf32, #tpu.memory_space<hbm>>
      tpu.enqueue_dma source(%dma_start3A_24 : memref<9600xf32, #tpu.memory_space<hbm>>) target(%arg8 : memref<9600xf32, #tpu.memory_space<vmem>>) target_semaphore(%run_scoped3A : memref<!tpu.dma_semaphore, #tpu.memory_space<semaphore_mem>>)
      %dma_wait3A_25 = tpu.memref_slice %arg4[%mul3A_2] : memref<307200xf32, #tpu.memory_space<hbm>> -> memref<9600xf32, #tpu.memory_space<hbm>>
      %dma_wait3A_26 = tpu.memref_slice %arg4[%mul3A_2] : memref<307200xf32, #tpu.memory_space<hbm>> -> memref<9600xf32, #tpu.memory_space<hbm>>
      tpu.wait_dma2 semaphore(%run_scoped3A : memref<!tpu.dma_semaphore, #tpu.memory_space<semaphore_mem>>) src(%dma_wait3A_26 : memref<9600xf32, #tpu.memory_space<hbm>>) dst(%arg8 : memref<9600xf32, #tpu.memory_space<vmem>>)
      tpu.yield
    }) : () -> ()
    %scan3A = arith.constant 0 : i32
    %scan3A_3 = arith.constant 196 : i32
    %scan3A_4 = arith.addi %scan3A, %scan3A_3 : i32
    %scan3A_5 = arith.constant 1 : i32
    scf.for %scan3A_23 = %scan3A to %scan3A_4 step %scan3A_5  : i32 {
      %mul3A_24 = arith.constant 1 : i32
      %mul3A_25 = arith.muli %scan3A_23, %mul3A_24 : i32
      %add3A_26 = arith.constant 0 : i32
      %add3A_27 = arith.addi %add3A_26, %mul3A_25 : i32
      %broadcast_in_dim3A = arith.constant 0.000000e+00 : f32
      %broadcast_in_dim3A_28 = vector.broadcast %broadcast_in_dim3A : f32 to vector<16xf32>
      %mul3A_29 = arith.constant 16 : i32
      %mul3A_30 = arith.muli %add3A_27, %mul3A_29 : i32
      %swap3A = arith.index_cast %mul3A_30 : i32 to index
      %swap3A_31 = tpu.vector_load %arg9[%swap3A] {strides = array<i32>} : memref<3136xf32, #tpu.memory_space<vmem>>, vector<16xf32>,
      %swap3A_32 = vector.shape_cast %swap3A_31 : vector<16xf32> to vector<16xf32>
      %swap3A_33 = vector.shape_cast %broadcast_in_dim3A_28 : vector<16xf32> to vector<16xf32>
      tpu.vector_store %arg9[%swap3A], %swap3A_33 {strides = array<i32>} : memref<3136xf32, #tpu.memory_space<vmem>>, vector<16xf32>,
    }
    %scan3A_6 = arith.constant 196 : i32
    %mul3A_7 = arith.constant 3136 : i32
    %mul3A_8 = arith.muli %arg1, %mul3A_7 : i32
    "tpu.region"() ({
      %run_scoped3A = tpu.sem_alloc : memref<!tpu.dma_semaphore, #tpu.memory_space<semaphore_mem>>
      %dma_start3A_23 = tpu.memref_slice %arg10[%mul3A_8] : memref<50176xf32, #tpu.memory_space<vmem_shared>> -> memref<3136xf32, #tpu.memory_space<vmem_shared>>
      %dma_start3A_24 = tpu.memref_slice %arg10[%mul3A_8] : memref<50176xf32, #tpu.memory_space<vmem_shared>> -> memref<3136xf32, #tpu.memory_space<vmem_shared>>
      tpu.enqueue_dma source(%arg9 : memref<3136xf32, #tpu.memory_space<vmem>>) target(%dma_start3A_24 : memref<3136xf32, #tpu.memory_space<vmem_shared>>) target_semaphore(%run_scoped3A : memref<!tpu.dma_semaphore, #tpu.memory_space<semaphore_mem>>)
      %dma_wait3A_25 = tpu.memref_slice %arg10[%mul3A_8] : memref<50176xf32, #tpu.memory_space<vmem_shared>> -> memref<3136xf32, #tpu.memory_space<vmem_shared>>
      %dma_wait3A_26 = tpu.memref_slice %arg10[%mul3A_8] : memref<50176xf32, #tpu.memory_space<vmem_shared>> -> memref<3136xf32, #tpu.memory_space<vmem_shared>>
      tpu.wait_dma2 semaphore(%run_scoped3A : memref<!tpu.dma_semaphore, #tpu.memory_space<semaphore_mem>>) src(%arg9 : memref<3136xf32, #tpu.memory_space<vmem>>) dst(%dma_wait3A_26 : memref<3136xf32, #tpu.memory_space<vmem_shared>>)
      tpu.yield
    }) : () -> ()
    %barrier3A = arith.constant 0 : index
    tpu.barrier barrier_id(%barrier3A)
    %dma_start3A = arith.constant 0 : i32
    %dma_start3A_9 = tpu.memref_slice %arg10[%dma_start3A] : memref<50176xf32, #tpu.memory_space<vmem_shared>> -> memref<50176xf32, #tpu.memory_space<vmem_shared>>
    tpu.enqueue_indirect_dma source(%arg8 : memref<9600xf32, #tpu.memory_space<vmem>>) target(%dma_start3A_9 : memref<50176xf32, #tpu.memory_space<vmem_shared>>) offsets(%arg6 : memref<9600xi32, #tpu.memory_space<vmem>>) semaphore(%arg11 : memref<!tpu.dma_semaphore, #tpu.memory_space<semaphore_mem>>) {add = true}
    %dma_start3A_10 = arith.constant 0 : i32
    %dma_start3A_11 = tpu.memref_slice %arg10[%dma_start3A_10] : memref<50176xf32, #tpu.memory_space<vmem_shared>> -> memref<50176xf32, #tpu.memory_space<vmem_shared>>
    tpu.enqueue_indirect_dma source(%arg8 : memref<9600xf32, #tpu.memory_space<vmem>>) target(%dma_start3A_11 : memref<50176xf32, #tpu.memory_space<vmem_shared>>) offsets(%arg7 : memref<9600xi32, #tpu.memory_space<vmem>>) semaphore(%arg12 : memref<!tpu.dma_semaphore, #tpu.memory_space<semaphore_mem>>) {add = true}
    %dma_wait3A = arith.constant 0 : i32
    %dma_wait3A_12 = tpu.memref_slice %arg10[%dma_wait3A] : memref<50176xf32, #tpu.memory_space<vmem_shared>> -> memref<50176xf32, #tpu.memory_space<vmem_shared>>
    tpu.wait_indirect_dma semaphore(%arg11 : memref<!tpu.dma_semaphore, #tpu.memory_space<semaphore_mem>>) src(%arg8 : memref<9600xf32, #tpu.memory_space<vmem>>) dst(%dma_wait3A_12 : memref<50176xf32, #tpu.memory_space<vmem_shared>>)
    %dma_wait3A_13 = arith.constant 0 : i32
    %dma_wait3A_14 = tpu.memref_slice %arg10[%dma_wait3A_13] : memref<50176xf32, #tpu.memory_space<vmem_shared>> -> memref<50176xf32, #tpu.memory_space<vmem_shared>>
    tpu.wait_indirect_dma semaphore(%arg12 : memref<!tpu.dma_semaphore, #tpu.memory_space<semaphore_mem>>) src(%arg8 : memref<9600xf32, #tpu.memory_space<vmem>>) dst(%dma_wait3A_14 : memref<50176xf32, #tpu.memory_space<vmem_shared>>)
    %barrier3A_15 = arith.constant 0 : index
    tpu.barrier barrier_id(%barrier3A_15)
    %mul3A_16 = arith.constant 3136 : i32
    %mul3A_17 = arith.muli %arg1, %mul3A_16 : i32
    "tpu.region"() ({
      %run_scoped3A = tpu.sem_alloc : memref<!tpu.dma_semaphore, #tpu.memory_space<semaphore_mem>>
      %dma_start3A_23 = tpu.memref_slice %arg10[%mul3A_17] : memref<50176xf32, #tpu.memory_space<vmem_shared>> -> memref<3136xf32, #tpu.memory_space<vmem_shared>>
      %dma_start3A_24 = tpu.memref_slice %arg10[%mul3A_17] : memref<50176xf32, #tpu.memory_space<vmem_shared>> -> memref<3136xf32, #tpu.memory_space<vmem_shared>>
      tpu.enqueue_dma source(%dma_start3A_24 : memref<3136xf32, #tpu.memory_space<vmem_shared>>) target(%arg9 : memref<3136xf32, #tpu.memory_space<vmem>>) target_semaphore(%run_scoped3A : memref<!tpu.dma_semaphore, #tpu.memory_space<semaphore_mem>>)
      %dma_wait3A_25 = tpu.memref_slice %arg10[%mul3A_17] : memref<50176xf32, #tpu.memory_space<vmem_shared>> -> memref<3136xf32, #tpu.memory_space<vmem_shared>>
      %dma_wait3A_26 = tpu.memref_slice %arg10[%mul3A_17] : memref<50176xf32, #tpu.memory_space<vmem_shared>> -> memref<3136xf32, #tpu.memory_space<vmem_shared>>
      tpu.wait_dma2 semaphore(%run_scoped3A : memref<!tpu.dma_semaphore, #tpu.memory_space<semaphore_mem>>) src(%dma_wait3A_26 : memref<3136xf32, #tpu.memory_space<vmem_shared>>) dst(%arg9 : memref<3136xf32, #tpu.memory_space<vmem>>)
      tpu.yield
    }) : () -> ()
    %mul3A_18 = arith.constant 50176 : i32
    %mul3A_19 = arith.muli %arg0, %mul3A_18 : i32
    %mul3A_20 = arith.constant 3136 : i32
    %mul3A_21 = arith.muli %arg1, %mul3A_20 : i32
    %add3A_22 = arith.addi %mul3A_19, %mul3A_21 : i32
    "tpu.region"() ({
      %run_scoped3A = tpu.sem_alloc : memref<!tpu.dma_semaphore, #tpu.memory_space<semaphore_mem>>
      %dma_start3A_23 = tpu.memref_slice %arg5[%add3A_22] : memref<100352xf32, #tpu.memory_space<hbm>> -> memref<3136xf32, #tpu.memory_space<hbm>>
      %dma_start3A_24 = tpu.memref_slice %arg5[%add3A_22] : memref<100352xf32, #tpu.memory_space<hbm>> -> memref<3136xf32, #tpu.memory_space<hbm>>
      tpu.enqueue_dma source(%arg9 : memref<3136xf32, #tpu.memory_space<vmem>>) target(%dma_start3A_24 : memref<3136xf32, #tpu.memory_space<hbm>>) target_semaphore(%run_scoped3A : memref<!tpu.dma_semaphore, #tpu.memory_space<semaphore_mem>>)
      %dma_wait3A_25 = tpu.memref_slice %arg5[%add3A_22] : memref<100352xf32, #tpu.memory_space<hbm>> -> memref<3136xf32, #tpu.memory_space<hbm>>
      %dma_wait3A_26 = tpu.memref_slice %arg5[%add3A_22] : memref<100352xf32, #tpu.memory_space<hbm>> -> memref<3136xf32, #tpu.memory_space<hbm>>
      tpu.wait_dma2 semaphore(%run_scoped3A : memref<!tpu.dma_semaphore, #tpu.memory_space<semaphore_mem>>) src(%arg9 : memref<3136xf32, #tpu.memory_space<vmem>>) dst(%dma_wait3A_26 : memref<3136xf32, #tpu.memory_space<hbm>>)
      tpu.yield
    }) : () -> ()
    return
  }
}

module attributes {stable_mosaic.version = 14 : i64} {
  func.func @_prep_body(%arg0: memref<3x50176xf32, #tpu.memory_space<vmem>>, %arg1: memref<3x50176xf32, #tpu.memory_space<vmem>>, %arg2: memref<1x50176xi32, #tpu.memory_space<vmem>>, %arg3: memref<2x50176xf32, #tpu.memory_space<vmem>>, %arg4: memref<3x12xf32, #tpu.memory_space<vmem>>, %arg5: memref<3x1xf32, #tpu.memory_space<vmem>>, %arg6: memref<3x50176xf32, #tpu.memory_space<vmem>>, %arg7: memref<1x50176xf32, #tpu.memory_space<vmem>>) attributes {dimension_semantics = [], scalar_prefetch = 0 : i64, scratch_operands = 0 : i64, tpu.core_type = #tpu.core_type<tc>} {
    %get3A = arith.constant 0 : index
    %get3A_0 = arith.constant 0 : index
    %get3A_1 = vector.load %arg0[%get3A, %get3A_0] : memref<3x50176xf32, #tpu.memory_space<vmem>>, vector<3x50176xf32>
    %get3A_2 = arith.constant 0 : index
    %get3A_3 = arith.constant 0 : index
    %get3A_4 = vector.load %arg1[%get3A_2, %get3A_3] : memref<3x50176xf32, #tpu.memory_space<vmem>>, vector<3x50176xf32>
    %sub3A = arith.subf %get3A_1, %get3A_4 : vector<3x50176xf32>
    %iota3A = tpu.iota {dimensions = array<i32: 0>} : vector<9x50176xi32>
    %get3A_5 = arith.constant 0 : index
    %get3A_6 = arith.constant 0 : index
    %get3A_7 = vector.load %arg2[%get3A_5, %get3A_6] : memref<1x50176xi32, #tpu.memory_space<vmem>>, vector<1x50176xi32>
    %broadcast_in_dim3A = vector.shape_cast %get3A_7 : vector<1x50176xi32> to vector<1x50176xi32>
    %broadcast_in_dim3A_8 = vector.broadcast %broadcast_in_dim3A : vector<1x50176xi32> to vector<9x50176xi32>
    %eq3A = arith.cmpi eq, %iota3A, %broadcast_in_dim3A_8 : vector<9x50176xi32>
    %convert_element_type3A = arith.extui %eq3A : vector<9x50176xi1> to vector<9x50176xi32>
    %convert_element_type3A_9 = arith.sitofp %convert_element_type3A : vector<9x50176xi32> to vector<9x50176xf32>
    %concatenate3A = tpu.concatenate %sub3A, %convert_element_type3A_9 in 0 : vector<3x50176xf32>, vector<9x50176xf32> -> vector<12x50176xf32>
    %get3A_10 = arith.constant 0 : index
    %get3A_11 = arith.constant 0 : index
    %get3A_12 = vector.load %arg4[%get3A_10, %get3A_11] : memref<3x12xf32, #tpu.memory_space<vmem>>, vector<3x12xf32>
    %dot_general3A = arith.constant dense<0.000000e+00> : vector<3x50176xf32>
    %dot_general3A_13 = tpu.matmul %get3A_12, %concatenate3A, %dot_general3A {dimension_numbers = #tpu.dot_dimension_numbers<[1], [0], [0], [1], [0, 0, 1, 1], [], []>, transpose_lhs_hint = false} : vector<3x12xf32>, vector<12x50176xf32>, vector<3x50176xf32> -> vector<3x50176xf32>
    %get3A_14 = arith.constant 0 : index
    %get3A_15 = arith.constant 0 : index
    %get3A_16 = vector.load %arg3[%get3A_14, %get3A_15] : memref<2x50176xf32, #tpu.memory_space<vmem>>, vector<1x50176xf32>
    %get3A_17 = arith.constant 1 : index
    %get3A_18 = arith.constant 0 : index
    %get3A_19 = vector.load %arg3[%get3A_17, %get3A_18] : memref<2x50176xf32, #tpu.memory_space<vmem>>, vector<1x50176xf32>
    %add3A = arith.addf %get3A_16, %get3A_19 : vector<1x50176xf32>
    %add3A_20 = arith.constant 2.000000e+00 : f32
    %add3A_21 = vector.broadcast %add3A_20 : f32 to vector<1x50176xf32>
    %add3A_22 = arith.addf %add3A, %add3A_21 : vector<1x50176xf32>
    %rsqrt3A = math.rsqrt %add3A_22 : vector<1x50176xf32>
    %get3A_23 = arith.constant 0 : index
    %get3A_24 = arith.constant 0 : index
    %get3A_25 = vector.load %arg5[%get3A_23, %get3A_24] : memref<3x1xf32, #tpu.memory_space<vmem>>, vector<3x1xf32>
    %add3A_26 = vector.broadcast %get3A_25 : vector<3x1xf32> to vector<3x50176xf32>
    %add3A_27 = arith.addf %dot_general3A_13, %add3A_26 : vector<3x50176xf32>
    %mul3A = vector.broadcast %rsqrt3A : vector<1x50176xf32> to vector<3x50176xf32>
    %mul3A_28 = arith.mulf %mul3A, %add3A_27 : vector<3x50176xf32>
    %iota3A_29 = tpu.iota {dimensions = array<i32: 1>} : vector<3x50176xi32>
    %lt3A = arith.constant 50000 : i32
    %lt3A_30 = vector.broadcast %lt3A : i32 to vector<3x50176xi32>
    %lt3A_31 = arith.cmpi slt, %iota3A_29, %lt3A_30 : vector<3x50176xi32>
    %jit3A = arith.constant 0.000000e+00 : f32
    %broadcast_in_dim3A_32 = vector.broadcast %jit3A : f32 to vector<3x50176xf32>
    %select_n3A = arith.select %lt3A_31, %mul3A_28, %broadcast_in_dim3A_32 : vector<3x50176xi1>, vector<3x50176xf32>
    %swap3A = arith.constant 0 : index
    %swap3A_33 = arith.constant 0 : index
    %swap3A_34 = vector.load %arg6[%swap3A, %swap3A_33] : memref<3x50176xf32, #tpu.memory_space<vmem>>, vector<3x50176xf32>
    tpu.vector_store %arg6[%swap3A, %swap3A_33], %select_n3A {strides = array<i32>} : memref<3x50176xf32, #tpu.memory_space<vmem>>, vector<3x50176xf32>,
    %swap3A_35 = arith.constant 0 : index
    %swap3A_36 = arith.constant 0 : index
    %swap3A_37 = vector.load %arg7[%swap3A_35, %swap3A_36] : memref<1x50176xf32, #tpu.memory_space<vmem>>, vector<1x50176xf32>
    tpu.vector_store %arg7[%swap3A_35, %swap3A_36], %rsqrt3A {strides = array<i32>} : memref<1x50176xf32, #tpu.memory_space<vmem>>, vector<1x50176xf32>,
    return
  }
}

module attributes {stable_mosaic.version = 14 : i64} {
  func.func @_mid_body(%arg0: memref<3x50176xf32, #tpu.memory_space<vmem>>, %arg1: memref<1x50176xf32, #tpu.memory_space<vmem>>, %arg2: memref<3x50176xf32, #tpu.memory_space<vmem>>, %arg3: memref<3x3xf32, #tpu.memory_space<vmem>>, %arg4: memref<3x1xf32, #tpu.memory_space<vmem>>, %arg5: memref<3x50176xf32, #tpu.memory_space<vmem>>) attributes {dimension_semantics = [], scalar_prefetch = 0 : i64, scratch_operands = 0 : i64, tpu.core_type = #tpu.core_type<tc>} {
    %get3A = arith.constant 0 : index
    %get3A_0 = arith.constant 0 : index
    %get3A_1 = vector.load %arg1[%get3A, %get3A_0] : memref<1x50176xf32, #tpu.memory_space<vmem>>, vector<1x50176xf32>
    %get3A_2 = arith.constant 0 : index
    %get3A_3 = arith.constant 0 : index
    %get3A_4 = vector.load %arg0[%get3A_2, %get3A_3] : memref<3x50176xf32, #tpu.memory_space<vmem>>, vector<3x50176xf32>
    %mul3A = vector.broadcast %get3A_1 : vector<1x50176xf32> to vector<3x50176xf32>
    %mul3A_5 = arith.mulf %mul3A, %get3A_4 : vector<3x50176xf32>
    %mul3A_6 = arith.constant 2.000000e+00 : f32
    %mul3A_7 = vector.broadcast %mul3A_6 : f32 to vector<1x50176xf32>
    %mul3A_8 = arith.mulf %mul3A_7, %get3A_1 : vector<1x50176xf32>
    %get3A_9 = arith.constant 0 : index
    %get3A_10 = arith.constant 0 : index
    %get3A_11 = vector.load %arg2[%get3A_9, %get3A_10] : memref<3x50176xf32, #tpu.memory_space<vmem>>, vector<3x50176xf32>
    %mul3A_12 = vector.broadcast %mul3A_8 : vector<1x50176xf32> to vector<3x50176xf32>
    %mul3A_13 = arith.mulf %mul3A_12, %get3A_11 : vector<3x50176xf32>
    %add3A = arith.addf %mul3A_5, %mul3A_13 : vector<3x50176xf32>
    %get3A_14 = arith.constant 0 : index
    %get3A_15 = arith.constant 0 : index
    %get3A_16 = vector.load %arg3[%get3A_14, %get3A_15] : memref<3x3xf32, #tpu.memory_space<vmem>>, vector<3x3xf32>
    %dot_general3A = arith.constant dense<0.000000e+00> : vector<3x50176xf32>
    %dot_general3A_17 = tpu.matmul %get3A_16, %add3A, %dot_general3A {dimension_numbers = #tpu.dot_dimension_numbers<[1], [0], [0], [1], [0, 0, 1, 1], [], []>, transpose_lhs_hint = false} : vector<3x3xf32>, vector<3x50176xf32>, vector<3x50176xf32> -> vector<3x50176xf32>
    %get3A_18 = arith.constant 0 : index
    %get3A_19 = arith.constant 0 : index
    %get3A_20 = vector.load %arg4[%get3A_18, %get3A_19] : memref<3x1xf32, #tpu.memory_space<vmem>>, vector<3x1xf32>
    %add3A_21 = vector.broadcast %get3A_20 : vector<3x1xf32> to vector<3x50176xf32>
    %add3A_22 = arith.addf %dot_general3A_17, %add3A_21 : vector<3x50176xf32>
    %mul3A_23 = vector.broadcast %get3A_1 : vector<1x50176xf32> to vector<3x50176xf32>
    %mul3A_24 = arith.mulf %mul3A_23, %add3A_22 : vector<3x50176xf32>
    %iota3A = tpu.iota {dimensions = array<i32: 1>} : vector<3x50176xi32>
    %lt3A = arith.constant 50000 : i32
    %lt3A_25 = vector.broadcast %lt3A : i32 to vector<3x50176xi32>
    %lt3A_26 = arith.cmpi slt, %iota3A, %lt3A_25 : vector<3x50176xi32>
    %jit3A = arith.constant 0.000000e+00 : f32
    %broadcast_in_dim3A = vector.broadcast %jit3A : f32 to vector<3x50176xf32>
    %select_n3A = arith.select %lt3A_26, %mul3A_24, %broadcast_in_dim3A : vector<3x50176xi1>, vector<3x50176xf32>
    %swap3A = arith.constant 0 : index
    %swap3A_27 = arith.constant 0 : index
    %swap3A_28 = vector.load %arg5[%swap3A, %swap3A_27] : memref<3x50176xf32, #tpu.memory_space<vmem>>, vector<3x50176xf32>
    tpu.vector_store %arg5[%swap3A, %swap3A_27], %select_n3A {strides = array<i32>} : memref<3x50176xf32, #tpu.memory_space<vmem>>, vector<3x50176xf32>,
    return
  }
}

module attributes {stable_mosaic.version = 14 : i64} {
  func.func @_fin_body(%arg0: memref<3x50176xf32, #tpu.memory_space<vmem>>, %arg1: memref<1x50176xf32, #tpu.memory_space<vmem>>, %arg2: memref<3x50176xf32, #tpu.memory_space<vmem>>, %arg3: memref<3x50176xf32, #tpu.memory_space<vmem>>) attributes {dimension_semantics = [], scalar_prefetch = 0 : i64, scratch_operands = 0 : i64, tpu.core_type = #tpu.core_type<tc>} {
    %get3A = arith.constant 0 : index
    %get3A_0 = arith.constant 0 : index
    %get3A_1 = vector.load %arg1[%get3A, %get3A_0] : memref<1x50176xf32, #tpu.memory_space<vmem>>, vector<1x50176xf32>
    %get3A_2 = arith.constant 0 : index
    %get3A_3 = arith.constant 0 : index
    %get3A_4 = vector.load %arg0[%get3A_2, %get3A_3] : memref<3x50176xf32, #tpu.memory_space<vmem>>, vector<3x50176xf32>
    %mul3A = vector.broadcast %get3A_1 : vector<1x50176xf32> to vector<3x50176xf32>
    %mul3A_5 = arith.mulf %mul3A, %get3A_4 : vector<3x50176xf32>
    %mul3A_6 = arith.constant 2.000000e+00 : f32
    %mul3A_7 = vector.broadcast %mul3A_6 : f32 to vector<1x50176xf32>
    %mul3A_8 = arith.mulf %mul3A_7, %get3A_1 : vector<1x50176xf32>
    %get3A_9 = arith.constant 0 : index
    %get3A_10 = arith.constant 0 : index
    %get3A_11 = vector.load %arg2[%get3A_9, %get3A_10] : memref<3x50176xf32, #tpu.memory_space<vmem>>, vector<3x50176xf32>
    %mul3A_12 = vector.broadcast %mul3A_8 : vector<1x50176xf32> to vector<3x50176xf32>
    %mul3A_13 = arith.mulf %mul3A_12, %get3A_11 : vector<3x50176xf32>
    %add3A = arith.addf %mul3A_5, %mul3A_13 : vector<3x50176xf32>
    %swap3A = arith.constant 0 : index
    %swap3A_14 = arith.constant 0 : index
    %swap3A_15 = vector.load %arg3[%swap3A, %swap3A_14] : memref<3x50176xf32, #tpu.memory_space<vmem>>, vector<3x50176xf32>
    tpu.vector_store %arg3[%swap3A, %swap3A_14], %add3A {strides = array<i32>} : memref<3x50176xf32, #tpu.memory_space<vmem>>, vector<3x50176xf32>,
    return
  }
}

</mosaic_0001>

<sc_bundles>
// kernel: kernel.11.cloned.1.call-start
scs
__scs_entry_jumppad:
0x0: {  	(pc) =	sbr.rel $0x88, $3  }
0x1: {  	(tag) =	ssettag $0x0;
	lr =	simm.s32 $0x1  }
0x2: {  	[smem:$0x3F98] =	sst lr;
	_ =	strace $0xD0000000  }
0x3: {  	_ = 	snop  }
0x4: {  	_ = 	snop  }
0x5: {  	_ = 	snop  }
0x6: {  	_ = 	snop  }
0x7: {  	_ = 	snop  }
__scs_overlays_trampoline_lowered:
0x8: {  	[smem:$0x3FA7] =	sst s0  }
0x9: {  	[smem:$0x3FA8] =	sst s1  }
0xa: {  	[smem:$0x3FA9] =	sst s2  }
0xb: {  	[smem:$0x3FAA] =	sst s3  }
0xc: {  	[smem:$0x3FAB] =	sst s4  }
0xd: {  	[smem:$0x3FAC] =	sst s5  }
0xe: {  	[smem:$0x3FAD] =	sst s6  }
0xf: {  	[smem:$0x3FAE] =	sst s7  }
0x10: {  	[smem:$0x3FAF] =	sst s8  }
0x11: {  	[smem:$0x3FB0] =	sst s9;
	s0 =	simm.s32 @!p0 $0x0  }
0x12: {  	s1 =	sld [smem:$0x3F96];
	s0 =	simm.s32 @p0 $0x1  }
0x13: {  	[smem:$0x3FB1] =	sst s0;
	s0 =	simm.s32 @!p1 $0x0  }
0x14: {  	s2 =	sld [smem:$0x3F95];
	s0 =	simm.s32 @p1 $0x1  }
0x15: {  	[smem:$0x3FB2] =	sst s0;
	s0 =	simm.s32 @!p2 $0x0  }
0x16: {  	s3 =	sld [smem:$0x3FDB];
	s0 =	simm.s32 @p2 $0x1  }
0x17: {  	s4 =	simm.s32 $0x1BF5;
	[smem:$0x3FB4] =	sst s0  }
0x18: {  	s0 =	sld [smem:$0x3F97];
	_ =	swait.ge [sflag:s4], $0x0  }
0x19: {  	s7 =	sld [smem:$0x3F98]  }
0x1a: {  	s8 =	sadd.s32 $0xFFFFE003, lr  }
0x1b: {  	s9 =	sadd.s32 $0xFFFFFEF7, lr;
	s5 =	simm.s32 $0xFFFFFFFF;
	p2 =	slt.u32 s8, $0xFFFFF086  }
0x1c: {  	p1 =	slt.u32 s9, $0xF7A;
	s5 =	simm.s32 @!p2 $0x0  }
0x1d: {  	s5 =	simm.s32 @p1 $0x1;
	p0 =	seq.s32 s7, s2  }
0x1e: {  	s7 =	smul.u32 @!p0 $0xF7A, s2;
	p2 =	seq.s32 @!p0 s5, $0x0  }
0x1f: {  	s9 =	smul.u32 $0xF7A, s1;
	s8 =	simm.s32 @!p0 $0x1BF5;
	p2 =	por !p2, p0  }
0x20: {  	[sflag:s8] =	ssyncset.s32 @!p0 $0xFFFFF086;
	s6 =	sadd.s32 @!p0 s3, s7;
	s7 =	simm.s32 @!p0 $0x108  }
0x21: {  	s3 =	sadd.s32 s3, s9;
	s6 =	sadd.s32 @!p0 $0x88, s6;
	s7 =	simm.s32 @p2 $0x1082  }
0x22: {  	[simem:s7], [sflag:s8] =	dma.local @!p0 [hbm:s6], $0xF7A  }
0x23: {  	s9 =	sor.u32 $0xD0000000, s2;
	s6 =	simm.s32 $0x108;
	_ =	swait.ge @!p0 [sflag:s8], $0x0  }
0x24: {  	s3 =	sadd.s32 $0x88, s3;
	s6 =	simm.s32 @!p1 $0x1082;
	[sflag:s4] =	ssyncset.s32 $0xFFFFF086  }
0x25: {  	[simem:s6], [sflag:s4] =	dma.local [hbm:s3], $0xF7A  }
0x26: {  	[smem:$0x3F98] =	sst s1;
	(tag) =	ssettag s2;
	_ =	strace s9  }
0x27: {  	s1 =	sld [smem:$0x3FA8]  }
0x28: {  	s2 =	sld [smem:$0x3FA9]  }
0x29: {  	s4 =	sld [smem:$0x3FAB]  }
0x2a: {  	p0 =	seq.s32 s5, $0x0;
	s5 =	sld [smem:$0x3FAC]  }
0x2b: {  	s6 =	sld [smem:$0x3FAD]  }
0x2c: {  	s7 =	sld [smem:$0x3FAE]  }
0x2d: {  	s3 =	simm.s32 $0x108;
	s8 =	sld [smem:$0x3FAF]  }
0x2e: {  	s3 =	simm.s32 @!p0 $0x1082;
	s9 =	sld [smem:$0x3FB0]  }
0x2f: {  	lr =	sadd.s32 s0, s3;
	s0 =	sld [smem:$0x3FA7]  }
0x30: {  	s3 =	sld [smem:$0x3FAA]  }
0x31: {  	[smem:$0x3FB3] =	sst s10  }
0x32: {  	s10 =	sld [smem:$0x3FB1];
	_ =	sdelay $0x3  }
0x33: {  	p0 =	seq.s32 s10, $0x1;
	s10 =	sld [smem:$0x3FB3];
	_ =	sdelay $0x3  }
0x34: {  	[smem:$0x3FB3] =	sst s10  }
0x35: {  	s10 =	sld [smem:$0x3FB2];
	_ =	sdelay $0x3  }
0x36: {  	p1 =	seq.s32 s10, $0x1;
	s10 =	sld [smem:$0x3FB3];
	_ =	sdelay $0x3  }
0x37: {  	[smem:$0x3FB3] =	sst s10  }
0x38: {  	s10 =	sld [smem:$0x3FB4]  }
0x39: {  	_ = 	snop;
	(pc) =	sbr.ind lr, $3  }
0x3a: {  	_ = 	snop  }
0x3b: {  	_ = 	snop  }
0x3c: {  	p2 =	seq.s32 s10, $0x1;
	s10 =	sld [smem:$0x3FB3]  }
0x3d: {  	_ =	shalt  }
0x3e: {  	_ =	shalt  }
0x3f: {  	_ =	shalt  }
0x40: {  	_ =	shalt  }
0x41: {  	_ =	shalt  }
0x42: {  	_ =	shalt  }
0x43: {  	_ =	shalt  }
0x44: {  	_ =	shalt  }
0x45: {  	_ =	shalt  }
0x46: {  	_ =	shalt  }
0x47: {  	_ =	shalt  }
0x48: {  	_ =	shalt  }
0x49: {  	_ =	shalt  }
0x4a: {  	_ =	shalt  }
0x4b: {  	_ =	shalt  }
0x4c: {  	_ =	shalt  }
0x4d: {  	_ =	shalt  }
0x4e: {  	_ =	shalt  }
0x4f: {  	_ =	shalt  }
0x50: {  	_ =	shalt  }
0x51: {  	_ =	shalt  }
0x52: {  	_ =	shalt  }
0x53: {  	_ =	shalt  }
0x54: {  	_ =	shalt  }
0x55: {  	_ =	shalt  }
0x56: {  	_ =	shalt  }
0x57: {  	_ =	shalt  }
0x58: {  	_ =	shalt  }
0x59: {  	_ =	shalt  }
0x5a: {  	_ =	shalt  }
0x5b: {  	_ =	shalt  }
0x5c: {  	_ =	shalt  }
0x5d: {  	_ =	shalt  }
0x5e: {  	_ =	shalt  }
0x5f: {  	_ =	shalt  }
0x60: {  	_ =	shalt  }
0x61: {  	_ =	shalt  }
0x62: {  	_ =	shalt  }
0x63: {  	_ =	shalt  }
0x64: {  	_ =	shalt  }
0x65: {  	_ =	shalt  }
0x66: {  	_ =	shalt  }
0x67: {  	_ =	shalt  }
0x68: {  	_ =	shalt  }
0x69: {  	_ =	shalt  }
0x6a: {  	_ =	shalt  }
0x6b: {  	_ =	shalt  }
0x6c: {  	_ =	shalt  }
0x6d: {  	_ =	shalt  }
0x6e: {  	_ =	shalt  }
0x6f: {  	_ =	shalt  }
0x70: {  	_ =	shalt  }
0x71: {  	_ =	shalt  }
0x72: {  	_ =	shalt  }
0x73: {  	_ =	shalt  }
0x74: {  	_ =	shalt  }
0x75: {  	_ =	shalt  }
0x76: {  	_ =	shalt  }
0x77: {  	_ =	shalt  }
0x78: {  	_ =	shalt  }
0x79: {  	_ =	shalt  }
0x7a: {  	_ =	shalt  }
0x7b: {  	_ =	shalt  }
0x7c: {  	_ =	shalt  }
0x7d: {  	_ =	shalt  }
0x7e: {  	_ =	shalt  }
0x7f: {  	_ =	shalt  }
0x80: {  	_ =	shalt  }
0x81: {  	_ =	shalt  }
0x82: {  	_ =	shalt  }
0x83: {  	_ =	shalt  }
0x84: {  	_ =	shalt  }
0x85: {  	_ =	shalt  }
0x86: {  	_ =	shalt  }
0x87: {  	_ =	shalt  }
.Lfunc_end0:
.L_simem_size_0:
called_computation.1_lowered:
.L_overlay_start_0:
0x88: {  	s2 =	sld [smem:$0x3FD9]  }
0x89: {  	s3 =	sld [smem:$0x3FFE];
	_ =	sdelay $0x1  }
0x8a: {  	s1 =	srdreg.scid  }
0x8b: {  	s0 =	sand.u32 $0x1, s1  }
0x8c: {  	s17 =	sshll.u32 s0, $0xA;
	s2 =	sadd.s32 s3, s2  }
0x8d: {  	s2 =	sadd.s32 s2, s17  }
0x8e: {  	[smem:$0x3FBF] =	sst s2  }
0x8f: {  	_ = 	snop  }
0x90: {  	s2 =	sld [smem:$0x3FD0];
	(tm) =	ssettm $0x1  }
0x91: {  	s18 =	sld [smem:$0x3FFB];
	_ =	sdelay $0x3  }
0x92: {  	_ =	strace s18  }
0x93: {  	s3 =	sld [smem:$0x3FFC];
	_ =	sdelay $0x3  }
0x94: {  	_ =	strace s3  }
0x95: {  	s3 =	sld [smem:$0x3FFD];
	_ =	sdelay $0x3  }
0x96: {  	_ =	strace s3  }
0x97: {  	_ =	strace $0x8FFFFFFF  }
0x98: {  	s19 =	sld [smem:$0x3FDB];
	_ =	sdelay $0x1  }
0x99: {  	s4 =	simm.s32 $_scs_section_size  }
0x9a: {  	s5 =	simm.s32 $_size__tile_overlayer_lowered;
	s6 =	simm.s32 $_tile_overlayer_lowered  }
0x9b: {  	s22 =	simm.s32 $0x1BFF;
	s21 =	sshll.u32 s6, $0x1;
	s3 =	sadd.s32 s4, s19  }
0x9c: {  	s7 =	simm.s32 $0x0;
	s20 =	sshll.u32 s5, $0x1;
	s5 =	sadd.s32 s21, s3  }
0x9d: {  	[timem:s7], [sflag:s22] =	dma.local [hbm:s5], s20  }
0x9e: {  	_ =	swait.ge [sflag:s22], s20  }
0x9f: {  	s4 =	ssub.s32 $0x0, s20;
	[sflag:s22] =	ssyncset.done $0x0  }
0xa0: {  	[sflag:s22] =	ssyncadd.s32 s4;
	_ =	sdelay $0x1  }
0xa1: {  	s23 =	simm.s32 $0x1B8B  }
0xa2: {  	_ =	swait.ge [sflag:s23], $0x1  }
0xa3: {  	[sflag:s23] =	ssyncset.done $0x0  }
0xa4: {  	s25 =	simm.s32 $0x1B8E;
	s24 =	sld [smem:$0x3FFE];
	[sflag:s23] =	ssyncadd.s32 $0xFFFFFFFF  }
0xa5: {  	s26 =	simm.s32 $execute0_lowered;
	[smem:$0x3FD2] =	sst s25  }
0xa6: {  	s5 =	sshll.u32 s26, $0x1;
	_ =	strace $0x80000049;
	[dreg:$0x1] =	wrdreg $0xFFFFFFFF  }
0xa7: {  	s28 =	simm.s32 $_size_execute0_lowered;
	s3 =	sadd.s32 s3, s5;
	[dreg:$0x0] =	wrdreg $0x0  }
0xa8: {  	s5 =	sshll.u32 s28, $0x1;
	[dreg:$0x2] =	wrdreg s3  }
0xa9: {  	[dreg:$0x3] =	wrdreg s5  }
0xaa: {  	[dreg:$0x4] =	wrdreg $0xC0  }
0xab: {  	_ =	task [dreg:s7], $0x5FFFF  }
0xac: {  	[dreg:$0x1] =	wrdreg $0xFFFFFFFF  }
0xad: {  	[dreg:$0x0] =	wrdreg $0x60  }
0xae: {  	[dreg:$0x2] =	wrdreg s24  }
0xaf: {  	[dreg:$0x3] =	wrdreg s2  }
0xb0: {  	[dreg:$0x4] =	wrdreg $0x182C00  }
0xb1: {  	[dreg:$0x5] =	wrdreg $0x18F000  }
0xb2: {  	[dreg:$0x6] =	wrdreg $0x19B400  }
0xb3: {  	[dreg:$0x7] =	wrdreg $0x15E000  }
0xb4: {  	[dreg:$0x8] =	wrdreg $0x16A400  }
0xb5: {  	[dreg:$0x9] =	wrdreg $0x176800  }
0xb6: {  	[dreg:$0xa] =	wrdreg $0x9  }
0xb7: {  	_ =	task.clear_ibuf [dreg:s7], $0xBFFFF;
	_ =	strace $0x90000049  }
0xb8: {  	s29 =	simm.s32 $0x9;
	_ =	strace $0x8000004B  }
0xb9: {  	_ =	swait.ge [sflag:s29], $0x1  }
0xba: {  	[sflag:s29] =	ssyncadd.s32 $0xFFFFFFFF  }
0xbb: {  	_ =	strace $0x9000004B  }
0xbc: {  	_ =	sfence  }
0xbd: {  	s30 =	sld [smem:$0x0];
	_ =	sdelay $0x2  }
0xbe: {  	s31 =	sshll.u32 s1, $0xD;
	s1 =	sshrl.u32 s1, $0x2  }
0xbf: {  	s3 =	sand.u32 $0x4000, s31;
	s1 =	sadd.s32 s1, s30  }
0xc0: {  	s0 =	sor.u32 s3, s0;
	s1 =	sshll.u32 s1, $0x11  }
0xc1: {  	s0 =	sor.u32 s1, s0  }
0xc2: {  	s0 =	sadd.s32 $0x8F2B, s0  }
0xc3: {  	[sflag:s0] =	ssyncadd.remote.s32 $0x1  }
0xc4: {  	_ =	sfence.sel $0xFFFF  }
0xc5: {  	[dreg:$0x0] =	wrdreg $0xFFFFFFFF;
	(pc) =	sbr.abs _section_cstart, $3  }
0xc6: {  	[dreg:$0x1] =	wrdreg $0xFFFFFFFF  }
0xc7: {  	_ =	task.clear_ibuf [dreg:s7], $0x2FFFF;
	_ =	strace $0x9FFFFFFF  }
0xc8: {  	(tm) =	ssettm $0x7FFFFFFF  }
0xc9: {  	_ =	shalt  }
tec
execute0_lowered:
.L_overlay_start_1:
0x0: {  	(tag) =	ssettag $0x1  }
0x1: {  	s0 =	rddreg [dreg:$0x0]  }
0x2: {  	s1 =	rddreg [dreg:$0x1]  }
0x3: {  	s10 =	rddreg [dreg:$0x2]  }
0x4: {  	s11 =	rddreg [dreg:$0x3]  }
0x5: {  	s12 =	rddreg [dreg:$0x4]  }
0x6: {  	s2 =	srdreg.scid;
	s13 =	rddreg [dreg:$0x5]  }
0x7: {  	s4 =	stileid.u32;
	s19 =	rddreg [dreg:$0x6]  }
0x8: {  	s20 =	rddreg [dreg:$0x7];
	s8 =	simm.s32 $0x0;
	s29 =	simm.s32 $0x15180  }
0x9: {  	s30 =	simm.s32 $0x7080;
	s31 =	simm.s32 $0x9600;
	s28 =	simm.s32 $0x10680  }
0xa: {  	s2 =	sand.u32 $0x1, s2;
	s3 =	sshll.u32 s4, $0x1;
	s4 =	smul.u32 $0xC40, s4  }
0xb: {  	[smem:$0x7FF] =	sst s8;
	s15 =	smov.u32 s19;
	s14 =	smov.u32 s20  }
0xc: {  	s3 =	sor.u32 s2, s3;
	s5 =	smul.u32 $0x24C00, s2;
	_ =	strace $0x8000004A  }
0xd: {  	s2 =	ssub.s32 $0x2, s2;
	s3 =	smul.u32 $0x4B0, s3;
	s6 =	sshrl.u32 s4, $0x3  }
0xe: {  	s7 =	sshrl.u32 s2, $0x1;
	s24 =	sadd.s32 s4, s10;
	s26 =	sadd.s32 s4, s11  }
0xf: {  	s17 =	sadd.s32 s4, s12;
	s18 =	sadd.s32 s4, s13;
	s19 =	sadd.s32 s4, s19  }
0x10: {  	s20 =	sadd.s32 s4, s20;
	s10 =	simm.s32 $0x0;
	s5 =	sadd.s32 s4, s5  }
0x11: {  	s9 =	sadd.s32 s6, s0;
	s2 =	ssub.s32 s2, s7;
	[dreg:$0xd] =	wrdreg s24  }
0x12: {  	[dreg:$0xf] =	wrdreg s26;
	s16 =	sadd.s32 s1, s6;
	s26 =	simm.s32 $0x2580  }
0x13: {  	s1 =	simm.s32 $0x12C00;
	s4 =	simm.s32 $0x3;
	s6 =	simm.s32 $0x4  }
0x14: {  	s7 =	simm.s32 $0x5;
	s3 =	sadd.s32 s3, s0;
	s5 =	sshrl.u32 s5, $0x3  }
0x15: {  	s23 =	sadd.s32 $0x1F800, s9;
	s25 =	sadd.s32 $0x1DE00, s9;
	s24 =	smax.u32 s2, $0x1  }
0x16: {  	s2 =	simm.s32 $0x1;
	s9 =	simm.s32 $0x6;
	[dreg:$0xc] =	wrdreg s23  }
0x17: {  	s0 =	sadd.s32 s5, s0;
	s21 =	sadd.s32 $0xB200, s3;
	[dreg:$0xe] =	wrdreg s25  }
0x18: {  	s22 =	sadd.s32 $0x1C00, s3;
	s3 =	sadd.s32 $0x14800, s3;
	[dreg:$0x9] =	wrdreg s21  }
0x19: {  	s25 =	simm.s32 $0x7;
	s5 =	simm.s32 $0xBB80;
	[dreg:$0xa] =	wrdreg s22  }
0x1a: {  	[dreg:$0xb] =	wrdreg s3;
	s21 =	sadd.s32 $0x21200, s0;
	s22 =	sadd.s32 $0x22A80, s0  }
0x1b: {  	v0 =	vimm.f32 $0.0e+00;
	s23 =	sadd.s32 $0x24300, s0;
	s0 =	simm.s32 $0xE100;
	s3 =	simm.s32 $0x2  }
.LBB2_1:
0x1c: {  	s11 =	rddreg [dreg:$0x9]  }
0x1d: {  	[tilespmem:s8], [sflag:$0x7] =	stream.linear.gather [hbm4b:s11+s8], $0x2580, $0x38;
	[tilespmem:$0x1A780] =	vst v63  }
0x1e: {  	_ =	swait.ge [sflag:s25], $0x2580  }
0x1f: {  	[sflag:s25] =	ssyncset.done $0x0  }
0x20: {  	s12 =	rddreg [dreg:$0xa];
	[sflag:s25] =	ssyncadd.s32 $0xFFFFDA80  }
0x21: {  	[tilespmem:s26], [sflag:$0x7] =	stream.linear.gather [hbm4b:s12+s8], $0x2580, $0x38;
	[tilespmem:$0x1A780] =	vst v63  }
0x22: {  	_ =	swait.ge [sflag:s25], $0x2580  }
0x23: {  	[sflag:s25] =	ssyncset.done $0x0  }
0x24: {  	s12 =	simm.s32 $0x4B00;
	s13 =	rddreg [dreg:$0xb];
	[sflag:s25] =	ssyncadd.s32 $0xFFFFDA80  }
0x25: {  	[tilespmem:s12], [sflag:$0x7] =	stream.linear.gather [hbm4b:s13+s8], $0x2580, $0x38;
	[tilespmem:$0x1A780] =	vst v63  }
0x26: {  	_ =	swait.ge [sflag:s25], $0x2580  }
0x27: {  	[sflag:s25] =	ssyncset.done $0x0  }
0x28: {  	s12 =	rddreg [dreg:$0xc];
	[sflag:s25] =	ssyncadd.s32 $0xFFFFDA80  }
0x29: {  	[tilespmem:s29], [sflag:$0x7] =	stream.linear.gather [hbm4b:s12+s8], $0xC40, $0x38;
	[tilespmem:$0x1A780] =	vst v63  }
0x2a: {  	_ =	swait.ge [sflag:s25], $0xC40  }
0x2b: {  	[sflag:s25] =	ssyncset.done $0x0  }
0x2c: {  	s13 =	rddreg [dreg:$0xd];
	[sflag:s25] =	ssyncadd.s32 $0xFFFFF3C0  }
0x2d: {  	[spmem:s13] =	stream.linear.scatter [tilespmem:s29], [sflag:$0x7], $0xC40, $0x38;
	[tilespmem:$0x1A780] =	vst v63  }
0x2e: {  	_ =	swait.ge [sflag:s25], $0xC40  }
0x2f: {  	[sflag:s25] =	ssyncset.done $0x0  }
0x30: {  	s12 =	rddreg [dreg:$0xe];
	[sflag:s25] =	ssyncadd.s32 $0xFFFFF3C0  }
0x31: {  	[tilespmem:s29], [sflag:$0x7] =	stream.linear.gather [hbm4b:s12+s8], $0xC40, $0x38;
	[tilespmem:$0x1A780] =	vst v63  }
0x32: {  	_ =	swait.ge [sflag:s25], $0xC40  }
0x33: {  	[sflag:s25] =	ssyncset.done $0x0  }
0x34: {  	s13 =	rddreg [dreg:$0xf];
	[sflag:s25] =	ssyncadd.s32 $0xFFFFF3C0  }
0x35: {  	[spmem:s13] =	stream.linear.scatter [tilespmem:s29], [sflag:$0x7], $0xC40, $0x38;
	[tilespmem:$0x1A780] =	vst v63  }
0x36: {  	_ =	swait.ge [sflag:s25], $0xC40  }
0x37: {  	[sflag:s25] =	ssyncset.done $0x0  }
0x38: {  	[sflag:s25] =	ssyncadd.s32 $0xFFFFF3C0  }
0x39: {  	[tilespmem:s29], [sflag:$0x7] =	stream.linear.gather [hbm4b:s16+s8], $0xC40, $0x38;
	[tilespmem:$0x1A780] =	vst v63  }
0x3a: {  	_ =	swait.ge [sflag:s25], $0xC40  }
0x3b: {  	[sflag:s25] =	ssyncset.done $0x0  }
0x3c: {  	[sflag:s25] =	ssyncadd.s32 $0xFFFFF3C0  }
0x3d: {  	[spmem:s17] =	stream.linear.scatter [tilespmem:s29], [sflag:$0x7], $0xC40, $0x38;
	[tilespmem:$0x1A780] =	vst v63  }
0x3e: {  	_ =	swait.ge [sflag:s25], $0xC40  }
0x3f: {  	[sflag:s25] =	ssyncset.done $0x0  }
0x40: {  	s11 =	simm.s32 $0x40;
	s12 =	simm.s32 $0x0;
	[sflag:s25] =	ssyncadd.s32 $0xFFFFF3C0  }
.LBB2_2:
0x41: {  	p0 =	sne.s32 s11, $0x30C0;
	[tilespmem:s12+$0x15180] =	vst v0;
	s12 =	smov.u32 s11;
	s11 =	sadd.s32 $0x40, s11  }
.Ltmp0:
0x42: {  	(pc) =	sbr.rel @p0 .LBB2_2-.Ltmp0, $2  }
0x43: {  	_ =	sdelay $0x2  }
0x44: {  	s12 =	sshra.s32 s12, $0x2  }
0x45: {  	[tilespmem:s12+$0x15180] =	vst v0  }
0x46: {  	[spmem:s18] =	stream.linear.scatter [tilespmem:s29], [sflag:$0x7], $0xC40, $0x38;
	[tilespmem:$0x1A780] =	vst v63  }
0x47: {  	_ =	swait.ge [sflag:s25], $0xC40  }
0x48: {  	[sflag:s25] =	ssyncset.done $0x0  }
0x49: {  	[sflag:s25] =	ssyncadd.s32 $0xFFFFF3C0  }
0x4a: {  	[spmem:s19] =	stream.linear.scatter [tilespmem:s29], [sflag:$0x7], $0xC40, $0x38;
	[tilespmem:$0x1A780] =	vst v63  }
0x4b: {  	_ =	swait.ge [sflag:s25], $0xC40  }
0x4c: {  	[sflag:s25] =	ssyncset.done $0x0  }
0x4d: {  	[sflag:s25] =	ssyncadd.s32 $0xFFFFF3C0  }
0x4e: {  	[spmem:s20] =	stream.linear.scatter [tilespmem:s29], [sflag:$0x7], $0xC40, $0x38;
	[tilespmem:$0x1A780] =	vst v63  }
0x4f: {  	_ =	swait.ge [sflag:s25], $0xC40  }
0x50: {  	[sflag:s25] =	ssyncset.done $0x0  }
0x51: {  	[sflag:s25] =	ssyncadd.s32 $0xFFFFF3C0  }
0x52: {  	[bflag:$0x0] =	sbarrier.arrive $0xFFFF  }
0x53: {  	s13 =	rddreg [dreg:$0x2]  }
0x54: {  	[tilespmem:s30], [sflag:$0x1] =	stream.indirect.gather [spmem:s13], $0x1, s26, s26, $0xb8;
	[tilespmem:$0x1A780] =	vst v63  }
0x55: {  	s11 =	simm.s32 $0x0  }
0x56: {  	[tilespmem:s31], [sflag:$0x2] =	stream.indirect.gather [spmem:s13], $0x1, s11, s26, $0xb8;
	[tilespmem:$0x1A780] =	vst v63  }
0x57: {  	s13 =	rddreg [dreg:$0x3]  }
0x58: {  	[tilespmem:s5], [sflag:$0x3] =	stream.indirect.gather [spmem:s13], $0x1, s26, s26, $0xb8;
	[tilespmem:$0x1A780] =	vst v63  }
0x59: {  	_ = 	snop  }
0x5a: {  	[tilespmem:s0], [sflag:$0x4] =	stream.indirect.gather [spmem:s13], $0x1, s11, s26, $0xb8;
	[tilespmem:$0x1A780] =	vst v63  }
0x5b: {  	s13 =	rddreg [dreg:$0x4]  }
0x5c: {  	[tilespmem:s28], [sflag:$0x5] =	stream.indirect.gather [spmem:s13], $0x1, s26, s26, $0xb8;
	[tilespmem:$0x1A780] =	vst v63  }
0x5d: {  	_ = 	snop  }
0x5e: {  	[tilespmem:s1], [sflag:$0x6] =	stream.indirect.gather [spmem:s13], $0x1, s11, s26, $0xb8;
	[tilespmem:$0x1A780] =	vst v63  }
0x5f: {  	_ =	swait.ge [sflag:s2], $0x2580  }
0x60: {  	[sflag:s2] =	ssyncset.done $0x0  }
0x61: {  	s11 =	simm.s32 $0x0;
	[sflag:s2] =	ssyncadd.s32 $0xFFFFDA80  }
0x62: {  	s12 =	simm.s32 $0x40;
	v1 =	vld [tilespmem:s11+$0x4B00]  }
.LBB2_4:
0x63: {  	p0 =	sne.s32 s12, $0x95C0;
	v2 =	vld [tilespmem:s11+$0x7080];
	_ =	sdelay $0x2  }
.Ltmp1:
0x64: {  	(pc) =	sbr.rel @p0 .LBB2_4-.Ltmp1, $4  }
0x65: {  	_ = 	snop  }
0x66: {  	v2 =	vmul.f32 v2, v1  }
0x67: {  	s13 =	sshra.s32 s12, $0x2  }
0x68: {  	s12 =	sadd.s32 $0x40, s12;
	v1 =	vld [tilespmem:s13+$0x4B00];
	[tilespmem:s11+$0x7080] =	vst v2;
	s11 =	smov.u32 s13  }
0x69: {  	v2 =	vld [tilespmem:s11+$0x7080];
	_ =	sdelay $0x4  }
0x6a: {  	v1 =	vmul.f32 v2, v1;
	_ =	sdelay $0x1  }
0x6b: {  	s13 =	simm.s32 $0x0;
	s12 =	rddreg [dreg:$0x5];
	[tilespmem:s11+$0x7080] =	vst v1  }
0x6c: {  	[spmem:s12] =	stream.indirect.scatter.add.f32 [tilespmem:s30], [sflag:$0x1], $0x1, s13, s26, $0xb8;
	[tilespmem:$0x1A780] =	vst v63  }
0x6d: {  	_ =	swait.ge [sflag:s3], $0x2580  }
0x6e: {  	[sflag:s3] =	ssyncset.done $0x0  }
0x6f: {  	s11 =	simm.s32 $0x0;
	[sflag:s3] =	ssyncadd.s32 $0xFFFFDA80  }
0x70: {  	s12 =	simm.s32 $0x40;
	v1 =	vld [tilespmem:s11+$0x4B00]  }
.LBB2_6:
0x71: {  	p0 =	sne.s32 s12, $0x95C0;
	v2 =	vld [tilespmem:s11+$0x9600];
	_ =	sdelay $0x2  }
.Ltmp2:
0x72: {  	(pc) =	sbr.rel @p0 .LBB2_6-.Ltmp2, $4  }
0x73: {  	_ = 	snop  }
0x74: {  	v2 =	vmul.f32 v2, v1  }
0x75: {  	s13 =	sshra.s32 s12, $0x2  }
0x76: {  	s12 =	sadd.s32 $0x40, s12;
	v1 =	vld [tilespmem:s13+$0x4B00];
	[tilespmem:s11+$0x9600] =	vst v2;
	s11 =	smov.u32 s13  }
0x77: {  	v2 =	vld [tilespmem:s11+$0x9600];
	_ =	sdelay $0x4  }
0x78: {  	v1 =	vmul.f32 v2, v1;
	_ =	sdelay $0x1  }
0x79: {  	s13 =	rddreg [dreg:$0x5];
	[tilespmem:s11+$0x9600] =	vst v1  }
0x7a: {  	[spmem:s13] =	stream.indirect.scatter.add.f32 [tilespmem:s31], [sflag:$0x2], $0x1, s26, s26, $0xb8;
	[tilespmem:$0x1A780] =	vst v63  }
0x7b: {  	_ =	swait.ge [sflag:s4], $0x2580  }
0x7c: {  	[sflag:s4] =	ssyncset.done $0x0  }
0x7d: {  	s11 =	simm.s32 $0x0;
	[sflag:s4] =	ssyncadd.s32 $0xFFFFDA80  }
0x7e: {  	s12 =	simm.s32 $0x40;
	v1 =	vld [tilespmem:s11+$0x4B00]  }
.LBB2_8:
0x7f: {  	p0 =	sne.s32 s12, $0x95C0;
	v2 =	vld [tilespmem:s11+$0xBB80];
	_ =	sdelay $0x2  }
.Ltmp3:
0x80: {  	(pc) =	sbr.rel @p0 .LBB2_8-.Ltmp3, $4  }
0x81: {  	_ = 	snop  }
0x82: {  	v2 =	vmul.f32 v2, v1  }
0x83: {  	s13 =	sshra.s32 s12, $0x2  }
0x84: {  	s12 =	sadd.s32 $0x40, s12;
	v1 =	vld [tilespmem:s13+$0x4B00];
	[tilespmem:s11+$0xBB80] =	vst v2;
	s11 =	smov.u32 s13  }
0x85: {  	v2 =	vld [tilespmem:s11+$0xBB80];
	_ =	sdelay $0x4  }
0x86: {  	v1 =	vmul.f32 v2, v1;
	_ =	sdelay $0x1  }
0x87: {  	s13 =	simm.s32 $0x0;
	[tilespmem:s11+$0xBB80] =	vst v1  }
0x88: {  	[spmem:s15] =	stream.indirect.scatter.add.f32 [tilespmem:s5], [sflag:$0x3], $0x1, s13, s26, $0xb8;
	[tilespmem:$0x1A780] =	vst v63  }
0x89: {  	_ =	swait.ge [sflag:s6], $0x2580  }
0x8a: {  	[sflag:s6] =	ssyncset.done $0x0  }
0x8b: {  	s11 =	simm.s32 $0x0;
	[sflag:s6] =	ssyncadd.s32 $0xFFFFDA80  }
0x8c: {  	s12 =	simm.s32 $0x40;
	v1 =	vld [tilespmem:s11+$0x4B00]  }
.LBB2_10:
0x8d: {  	p0 =	sne.s32 s12, $0x95C0;
	v2 =	vld [tilespmem:s11+$0xE100];
	_ =	sdelay $0x2  }
.Ltmp4:
0x8e: {  	(pc) =	sbr.rel @p0 .LBB2_10-.Ltmp4, $4  }
0x8f: {  	_ = 	snop  }
0x90: {  	v2 =	vmul.f32 v2, v1  }
0x91: {  	s13 =	sshra.s32 s12, $0x2  }
0x92: {  	s12 =	sadd.s32 $0x40, s12;
	v1 =	vld [tilespmem:s13+$0x4B00];
	[tilespmem:s11+$0xE100] =	vst v2;
	s11 =	smov.u32 s13  }
0x93: {  	v2 =	vld [tilespmem:s11+$0xE100];
	_ =	sdelay $0x4  }
0x94: {  	v1 =	vmul.f32 v2, v1;
	_ =	sdelay $0x1  }
0x95: {  	[tilespmem:s11+$0xE100] =	vst v1  }
0x96: {  	[spmem:s15] =	stream.indirect.scatter.add.f32 [tilespmem:s0], [sflag:$0x4], $0x1, s26, s26, $0xb8;
	[tilespmem:$0x1A780] =	vst v63  }
0x97: {  	_ =	swait.ge [sflag:s7], $0x2580  }
0x98: {  	[sflag:s7] =	ssyncset.done $0x0  }
0x99: {  	s11 =	simm.s32 $0x0;
	[sflag:s7] =	ssyncadd.s32 $0xFFFFDA80  }
0x9a: {  	s12 =	simm.s32 $0x40;
	v1 =	vld [tilespmem:s11+$0x4B00]  }
.LBB2_12:
0x9b: {  	p0 =	sne.s32 s12, $0x95C0;
	v2 =	vld [tilespmem:s11+$0x10680];
	_ =	sdelay $0x2  }
.Ltmp5:
0x9c: {  	(pc) =	sbr.rel @p0 .LBB2_12-.Ltmp5, $4  }
0x9d: {  	_ = 	snop  }
0x9e: {  	v2 =	vmul.f32 v2, v1  }
0x9f: {  	s13 =	sshra.s32 s12, $0x2  }
0xa0: {  	s12 =	sadd.s32 $0x40, s12;
	v1 =	vld [tilespmem:s13+$0x4B00];
	[tilespmem:s11+$0x10680] =	vst v2;
	s11 =	smov.u32 s13  }
0xa1: {  	v2 =	vld [tilespmem:s11+$0x10680];
	_ =	sdelay $0x4  }
0xa2: {  	v1 =	vmul.f32 v2, v1;
	_ =	sdelay $0x1  }
0xa3: {  	s13 =	simm.s32 $0x0;
	[tilespmem:s11+$0x10680] =	vst v1  }
0xa4: {  	[spmem:s14] =	stream.indirect.scatter.add.f32 [tilespmem:s28], [sflag:$0x5], $0x1, s13, s26, $0xb8;
	[tilespmem:$0x1A780] =	vst v63  }
0xa5: {  	_ =	swait.ge [sflag:s9], $0x2580  }
0xa6: {  	[sflag:s9] =	ssyncset.done $0x0  }
0xa7: {  	s11 =	simm.s32 $0x0;
	[sflag:s9] =	ssyncadd.s32 $0xFFFFDA80  }
0xa8: {  	s12 =	simm.s32 $0x40;
	v1 =	vld [tilespmem:s11+$0x4B00]  }
.LBB2_14:
0xa9: {  	p0 =	sne.s32 s12, $0x95C0;
	v2 =	vld [tilespmem:s11+$0x12C00];
	_ =	sdelay $0x2  }
.Ltmp6:
0xaa: {  	(pc) =	sbr.rel @p0 .LBB2_14-.Ltmp6, $4  }
0xab: {  	_ = 	snop  }
0xac: {  	v2 =	vmul.f32 v2, v1  }
0xad: {  	s13 =	sshra.s32 s12, $0x2  }
0xae: {  	s12 =	sadd.s32 $0x40, s12;
	v1 =	vld [tilespmem:s13+$0x4B00];
	[tilespmem:s11+$0x12C00] =	vst v2;
	s11 =	smov.u32 s13  }
0xaf: {  	v2 =	vld [tilespmem:s11+$0x12C00];
	_ =	sdelay $0x4  }
0xb0: {  	v1 =	vmul.f32 v2, v1;
	_ =	sdelay $0x1  }
0xb1: {  	[tilespmem:s11+$0x12C00] =	vst v1  }
0xb2: {  	[spmem:s14] =	stream.indirect.scatter.add.f32 [tilespmem:s1], [sflag:$0x6], $0x1, s26, s26, $0xb8;
	[tilespmem:$0x1A780] =	vst v63  }
0xb3: {  	_ =	swait.ge [sflag:s2], $0x2580  }
0xb4: {  	[sflag:s2] =	ssyncset.done $0x0  }
0xb5: {  	[sflag:s2] =	ssyncadd.s32 $0xFFFFDA80  }
0xb6: {  	_ =	swait.ge [sflag:s3], $0x2580  }
0xb7: {  	[sflag:s3] =	ssyncset.done $0x0  }
0xb8: {  	[sflag:s3] =	ssyncadd.s32 $0xFFFFDA80  }
0xb9: {  	_ =	swait.ge [sflag:s4], $0x2580  }
0xba: {  	[sflag:s4] =	ssyncset.done $0x0  }
0xbb: {  	[sflag:s4] =	ssyncadd.s32 $0xFFFFDA80  }
0xbc: {  	_ =	swait.ge [sflag:s6], $0x2580  }
0xbd: {  	[sflag:s6] =	ssyncset.done $0x0  }
0xbe: {  	[sflag:s6] =	ssyncadd.s32 $0xFFFFDA80  }
0xbf: {  	_ =	swait.ge [sflag:s7], $0x2580  }
0xc0: {  	[sflag:s7] =	ssyncset.done $0x0  }
0xc1: {  	[sflag:s7] =	ssyncadd.s32 $0xFFFFDA80  }
0xc2: {  	_ =	swait.ge [sflag:s9], $0x2580  }
0xc3: {  	[sflag:s9] =	ssyncset.done $0x0  }
0xc4: {  	[sflag:s9] =	ssyncadd.s32 $0xFFFFDA80  }
0xc5: {  	[bflag:$0x0] =	sbarrier.arrive $0xFFFF  }
0xc6: {  	[tilespmem:s29], [sflag:$0x7] =	stream.linear.gather [spmem:s18], $0xC40, $0x38;
	[tilespmem:$0x1A780] =	vst v63  }
0xc7: {  	_ =	swait.ge [sflag:s25], $0xC40  }
0xc8: {  	[sflag:s25] =	ssyncset.done $0x0  }
0xc9: {  	[sflag:s25] =	ssyncadd.s32 $0xFFFFF3C0  }
0xca: {  	[hbm4b:s21+s8] =	stream.linear.scatter [tilespmem:s29], [sflag:$0x7], $0xC40, $0x38;
	[tilespmem:$0x1A780] =	vst v63  }
0xcb: {  	_ =	swait.ge [sflag:s25], $0xC40  }
0xcc: {  	[sflag:s25] =	ssyncset.done $0x0  }
0xcd: {  	[sflag:s25] =	ssyncadd.s32 $0xFFFFF3C0  }
0xce: {  	[tilespmem:s29], [sflag:$0x7] =	stream.linear.gather [spmem:s19], $0xC40, $0x38;
	[tilespmem:$0x1A780] =	vst v63  }
0xcf: {  	_ =	swait.ge [sflag:s25], $0xC40  }
0xd0: {  	[sflag:s25] =	ssyncset.done $0x0  }
0xd1: {  	[sflag:s25] =	ssyncadd.s32 $0xFFFFF3C0  }
0xd2: {  	[hbm4b:s22+s8] =	stream.linear.scatter [tilespmem:s29], [sflag:$0x7], $0xC40, $0x38;
	[tilespmem:$0x1A780] =	vst v63  }
0xd3: {  	_ =	swait.ge [sflag:s25], $0xC40  }
0xd4: {  	[sflag:s25] =	ssyncset.done $0x0  }
0xd5: {  	[sflag:s25] =	ssyncadd.s32 $0xFFFFF3C0  }
0xd6: {  	[tilespmem:s29], [sflag:$0x7] =	stream.linear.gather [spmem:s20], $0xC40, $0x38;
	[tilespmem:$0x1A780] =	vst v63  }
0xd7: {  	s10 =	sadd.s32 $0x1, s10;
	_ =	swait.ge [sflag:s25], $0xC40  }
0xd8: {  	p0 =	sne.s32 s10, s24;
	[sflag:s25] =	ssyncset.done $0x0  }
.Ltmp7:
0xd9: {  	[sflag:s25] =	ssyncadd.s32 $0xFFFFF3C0;
	(pc) =	sbr.rel @p0 .LBB2_1-.Ltmp7, $4  }
0xda: {  	[hbm4b:s23+s8] =	stream.linear.scatter [tilespmem:s29], [sflag:$0x7], $0xC40, $0x38;
	[tilespmem:$0x1A780] =	vst v63  }
0xdb: {  	_ =	swait.ge [sflag:s25], $0xC40  }
0xdc: {  	[sflag:s25] =	ssyncset.done $0x0  }
0xdd: {  	[sflag:s25] =	ssyncadd.s32 $0xFFFFF3C0  }
0xde: {  	_ =	sfence.sel $0x180000  }
0xdf: {  	[bflag:$0x0] =	sbarrier.arrive $0xFFFF  }
0xe0: {  	_ =	strace $0x9000004A  }
0xe1: {  	s0 =	stileid.u32;
	[bflag:$0x2] =	sbarrier.arrive $0xFFFF  }
0xe2: {  	p0 =	sne.s32 s0, $0x0;
	s0 =	rddreg [dreg:$0x8]  }
0xe3: {  	s0 =	sadd.s32 @!p0 $0x100000, s0  }
0xe4: {  	[sflag:s0] =	ssyncadd.tile.s32 @!p0 $0x1;
	_ =	shalt  }
.Lfunc_end2:
_tile_overlayer_lowered:
.L_overlay_start_2:
0xe5: {  	(tag) =	ssettag $0x2  }
0xe6: {  	s0 =	rddreg [dreg:$0x0];
	s2 =	stileid.u32  }
0xe7: {  	s1 =	rddreg [dreg:$0x1];
	p0 =	sne.s32 s2, $0x0  }
0xe8: {  	s3 =	rddreg [dreg:$0x2];
	[bflag:$0x3] =	sbarrier.arrive $0xFFFF;
	s2 =	simm.s32 @!p0 $0x1C07  }
0xe9: {  	[timem:s3], [sflag:s2] =	dma.local @!p0 [hbm:s0], s1  }
0xea: {  	s0 =	simm.s32 @!p0 $0x7  }
0xeb: {  	_ =	swait.ge @!p0 [sflag:s0], s1  }
0xec: {  	s1 =	ssub.s32 @!p0 $0x0, s1;
	[sflag:s0] =	ssyncset.done @!p0 $0x0  }
0xed: {  	[sflag:s0] =	ssyncadd.s32 @!p0 s1  }
0xee: {  	[bflag:$0x3] =	sbarrier.arrive $0xFFFF  }
0xef: {  	_ =	shalt  }

// kernel: kernel.14.cloned.1.call-start
scs
__scs_entry_jumppad:
0x0: {  	(pc) =	sbr.rel $0x88, $3  }
0x1: {  	(tag) =	ssettag $0x0;
	lr =	simm.s32 $0x1  }
0x2: {  	[smem:$0x3F98] =	sst lr;
	_ =	strace $0xD0000000  }
0x3: {  	_ = 	snop  }
0x4: {  	_ = 	snop  }
0x5: {  	_ = 	snop  }
0x6: {  	_ = 	snop  }
0x7: {  	_ = 	snop  }
__scs_overlays_trampoline_lowered:
0x8: {  	[smem:$0x3FA7] =	sst s0  }
0x9: {  	[smem:$0x3FA8] =	sst s1  }
0xa: {  	[smem:$0x3FA9] =	sst s2  }
0xb: {  	[smem:$0x3FAA] =	sst s3  }
0xc: {  	[smem:$0x3FAB] =	sst s4  }
0xd: {  	[smem:$0x3FAC] =	sst s5  }
0xe: {  	[smem:$0x3FAD] =	sst s6  }
0xf: {  	[smem:$0x3FAE] =	sst s7  }
0x10: {  	[smem:$0x3FAF] =	sst s8  }
0x11: {  	[smem:$0x3FB0] =	sst s9;
	s0 =	simm.s32 @!p0 $0x0  }
0x12: {  	s1 =	sld [smem:$0x3F96];
	s0 =	simm.s32 @p0 $0x1  }
0x13: {  	[smem:$0x3FB1] =	sst s0;
	s0 =	simm.s32 @!p1 $0x0  }
0x14: {  	s2 =	sld [smem:$0x3F95];
	s0 =	simm.s32 @p1 $0x1  }
0x15: {  	[smem:$0x3FB2] =	sst s0;
	s0 =	simm.s32 @!p2 $0x0  }
0x16: {  	s3 =	sld [smem:$0x3FDB];
	s0 =	simm.s32 @p2 $0x1  }
0x17: {  	s4 =	simm.s32 $0x1BF5;
	[smem:$0x3FB4] =	sst s0  }
0x18: {  	s0 =	sld [smem:$0x3F97];
	_ =	swait.ge [sflag:s4], $0x0  }
0x19: {  	s7 =	sld [smem:$0x3F98]  }
0x1a: {  	s8 =	sadd.s32 $0xFFFFE003, lr  }
0x1b: {  	s9 =	sadd.s32 $0xFFFFFEF7, lr;
	s5 =	simm.s32 $0xFFFFFFFF;
	p2 =	slt.u32 s8, $0xFFFFF086  }
0x1c: {  	p1 =	slt.u32 s9, $0xF7A;
	s5 =	simm.s32 @!p2 $0x0  }
0x1d: {  	s5 =	simm.s32 @p1 $0x1;
	p0 =	seq.s32 s7, s2  }
0x1e: {  	s7 =	smul.u32 @!p0 $0xF7A, s2;
	p2 =	seq.s32 @!p0 s5, $0x0  }
0x1f: {  	s9 =	smul.u32 $0xF7A, s1;
	s8 =	simm.s32 @!p0 $0x1BF5;
	p2 =	por !p2, p0  }
0x20: {  	[sflag:s8] =	ssyncset.s32 @!p0 $0xFFFFF086;
	s6 =	sadd.s32 @!p0 s3, s7;
	s7 =	simm.s32 @!p0 $0x108  }
0x21: {  	s3 =	sadd.s32 s3, s9;
	s6 =	sadd.s32 @!p0 $0x88, s6;
	s7 =	simm.s32 @p2 $0x1082  }
0x22: {  	[simem:s7], [sflag:s8] =	dma.local @!p0 [hbm:s6], $0xF7A  }
0x23: {  	s9 =	sor.u32 $0xD0000000, s2;
	s6 =	simm.s32 $0x108;
	_ =	swait.ge @!p0 [sflag:s8], $0x0  }
0x24: {  	s3 =	sadd.s32 $0x88, s3;
	s6 =	simm.s32 @!p1 $0x1082;
	[sflag:s4] =	ssyncset.s32 $0xFFFFF086  }
0x25: {  	[simem:s6], [sflag:s4] =	dma.local [hbm:s3], $0xF7A  }
0x26: {  	[smem:$0x3F98] =	sst s1;
	(tag) =	ssettag s2;
	_ =	strace s9  }
0x27: {  	s1 =	sld [smem:$0x3FA8]  }
0x28: {  	s2 =	sld [smem:$0x3FA9]  }
0x29: {  	s4 =	sld [smem:$0x3FAB]  }
0x2a: {  	p0 =	seq.s32 s5, $0x0;
	s5 =	sld [smem:$0x3FAC]  }
0x2b: {  	s6 =	sld [smem:$0x3FAD]  }
0x2c: {  	s7 =	sld [smem:$0x3FAE]  }
0x2d: {  	s3 =	simm.s32 $0x108;
	s8 =	sld [smem:$0x3FAF]  }
0x2e: {  	s3 =	simm.s32 @!p0 $0x1082;
	s9 =	sld [smem:$0x3FB0]  }
0x2f: {  	lr =	sadd.s32 s0, s3;
	s0 =	sld [smem:$0x3FA7]  }
0x30: {  	s3 =	sld [smem:$0x3FAA]  }
0x31: {  	[smem:$0x3FB3] =	sst s10  }
0x32: {  	s10 =	sld [smem:$0x3FB1];
	_ =	sdelay $0x3  }
0x33: {  	p0 =	seq.s32 s10, $0x1;
	s10 =	sld [smem:$0x3FB3];
	_ =	sdelay $0x3  }
0x34: {  	[smem:$0x3FB3] =	sst s10  }
0x35: {  	s10 =	sld [smem:$0x3FB2];
	_ =	sdelay $0x3  }
0x36: {  	p1 =	seq.s32 s10, $0x1;
	s10 =	sld [smem:$0x3FB3];
	_ =	sdelay $0x3  }
0x37: {  	[smem:$0x3FB3] =	sst s10  }
0x38: {  	s10 =	sld [smem:$0x3FB4]  }
0x39: {  	_ = 	snop;
	(pc) =	sbr.ind lr, $3  }
0x3a: {  	_ = 	snop  }
0x3b: {  	_ = 	snop  }
0x3c: {  	p2 =	seq.s32 s10, $0x1;
	s10 =	sld [smem:$0x3FB3]  }
0x3d: {  	_ =	shalt  }
0x3e: {  	_ =	shalt  }
0x3f: {  	_ =	shalt  }
0x40: {  	_ =	shalt  }
0x41: {  	_ =	shalt  }
0x42: {  	_ =	shalt  }
0x43: {  	_ =	shalt  }
0x44: {  	_ =	shalt  }
0x45: {  	_ =	shalt  }
0x46: {  	_ =	shalt  }
0x47: {  	_ =	shalt  }
0x48: {  	_ =	shalt  }
0x49: {  	_ =	shalt  }
0x4a: {  	_ =	shalt  }
0x4b: {  	_ =	shalt  }
0x4c: {  	_ =	shalt  }
0x4d: {  	_ =	shalt  }
0x4e: {  	_ =	shalt  }
0x4f: {  	_ =	shalt  }
0x50: {  	_ =	shalt  }
0x51: {  	_ =	shalt  }
0x52: {  	_ =	shalt  }
0x53: {  	_ =	shalt  }
0x54: {  	_ =	shalt  }
0x55: {  	_ =	shalt  }
0x56: {  	_ =	shalt  }
0x57: {  	_ =	shalt  }
0x58: {  	_ =	shalt  }
0x59: {  	_ =	shalt  }
0x5a: {  	_ =	shalt  }
0x5b: {  	_ =	shalt  }
0x5c: {  	_ =	shalt  }
0x5d: {  	_ =	shalt  }
0x5e: {  	_ =	shalt  }
0x5f: {  	_ =	shalt  }
0x60: {  	_ =	shalt  }
0x61: {  	_ =	shalt  }
0x62: {  	_ =	shalt  }
0x63: {  	_ =	shalt  }
0x64: {  	_ =	shalt  }
0x65: {  	_ =	shalt  }
0x66: {  	_ =	shalt  }
0x67: {  	_ =	shalt  }
0x68: {  	_ =	shalt  }
0x69: {  	_ =	shalt  }
0x6a: {  	_ =	shalt  }
0x6b: {  	_ =	shalt  }
0x6c: {  	_ =	shalt  }
0x6d: {  	_ =	shalt  }
0x6e: {  	_ =	shalt  }
0x6f: {  	_ =	shalt  }
0x70: {  	_ =	shalt  }
0x71: {  	_ =	shalt  }
0x72: {  	_ =	shalt  }
0x73: {  	_ =	shalt  }
0x74: {  	_ =	shalt  }
0x75: {  	_ =	shalt  }
0x76: {  	_ =	shalt  }
0x77: {  	_ =	shalt  }
0x78: {  	_ =	shalt  }
0x79: {  	_ =	shalt  }
0x7a: {  	_ =	shalt  }
0x7b: {  	_ =	shalt  }
0x7c: {  	_ =	shalt  }
0x7d: {  	_ =	shalt  }
0x7e: {  	_ =	shalt  }
0x7f: {  	_ =	shalt  }
0x80: {  	_ =	shalt  }
0x81: {  	_ =	shalt  }
0x82: {  	_ =	shalt  }
0x83: {  	_ =	shalt  }
0x84: {  	_ =	shalt  }
0x85: {  	_ =	shalt  }
0x86: {  	_ =	shalt  }
0x87: {  	_ =	shalt  }
.Lfunc_end0:
.L_simem_size_0:
called_computation.2_lowered:
.L_overlay_start_0:
0x88: {  	s2 =	sld [smem:$0x3FD9]  }
0x89: {  	s3 =	sld [smem:$0x3FFE];
	_ =	sdelay $0x1  }
0x8a: {  	s1 =	srdreg.scid  }
0x8b: {  	s0 =	sand.u32 $0x1, s1  }
0x8c: {  	s17 =	sshll.u32 s0, $0xA;
	s2 =	sadd.s32 s3, s2  }
0x8d: {  	s2 =	sadd.s32 s2, s17  }
0x8e: {  	[smem:$0x3FBF] =	sst s2  }
0x8f: {  	_ = 	snop  }
0x90: {  	s2 =	sld [smem:$0x3FD0];
	(tm) =	ssettm $0x1  }
0x91: {  	s18 =	sld [smem:$0x3FFB];
	_ =	sdelay $0x3  }
0x92: {  	_ =	strace s18  }
0x93: {  	s3 =	sld [smem:$0x3FFC];
	_ =	sdelay $0x3  }
0x94: {  	_ =	strace s3  }
0x95: {  	s3 =	sld [smem:$0x3FFD];
	_ =	sdelay $0x3  }
0x96: {  	_ =	strace s3  }
0x97: {  	_ =	strace $0x8FFFFFFF  }
0x98: {  	s19 =	sld [smem:$0x3FDB];
	_ =	sdelay $0x1  }
0x99: {  	s4 =	simm.s32 $_scs_section_size  }
0x9a: {  	s5 =	simm.s32 $_size__tile_overlayer_lowered;
	s6 =	simm.s32 $_tile_overlayer_lowered  }
0x9b: {  	s22 =	simm.s32 $0x1BFF;
	s21 =	sshll.u32 s6, $0x1;
	s3 =	sadd.s32 s4, s19  }
0x9c: {  	s7 =	simm.s32 $0x0;
	s20 =	sshll.u32 s5, $0x1;
	s5 =	sadd.s32 s21, s3  }
0x9d: {  	[timem:s7], [sflag:s22] =	dma.local [hbm:s5], s20  }
0x9e: {  	_ =	swait.ge [sflag:s22], s20  }
0x9f: {  	s4 =	ssub.s32 $0x0, s20;
	[sflag:s22] =	ssyncset.done $0x0  }
0xa0: {  	[sflag:s22] =	ssyncadd.s32 s4;
	_ =	sdelay $0x1  }
0xa1: {  	s23 =	simm.s32 $0x1B8B  }
0xa2: {  	_ =	swait.ge [sflag:s23], $0x1  }
0xa3: {  	[sflag:s23] =	ssyncset.done $0x0  }
0xa4: {  	s25 =	simm.s32 $0x1B8E;
	s24 =	sld [smem:$0x3FFE];
	[sflag:s23] =	ssyncadd.s32 $0xFFFFFFFF  }
0xa5: {  	s26 =	simm.s32 $execute0_lowered;
	[smem:$0x3FD2] =	sst s25  }
0xa6: {  	s5 =	sshll.u32 s26, $0x1;
	_ =	strace $0x8000004C;
	[dreg:$0x1] =	wrdreg $0xFFFFFFFF  }
0xa7: {  	s28 =	simm.s32 $_size_execute0_lowered;
	s3 =	sadd.s32 s3, s5;
	[dreg:$0x0] =	wrdreg $0x0  }
0xa8: {  	s5 =	sshll.u32 s28, $0x1;
	[dreg:$0x2] =	wrdreg s3  }
0xa9: {  	[dreg:$0x3] =	wrdreg s5  }
0xaa: {  	[dreg:$0x4] =	wrdreg $0xC0  }
0xab: {  	_ =	task [dreg:s7], $0x5FFFF  }
0xac: {  	[dreg:$0x1] =	wrdreg $0xFFFFFFFF  }
0xad: {  	[dreg:$0x0] =	wrdreg $0x60  }
0xae: {  	[dreg:$0x2] =	wrdreg s24  }
0xaf: {  	[dreg:$0x3] =	wrdreg s2  }
0xb0: {  	[dreg:$0x4] =	wrdreg $0x182C00  }
0xb1: {  	[dreg:$0x5] =	wrdreg $0x18F000  }
0xb2: {  	[dreg:$0x6] =	wrdreg $0x19B400  }
0xb3: {  	[dreg:$0x7] =	wrdreg $0x15E000  }
0xb4: {  	[dreg:$0x8] =	wrdreg $0x16A400  }
0xb5: {  	[dreg:$0x9] =	wrdreg $0x176800  }
0xb6: {  	[dreg:$0xa] =	wrdreg $0x9  }
0xb7: {  	_ =	task.clear_ibuf [dreg:s7], $0xBFFFF;
	_ =	strace $0x9000004C  }
0xb8: {  	s29 =	simm.s32 $0x9;
	_ =	strace $0x8000004E  }
0xb9: {  	_ =	swait.ge [sflag:s29], $0x1  }
0xba: {  	[sflag:s29] =	ssyncadd.s32 $0xFFFFFFFF  }
0xbb: {  	_ =	strace $0x9000004E  }
0xbc: {  	_ =	sfence  }
0xbd: {  	s30 =	sld [smem:$0x0];
	_ =	sdelay $0x2  }
0xbe: {  	s31 =	sshll.u32 s1, $0xD;
	s1 =	sshrl.u32 s1, $0x2  }
0xbf: {  	s3 =	sand.u32 $0x4000, s31;
	s1 =	sadd.s32 s1, s30  }
0xc0: {  	s0 =	sor.u32 s3, s0;
	s1 =	sshll.u32 s1, $0x11  }
0xc1: {  	s0 =	sor.u32 s1, s0  }
0xc2: {  	s0 =	sadd.s32 $0x8F2B, s0  }
0xc3: {  	[sflag:s0] =	ssyncadd.remote.s32 $0x1  }
0xc4: {  	_ =	sfence.sel $0xFFFF  }
0xc5: {  	[dreg:$0x0] =	wrdreg $0xFFFFFFFF;
	(pc) =	sbr.abs _section_cstart, $3  }
0xc6: {  	[dreg:$0x1] =	wrdreg $0xFFFFFFFF  }
0xc7: {  	_ =	task.clear_ibuf [dreg:s7], $0x2FFFF;
	_ =	strace $0x9FFFFFFF  }
0xc8: {  	(tm) =	ssettm $0x7FFFFFFF  }
0xc9: {  	_ =	shalt  }
tec
execute0_lowered:
.L_overlay_start_1:
0x0: {  	(tag) =	ssettag $0x1  }
0x1: {  	s0 =	rddreg [dreg:$0x0]  }
0x2: {  	s1 =	rddreg [dreg:$0x1]  }
0x3: {  	s10 =	rddreg [dreg:$0x2]  }
0x4: {  	s11 =	rddreg [dreg:$0x3]  }
0x5: {  	s12 =	rddreg [dreg:$0x4]  }
0x6: {  	s2 =	srdreg.scid;
	s13 =	rddreg [dreg:$0x5]  }
0x7: {  	s4 =	stileid.u32;
	s19 =	rddreg [dreg:$0x6]  }
0x8: {  	s20 =	rddreg [dreg:$0x7];
	s8 =	simm.s32 $0x0;
	s29 =	simm.s32 $0x15180  }
0x9: {  	s30 =	simm.s32 $0x7080;
	s31 =	simm.s32 $0x9600;
	s28 =	simm.s32 $0x10680  }
0xa: {  	s2 =	sand.u32 $0x1, s2;
	s3 =	sshll.u32 s4, $0x1;
	s4 =	smul.u32 $0xC40, s4  }
0xb: {  	[smem:$0x7FF] =	sst s8;
	s15 =	smov.u32 s19;
	s14 =	smov.u32 s20  }
0xc: {  	s3 =	sor.u32 s2, s3;
	s5 =	smul.u32 $0x24C00, s2;
	_ =	strace $0x8000004D  }
0xd: {  	s2 =	ssub.s32 $0x2, s2;
	s3 =	smul.u32 $0x4B0, s3;
	s6 =	sshrl.u32 s4, $0x3  }
0xe: {  	s7 =	sshrl.u32 s2, $0x1;
	s24 =	sadd.s32 s4, s10;
	s26 =	sadd.s32 s4, s11  }
0xf: {  	s17 =	sadd.s32 s4, s12;
	s18 =	sadd.s32 s4, s13;
	s19 =	sadd.s32 s4, s19  }
0x10: {  	s20 =	sadd.s32 s4, s20;
	s10 =	simm.s32 $0x0;
	s5 =	sadd.s32 s4, s5  }
0x11: {  	s9 =	sadd.s32 s6, s0;
	s2 =	ssub.s32 s2, s7;
	[dreg:$0xd] =	wrdreg s24  }
0x12: {  	[dreg:$0xf] =	wrdreg s26;
	s16 =	sadd.s32 s1, s6;
	s26 =	simm.s32 $0x2580  }
0x13: {  	s1 =	simm.s32 $0x12C00;
	s4 =	simm.s32 $0x3;
	s6 =	simm.s32 $0x4  }
0x14: {  	s7 =	simm.s32 $0x5;
	s3 =	sadd.s32 s3, s0;
	s5 =	sshrl.u32 s5, $0x3  }
0x15: {  	s23 =	sadd.s32 $0x1F800, s9;
	s25 =	sadd.s32 $0x1DE00, s9;
	s24 =	smax.u32 s2, $0x1  }
0x16: {  	s2 =	simm.s32 $0x1;
	s9 =	simm.s32 $0x6;
	[dreg:$0xc] =	wrdreg s23  }
0x17: {  	s0 =	sadd.s32 s5, s0;
	s21 =	sadd.s32 $0xB200, s3;
	[dreg:$0xe] =	wrdreg s25  }
0x18: {  	s22 =	sadd.s32 $0x1C00, s3;
	s3 =	sadd.s32 $0x14800, s3;
	[dreg:$0x9] =	wrdreg s21  }
0x19: {  	s25 =	simm.s32 $0x7;
	s5 =	simm.s32 $0xBB80;
	[dreg:$0xa] =	wrdreg s22  }
0x1a: {  	[dreg:$0xb] =	wrdreg s3;
	s21 =	sadd.s32 $0x21200, s0;
	s22 =	sadd.s32 $0x22A80, s0  }
0x1b: {  	v0 =	vimm.f32 $0.0e+00;
	s23 =	sadd.s32 $0x24300, s0;
	s0 =	simm.s32 $0xE100;
	s3 =	simm.s32 $0x2  }
.LBB2_1:
0x1c: {  	s11 =	rddreg [dreg:$0x9]  }
0x1d: {  	[tilespmem:s8], [sflag:$0x7] =	stream.linear.gather [hbm4b:s11+s8], $0x2580, $0x38;
	[tilespmem:$0x1A780] =	vst v63  }
0x1e: {  	_ =	swait.ge [sflag:s25], $0x2580  }
0x1f: {  	[sflag:s25] =	ssyncset.done $0x0  }
0x20: {  	s12 =	rddreg [dreg:$0xa];
	[sflag:s25] =	ssyncadd.s32 $0xFFFFDA80  }
0x21: {  	[tilespmem:s26], [sflag:$0x7] =	stream.linear.gather [hbm4b:s12+s8], $0x2580, $0x38;
	[tilespmem:$0x1A780] =	vst v63  }
0x22: {  	_ =	swait.ge [sflag:s25], $0x2580  }
0x23: {  	[sflag:s25] =	ssyncset.done $0x0  }
0x24: {  	s12 =	simm.s32 $0x4B00;
	s13 =	rddreg [dreg:$0xb];
	[sflag:s25] =	ssyncadd.s32 $0xFFFFDA80  }
0x25: {  	[tilespmem:s12], [sflag:$0x7] =	stream.linear.gather [hbm4b:s13+s8], $0x2580, $0x38;
	[tilespmem:$0x1A780] =	vst v63  }
0x26: {  	_ =	swait.ge [sflag:s25], $0x2580  }
0x27: {  	[sflag:s25] =	ssyncset.done $0x0  }
0x28: {  	s12 =	rddreg [dreg:$0xc];
	[sflag:s25] =	ssyncadd.s32 $0xFFFFDA80  }
0x29: {  	[tilespmem:s29], [sflag:$0x7] =	stream.linear.gather [hbm4b:s12+s8], $0xC40, $0x38;
	[tilespmem:$0x1A780] =	vst v63  }
0x2a: {  	_ =	swait.ge [sflag:s25], $0xC40  }
0x2b: {  	[sflag:s25] =	ssyncset.done $0x0  }
0x2c: {  	s13 =	rddreg [dreg:$0xd];
	[sflag:s25] =	ssyncadd.s32 $0xFFFFF3C0  }
0x2d: {  	[spmem:s13] =	stream.linear.scatter [tilespmem:s29], [sflag:$0x7], $0xC40, $0x38;
	[tilespmem:$0x1A780] =	vst v63  }
0x2e: {  	_ =	swait.ge [sflag:s25], $0xC40  }
0x2f: {  	[sflag:s25] =	ssyncset.done $0x0  }
0x30: {  	s12 =	rddreg [dreg:$0xe];
	[sflag:s25] =	ssyncadd.s32 $0xFFFFF3C0  }
0x31: {  	[tilespmem:s29], [sflag:$0x7] =	stream.linear.gather [hbm4b:s12+s8], $0xC40, $0x38;
	[tilespmem:$0x1A780] =	vst v63  }
0x32: {  	_ =	swait.ge [sflag:s25], $0xC40  }
0x33: {  	[sflag:s25] =	ssyncset.done $0x0  }
0x34: {  	s13 =	rddreg [dreg:$0xf];
	[sflag:s25] =	ssyncadd.s32 $0xFFFFF3C0  }
0x35: {  	[spmem:s13] =	stream.linear.scatter [tilespmem:s29], [sflag:$0x7], $0xC40, $0x38;
	[tilespmem:$0x1A780] =	vst v63  }
0x36: {  	_ =	swait.ge [sflag:s25], $0xC40  }
0x37: {  	[sflag:s25] =	ssyncset.done $0x0  }
0x38: {  	[sflag:s25] =	ssyncadd.s32 $0xFFFFF3C0  }
0x39: {  	[tilespmem:s29], [sflag:$0x7] =	stream.linear.gather [hbm4b:s16+s8], $0xC40, $0x38;
	[tilespmem:$0x1A780] =	vst v63  }
0x3a: {  	_ =	swait.ge [sflag:s25], $0xC40  }
0x3b: {  	[sflag:s25] =	ssyncset.done $0x0  }
0x3c: {  	[sflag:s25] =	ssyncadd.s32 $0xFFFFF3C0  }
0x3d: {  	[spmem:s17] =	stream.linear.scatter [tilespmem:s29], [sflag:$0x7], $0xC40, $0x38;
	[tilespmem:$0x1A780] =	vst v63  }
0x3e: {  	_ =	swait.ge [sflag:s25], $0xC40  }
0x3f: {  	[sflag:s25] =	ssyncset.done $0x0  }
0x40: {  	s11 =	simm.s32 $0x40;
	s12 =	simm.s32 $0x0;
	[sflag:s25] =	ssyncadd.s32 $0xFFFFF3C0  }
.LBB2_2:
0x41: {  	p0 =	sne.s32 s11, $0x30C0;
	[tilespmem:s12+$0x15180] =	vst v0;
	s12 =	smov.u32 s11;
	s11 =	sadd.s32 $0x40, s11  }
.Ltmp0:
0x42: {  	(pc) =	sbr.rel @p0 .LBB2_2-.Ltmp0, $2  }
0x43: {  	_ =	sdelay $0x2  }
0x44: {  	s12 =	sshra.s32 s12, $0x2  }
0x45: {  	[tilespmem:s12+$0x15180] =	vst v0  }
0x46: {  	[spmem:s18] =	stream.linear.scatter [tilespmem:s29], [sflag:$0x7], $0xC40, $0x38;
	[tilespmem:$0x1A780] =	vst v63  }
0x47: {  	_ =	swait.ge [sflag:s25], $0xC40  }
0x48: {  	[sflag:s25] =	ssyncset.done $0x0  }
0x49: {  	[sflag:s25] =	ssyncadd.s32 $0xFFFFF3C0  }
0x4a: {  	[spmem:s19] =	stream.linear.scatter [tilespmem:s29], [sflag:$0x7], $0xC40, $0x38;
	[tilespmem:$0x1A780] =	vst v63  }
0x4b: {  	_ =	swait.ge [sflag:s25], $0xC40  }
0x4c: {  	[sflag:s25] =	ssyncset.done $0x0  }
0x4d: {  	[sflag:s25] =	ssyncadd.s32 $0xFFFFF3C0  }
0x4e: {  	[spmem:s20] =	stream.linear.scatter [tilespmem:s29], [sflag:$0x7], $0xC40, $0x38;
	[tilespmem:$0x1A780] =	vst v63  }
0x4f: {  	_ =	swait.ge [sflag:s25], $0xC40  }
0x50: {  	[sflag:s25] =	ssyncset.done $0x0  }
0x51: {  	[sflag:s25] =	ssyncadd.s32 $0xFFFFF3C0  }
0x52: {  	[bflag:$0x0] =	sbarrier.arrive $0xFFFF  }
0x53: {  	s13 =	rddreg [dreg:$0x2]  }
0x54: {  	[tilespmem:s30], [sflag:$0x1] =	stream.indirect.gather [spmem:s13], $0x1, s26, s26, $0xb8;
	[tilespmem:$0x1A780] =	vst v63  }
0x55: {  	s11 =	simm.s32 $0x0  }
0x56: {  	[tilespmem:s31], [sflag:$0x2] =	stream.indirect.gather [spmem:s13], $0x1, s11, s26, $0xb8;
	[tilespmem:$0x1A780] =	vst v63  }
0x57: {  	s13 =	rddreg [dreg:$0x3]  }
0x58: {  	[tilespmem:s5], [sflag:$0x3] =	stream.indirect.gather [spmem:s13], $0x1, s26, s26, $0xb8;
	[tilespmem:$0x1A780] =	vst v63  }
0x59: {  	_ = 	snop  }
0x5a: {  	[tilespmem:s0], [sflag:$0x4] =	stream.indirect.gather [spmem:s13], $0x1, s11, s26, $0xb8;
	[tilespmem:$0x1A780] =	vst v63  }
0x5b: {  	s13 =	rddreg [dreg:$0x4]  }
0x5c: {  	[tilespmem:s28], [sflag:$0x5] =	stream.indirect.gather [spmem:s13], $0x1, s26, s26, $0xb8;
	[tilespmem:$0x1A780] =	vst v63  }
0x5d: {  	_ = 	snop  }
0x5e: {  	[tilespmem:s1], [sflag:$0x6] =	stream.indirect.gather [spmem:s13], $0x1, s11, s26, $0xb8;
	[tilespmem:$0x1A780] =	vst v63  }
0x5f: {  	_ =	swait.ge [sflag:s2], $0x2580  }
0x60: {  	[sflag:s2] =	ssyncset.done $0x0  }
0x61: {  	s11 =	simm.s32 $0x0;
	[sflag:s2] =	ssyncadd.s32 $0xFFFFDA80  }
0x62: {  	s12 =	simm.s32 $0x40;
	v1 =	vld [tilespmem:s11+$0x4B00]  }
.LBB2_4:
0x63: {  	p0 =	sne.s32 s12, $0x95C0;
	v2 =	vld [tilespmem:s11+$0x7080];
	_ =	sdelay $0x2  }
.Ltmp1:
0x64: {  	(pc) =	sbr.rel @p0 .LBB2_4-.Ltmp1, $4  }
0x65: {  	_ = 	snop  }
0x66: {  	v2 =	vmul.f32 v2, v1  }
0x67: {  	s13 =	sshra.s32 s12, $0x2  }
0x68: {  	s12 =	sadd.s32 $0x40, s12;
	v1 =	vld [tilespmem:s13+$0x4B00];
	[tilespmem:s11+$0x7080] =	vst v2;
	s11 =	smov.u32 s13  }
0x69: {  	v2 =	vld [tilespmem:s11+$0x7080];
	_ =	sdelay $0x4  }
0x6a: {  	v1 =	vmul.f32 v2, v1;
	_ =	sdelay $0x1  }
0x6b: {  	s13 =	simm.s32 $0x0;
	s12 =	rddreg [dreg:$0x5];
	[tilespmem:s11+$0x7080] =	vst v1  }
0x6c: {  	[spmem:s12] =	stream.indirect.scatter.add.f32 [tilespmem:s30], [sflag:$0x1], $0x1, s13, s26, $0xb8;
	[tilespmem:$0x1A780] =	vst v63  }
0x6d: {  	_ =	swait.ge [sflag:s3], $0x2580  }
0x6e: {  	[sflag:s3] =	ssyncset.done $0x0  }
0x6f: {  	s11 =	simm.s32 $0x0;
	[sflag:s3] =	ssyncadd.s32 $0xFFFFDA80  }
0x70: {  	s12 =	simm.s32 $0x40;
	v1 =	vld [tilespmem:s11+$0x4B00]  }
.LBB2_6:
0x71: {  	p0 =	sne.s32 s12, $0x95C0;
	v2 =	vld [tilespmem:s11+$0x9600];
	_ =	sdelay $0x2  }
.Ltmp2:
0x72: {  	(pc) =	sbr.rel @p0 .LBB2_6-.Ltmp2, $4  }
0x73: {  	_ = 	snop  }
0x74: {  	v2 =	vmul.f32 v2, v1  }
0x75: {  	s13 =	sshra.s32 s12, $0x2  }
0x76: {  	s12 =	sadd.s32 $0x40, s12;
	v1 =	vld [tilespmem:s13+$0x4B00];
	[tilespmem:s11+$0x9600] =	vst v2;
	s11 =	smov.u32 s13  }
0x77: {  	v2 =	vld [tilespmem:s11+$0x9600];
	_ =	sdelay $0x4  }
0x78: {  	v1 =	vmul.f32 v2, v1;
	_ =	sdelay $0x1  }
0x79: {  	s13 =	rddreg [dreg:$0x5];
	[tilespmem:s11+$0x9600] =	vst v1  }
0x7a: {  	[spmem:s13] =	stream.indirect.scatter.add.f32 [tilespmem:s31], [sflag:$0x2], $0x1, s26, s26, $0xb8;
	[tilespmem:$0x1A780] =	vst v63  }
0x7b: {  	_ =	swait.ge [sflag:s4], $0x2580  }
0x7c: {  	[sflag:s4] =	ssyncset.done $0x0  }
0x7d: {  	s11 =	simm.s32 $0x0;
	[sflag:s4] =	ssyncadd.s32 $0xFFFFDA80  }
0x7e: {  	s12 =	simm.s32 $0x40;
	v1 =	vld [tilespmem:s11+$0x4B00]  }
.LBB2_8:
0x7f: {  	p0 =	sne.s32 s12, $0x95C0;
	v2 =	vld [tilespmem:s11+$0xBB80];
	_ =	sdelay $0x2  }
.Ltmp3:
0x80: {  	(pc) =	sbr.rel @p0 .LBB2_8-.Ltmp3, $4  }
0x81: {  	_ = 	snop  }
0x82: {  	v2 =	vmul.f32 v2, v1  }
0x83: {  	s13 =	sshra.s32 s12, $0x2  }
0x84: {  	s12 =	sadd.s32 $0x40, s12;
	v1 =	vld [tilespmem:s13+$0x4B00];
	[tilespmem:s11+$0xBB80] =	vst v2;
	s11 =	smov.u32 s13  }
0x85: {  	v2 =	vld [tilespmem:s11+$0xBB80];
	_ =	sdelay $0x4  }
0x86: {  	v1 =	vmul.f32 v2, v1;
	_ =	sdelay $0x1  }
0x87: {  	s13 =	simm.s32 $0x0;
	[tilespmem:s11+$0xBB80] =	vst v1  }
0x88: {  	[spmem:s15] =	stream.indirect.scatter.add.f32 [tilespmem:s5], [sflag:$0x3], $0x1, s13, s26, $0xb8;
	[tilespmem:$0x1A780] =	vst v63  }
0x89: {  	_ =	swait.ge [sflag:s6], $0x2580  }
0x8a: {  	[sflag:s6] =	ssyncset.done $0x0  }
0x8b: {  	s11 =	simm.s32 $0x0;
	[sflag:s6] =	ssyncadd.s32 $0xFFFFDA80  }
0x8c: {  	s12 =	simm.s32 $0x40;
	v1 =	vld [tilespmem:s11+$0x4B00]  }
.LBB2_10:
0x8d: {  	p0 =	sne.s32 s12, $0x95C0;
	v2 =	vld [tilespmem:s11+$0xE100];
	_ =	sdelay $0x2  }
.Ltmp4:
0x8e: {  	(pc) =	sbr.rel @p0 .LBB2_10-.Ltmp4, $4  }
0x8f: {  	_ = 	snop  }
0x90: {  	v2 =	vmul.f32 v2, v1  }
0x91: {  	s13 =	sshra.s32 s12, $0x2  }
0x92: {  	s12 =	sadd.s32 $0x40, s12;
	v1 =	vld [tilespmem:s13+$0x4B00];
	[tilespmem:s11+$0xE100] =	vst v2;
	s11 =	smov.u32 s13  }
0x93: {  	v2 =	vld [tilespmem:s11+$0xE100];
	_ =	sdelay $0x4  }
0x94: {  	v1 =	vmul.f32 v2, v1;
	_ =	sdelay $0x1  }
0x95: {  	[tilespmem:s11+$0xE100] =	vst v1  }
0x96: {  	[spmem:s15] =	stream.indirect.scatter.add.f32 [tilespmem:s0], [sflag:$0x4], $0x1, s26, s26, $0xb8;
	[tilespmem:$0x1A780] =	vst v63  }
0x97: {  	_ =	swait.ge [sflag:s7], $0x2580  }
0x98: {  	[sflag:s7] =	ssyncset.done $0x0  }
0x99: {  	s11 =	simm.s32 $0x0;
	[sflag:s7] =	ssyncadd.s32 $0xFFFFDA80  }
0x9a: {  	s12 =	simm.s32 $0x40;
	v1 =	vld [tilespmem:s11+$0x4B00]  }
.LBB2_12:
0x9b: {  	p0 =	sne.s32 s12, $0x95C0;
	v2 =	vld [tilespmem:s11+$0x10680];
	_ =	sdelay $0x2  }
.Ltmp5:
0x9c: {  	(pc) =	sbr.rel @p0 .LBB2_12-.Ltmp5, $4  }
0x9d: {  	_ = 	snop  }
0x9e: {  	v2 =	vmul.f32 v2, v1  }
0x9f: {  	s13 =	sshra.s32 s12, $0x2  }
0xa0: {  	s12 =	sadd.s32 $0x40, s12;
	v1 =	vld [tilespmem:s13+$0x4B00];
	[tilespmem:s11+$0x10680] =	vst v2;
	s11 =	smov.u32 s13  }
0xa1: {  	v2 =	vld [tilespmem:s11+$0x10680];
	_ =	sdelay $0x4  }
0xa2: {  	v1 =	vmul.f32 v2, v1;
	_ =	sdelay $0x1  }
0xa3: {  	s13 =	simm.s32 $0x0;
	[tilespmem:s11+$0x10680] =	vst v1  }
0xa4: {  	[spmem:s14] =	stream.indirect.scatter.add.f32 [tilespmem:s28], [sflag:$0x5], $0x1, s13, s26, $0xb8;
	[tilespmem:$0x1A780] =	vst v63  }
0xa5: {  	_ =	swait.ge [sflag:s9], $0x2580  }
0xa6: {  	[sflag:s9] =	ssyncset.done $0x0  }
0xa7: {  	s11 =	simm.s32 $0x0;
	[sflag:s9] =	ssyncadd.s32 $0xFFFFDA80  }
0xa8: {  	s12 =	simm.s32 $0x40;
	v1 =	vld [tilespmem:s11+$0x4B00]  }
.LBB2_14:
0xa9: {  	p0 =	sne.s32 s12, $0x95C0;
	v2 =	vld [tilespmem:s11+$0x12C00];
	_ =	sdelay $0x2  }
.Ltmp6:
0xaa: {  	(pc) =	sbr.rel @p0 .LBB2_14-.Ltmp6, $4  }
0xab: {  	_ = 	snop  }
0xac: {  	v2 =	vmul.f32 v2, v1  }
0xad: {  	s13 =	sshra.s32 s12, $0x2  }
0xae: {  	s12 =	sadd.s32 $0x40, s12;
	v1 =	vld [tilespmem:s13+$0x4B00];
	[tilespmem:s11+$0x12C00] =	vst v2;
	s11 =	smov.u32 s13  }
0xaf: {  	v2 =	vld [tilespmem:s11+$0x12C00];
	_ =	sdelay $0x4  }
0xb0: {  	v1 =	vmul.f32 v2, v1;
	_ =	sdelay $0x1  }
0xb1: {  	[tilespmem:s11+$0x12C00] =	vst v1  }
0xb2: {  	[spmem:s14] =	stream.indirect.scatter.add.f32 [tilespmem:s1], [sflag:$0x6], $0x1, s26, s26, $0xb8;
	[tilespmem:$0x1A780] =	vst v63  }
0xb3: {  	_ =	swait.ge [sflag:s2], $0x2580  }
0xb4: {  	[sflag:s2] =	ssyncset.done $0x0  }
0xb5: {  	[sflag:s2] =	ssyncadd.s32 $0xFFFFDA80  }
0xb6: {  	_ =	swait.ge [sflag:s3], $0x2580  }
0xb7: {  	[sflag:s3] =	ssyncset.done $0x0  }
0xb8: {  	[sflag:s3] =	ssyncadd.s32 $0xFFFFDA80  }
0xb9: {  	_ =	swait.ge [sflag:s4], $0x2580  }
0xba: {  	[sflag:s4] =	ssyncset.done $0x0  }
0xbb: {  	[sflag:s4] =	ssyncadd.s32 $0xFFFFDA80  }
0xbc: {  	_ =	swait.ge [sflag:s6], $0x2580  }
0xbd: {  	[sflag:s6] =	ssyncset.done $0x0  }
0xbe: {  	[sflag:s6] =	ssyncadd.s32 $0xFFFFDA80  }
0xbf: {  	_ =	swait.ge [sflag:s7], $0x2580  }
0xc0: {  	[sflag:s7] =	ssyncset.done $0x0  }
0xc1: {  	[sflag:s7] =	ssyncadd.s32 $0xFFFFDA80  }
0xc2: {  	_ =	swait.ge [sflag:s9], $0x2580  }
0xc3: {  	[sflag:s9] =	ssyncset.done $0x0  }
0xc4: {  	[sflag:s9] =	ssyncadd.s32 $0xFFFFDA80  }
0xc5: {  	[bflag:$0x0] =	sbarrier.arrive $0xFFFF  }
0xc6: {  	[tilespmem:s29], [sflag:$0x7] =	stream.linear.gather [spmem:s18], $0xC40, $0x38;
	[tilespmem:$0x1A780] =	vst v63  }
0xc7: {  	_ =	swait.ge [sflag:s25], $0xC40  }
0xc8: {  	[sflag:s25] =	ssyncset.done $0x0  }
0xc9: {  	[sflag:s25] =	ssyncadd.s32 $0xFFFFF3C0  }
0xca: {  	[hbm4b:s21+s8] =	stream.linear.scatter [tilespmem:s29], [sflag:$0x7], $0xC40, $0x38;
	[tilespmem:$0x1A780] =	vst v63  }
0xcb: {  	_ =	swait.ge [sflag:s25], $0xC40  }
0xcc: {  	[sflag:s25] =	ssyncset.done $0x0  }
0xcd: {  	[sflag:s25] =	ssyncadd.s32 $0xFFFFF3C0  }
0xce: {  	[tilespmem:s29], [sflag:$0x7] =	stream.linear.gather [spmem:s19], $0xC40, $0x38;
	[tilespmem:$0x1A780] =	vst v63  }
0xcf: {  	_ =	swait.ge [sflag:s25], $0xC40  }
0xd0: {  	[sflag:s25] =	ssyncset.done $0x0  }
0xd1: {  	[sflag:s25] =	ssyncadd.s32 $0xFFFFF3C0  }
0xd2: {  	[hbm4b:s22+s8] =	stream.linear.scatter [tilespmem:s29], [sflag:$0x7], $0xC40, $0x38;
	[tilespmem:$0x1A780] =	vst v63  }
0xd3: {  	_ =	swait.ge [sflag:s25], $0xC40  }
0xd4: {  	[sflag:s25] =	ssyncset.done $0x0  }
0xd5: {  	[sflag:s25] =	ssyncadd.s32 $0xFFFFF3C0  }
0xd6: {  	[tilespmem:s29], [sflag:$0x7] =	stream.linear.gather [spmem:s20], $0xC40, $0x38;
	[tilespmem:$0x1A780] =	vst v63  }
0xd7: {  	s10 =	sadd.s32 $0x1, s10;
	_ =	swait.ge [sflag:s25], $0xC40  }
0xd8: {  	p0 =	sne.s32 s10, s24;
	[sflag:s25] =	ssyncset.done $0x0  }
.Ltmp7:
0xd9: {  	[sflag:s25] =	ssyncadd.s32 $0xFFFFF3C0;
	(pc) =	sbr.rel @p0 .LBB2_1-.Ltmp7, $4  }
0xda: {  	[hbm4b:s23+s8] =	stream.linear.scatter [tilespmem:s29], [sflag:$0x7], $0xC40, $0x38;
	[tilespmem:$0x1A780] =	vst v63  }
0xdb: {  	_ =	swait.ge [sflag:s25], $0xC40  }
0xdc: {  	[sflag:s25] =	ssyncset.done $0x0  }
0xdd: {  	[sflag:s25] =	ssyncadd.s32 $0xFFFFF3C0  }
0xde: {  	_ =	sfence.sel $0x180000  }
0xdf: {  	[bflag:$0x0] =	sbarrier.arrive $0xFFFF  }
0xe0: {  	_ =	strace $0x9000004D  }
0xe1: {  	s0 =	stileid.u32;
	[bflag:$0x2] =	sbarrier.arrive $0xFFFF  }
0xe2: {  	p0 =	sne.s32 s0, $0x0;
	s0 =	rddreg [dreg:$0x8]  }
0xe3: {  	s0 =	sadd.s32 @!p0 $0x100000, s0  }
0xe4: {  	[sflag:s0] =	ssyncadd.tile.s32 @!p0 $0x1;
	_ =	shalt  }
.Lfunc_end2:
_tile_overlayer_lowered:
.L_overlay_start_2:
0xe5: {  	(tag) =	ssettag $0x2  }
0xe6: {  	s0 =	rddreg [dreg:$0x0];
	s2 =	stileid.u32  }
0xe7: {  	s1 =	rddreg [dreg:$0x1];
	p0 =	sne.s32 s2, $0x0  }
0xe8: {  	s3 =	rddreg [dreg:$0x2];
	[bflag:$0x3] =	sbarrier.arrive $0xFFFF;
	s2 =	simm.s32 @!p0 $0x1C07  }
0xe9: {  	[timem:s3], [sflag:s2] =	dma.local @!p0 [hbm:s0], s1  }
0xea: {  	s0 =	simm.s32 @!p0 $0x7  }
0xeb: {  	_ =	swait.ge @!p0 [sflag:s0], s1  }
0xec: {  	s1 =	ssub.s32 @!p0 $0x0, s1;
	[sflag:s0] =	ssyncset.done @!p0 $0x0  }
0xed: {  	[sflag:s0] =	ssyncadd.s32 @!p0 s1  }
0xee: {  	[bflag:$0x3] =	sbarrier.arrive $0xFFFF  }
0xef: {  	_ =	shalt  }

// kernel: kernel.8.cloned.1.call-start
scs
__scs_entry_jumppad:
0x0: {  	(pc) =	sbr.rel $0x88, $3  }
0x1: {  	(tag) =	ssettag $0x0;
	lr =	simm.s32 $0x1  }
0x2: {  	[smem:$0x3F98] =	sst lr;
	_ =	strace $0xD0000000  }
0x3: {  	_ = 	snop  }
0x4: {  	_ = 	snop  }
0x5: {  	_ = 	snop  }
0x6: {  	_ = 	snop  }
0x7: {  	_ = 	snop  }
__scs_overlays_trampoline_lowered:
0x8: {  	[smem:$0x3FA7] =	sst s0  }
0x9: {  	[smem:$0x3FA8] =	sst s1  }
0xa: {  	[smem:$0x3FA9] =	sst s2  }
0xb: {  	[smem:$0x3FAA] =	sst s3  }
0xc: {  	[smem:$0x3FAB] =	sst s4  }
0xd: {  	[smem:$0x3FAC] =	sst s5  }
0xe: {  	[smem:$0x3FAD] =	sst s6  }
0xf: {  	[smem:$0x3FAE] =	sst s7  }
0x10: {  	[smem:$0x3FAF] =	sst s8  }
0x11: {  	[smem:$0x3FB0] =	sst s9;
	s0 =	simm.s32 @!p0 $0x0  }
0x12: {  	s1 =	sld [smem:$0x3F96];
	s0 =	simm.s32 @p0 $0x1  }
0x13: {  	[smem:$0x3FB1] =	sst s0;
	s0 =	simm.s32 @!p1 $0x0  }
0x14: {  	s2 =	sld [smem:$0x3F95];
	s0 =	simm.s32 @p1 $0x1  }
0x15: {  	[smem:$0x3FB2] =	sst s0;
	s0 =	simm.s32 @!p2 $0x0  }
0x16: {  	s3 =	sld [smem:$0x3FDB];
	s0 =	simm.s32 @p2 $0x1  }
0x17: {  	s4 =	simm.s32 $0x1BF5;
	[smem:$0x3FB4] =	sst s0  }
0x18: {  	s0 =	sld [smem:$0x3F97];
	_ =	swait.ge [sflag:s4], $0x0  }
0x19: {  	s7 =	sld [smem:$0x3F98]  }
0x1a: {  	s8 =	sadd.s32 $0xFFFFE003, lr  }
0x1b: {  	s9 =	sadd.s32 $0xFFFFFEF7, lr;
	s5 =	simm.s32 $0xFFFFFFFF;
	p2 =	slt.u32 s8, $0xFFFFF086  }
0x1c: {  	p1 =	slt.u32 s9, $0xF7A;
	s5 =	simm.s32 @!p2 $0x0  }
0x1d: {  	s5 =	simm.s32 @p1 $0x1;
	p0 =	seq.s32 s7, s2  }
0x1e: {  	s7 =	smul.u32 @!p0 $0xF7A, s2;
	p2 =	seq.s32 @!p0 s5, $0x0  }
0x1f: {  	s9 =	smul.u32 $0xF7A, s1;
	s8 =	simm.s32 @!p0 $0x1BF5;
	p2 =	por !p2, p0  }
0x20: {  	[sflag:s8] =	ssyncset.s32 @!p0 $0xFFFFF086;
	s6 =	sadd.s32 @!p0 s3, s7;
	s7 =	simm.s32 @!p0 $0x108  }
0x21: {  	s3 =	sadd.s32 s3, s9;
	s6 =	sadd.s32 @!p0 $0x88, s6;
	s7 =	simm.s32 @p2 $0x1082  }
0x22: {  	[simem:s7], [sflag:s8] =	dma.local @!p0 [hbm:s6], $0xF7A  }
0x23: {  	s9 =	sor.u32 $0xD0000000, s2;
	s6 =	simm.s32 $0x108;
	_ =	swait.ge @!p0 [sflag:s8], $0x0  }
0x24: {  	s3 =	sadd.s32 $0x88, s3;
	s6 =	simm.s32 @!p1 $0x1082;
	[sflag:s4] =	ssyncset.s32 $0xFFFFF086  }
0x25: {  	[simem:s6], [sflag:s4] =	dma.local [hbm:s3], $0xF7A  }
0x26: {  	[smem:$0x3F98] =	sst s1;
	(tag) =	ssettag s2;
	_ =	strace s9  }
0x27: {  	s1 =	sld [smem:$0x3FA8]  }
0x28: {  	s2 =	sld [smem:$0x3FA9]  }
0x29: {  	s4 =	sld [smem:$0x3FAB]  }
0x2a: {  	p0 =	seq.s32 s5, $0x0;
	s5 =	sld [smem:$0x3FAC]  }
0x2b: {  	s6 =	sld [smem:$0x3FAD]  }
0x2c: {  	s7 =	sld [smem:$0x3FAE]  }
0x2d: {  	s3 =	simm.s32 $0x108;
	s8 =	sld [smem:$0x3FAF]  }
0x2e: {  	s3 =	simm.s32 @!p0 $0x1082;
	s9 =	sld [smem:$0x3FB0]  }
0x2f: {  	lr =	sadd.s32 s0, s3;
	s0 =	sld [smem:$0x3FA7]  }
0x30: {  	s3 =	sld [smem:$0x3FAA]  }
0x31: {  	[smem:$0x3FB3] =	sst s10  }
0x32: {  	s10 =	sld [smem:$0x3FB1];
	_ =	sdelay $0x3  }
0x33: {  	p0 =	seq.s32 s10, $0x1;
	s10 =	sld [smem:$0x3FB3];
	_ =	sdelay $0x3  }
0x34: {  	[smem:$0x3FB3] =	sst s10  }
0x35: {  	s10 =	sld [smem:$0x3FB2];
	_ =	sdelay $0x3  }
0x36: {  	p1 =	seq.s32 s10, $0x1;
	s10 =	sld [smem:$0x3FB3];
	_ =	sdelay $0x3  }
0x37: {  	[smem:$0x3FB3] =	sst s10  }
0x38: {  	s10 =	sld [smem:$0x3FB4]  }
0x39: {  	_ = 	snop;
	(pc) =	sbr.ind lr, $3  }
0x3a: {  	_ = 	snop  }
0x3b: {  	_ = 	snop  }
0x3c: {  	p2 =	seq.s32 s10, $0x1;
	s10 =	sld [smem:$0x3FB3]  }
0x3d: {  	_ =	shalt  }
0x3e: {  	_ =	shalt  }
0x3f: {  	_ =	shalt  }
0x40: {  	_ =	shalt  }
0x41: {  	_ =	shalt  }
0x42: {  	_ =	shalt  }
0x43: {  	_ =	shalt  }
0x44: {  	_ =	shalt  }
0x45: {  	_ =	shalt  }
0x46: {  	_ =	shalt  }
0x47: {  	_ =	shalt  }
0x48: {  	_ =	shalt  }
0x49: {  	_ =	shalt  }
0x4a: {  	_ =	shalt  }
0x4b: {  	_ =	shalt  }
0x4c: {  	_ =	shalt  }
0x4d: {  	_ =	shalt  }
0x4e: {  	_ =	shalt  }
0x4f: {  	_ =	shalt  }
0x50: {  	_ =	shalt  }
0x51: {  	_ =	shalt  }
0x52: {  	_ =	shalt  }
0x53: {  	_ =	shalt  }
0x54: {  	_ =	shalt  }
0x55: {  	_ =	shalt  }
0x56: {  	_ =	shalt  }
0x57: {  	_ =	shalt  }
0x58: {  	_ =	shalt  }
0x59: {  	_ =	shalt  }
0x5a: {  	_ =	shalt  }
0x5b: {  	_ =	shalt  }
0x5c: {  	_ =	shalt  }
0x5d: {  	_ =	shalt  }
0x5e: {  	_ =	shalt  }
0x5f: {  	_ =	shalt  }
0x60: {  	_ =	shalt  }
0x61: {  	_ =	shalt  }
0x62: {  	_ =	shalt  }
0x63: {  	_ =	shalt  }
0x64: {  	_ =	shalt  }
0x65: {  	_ =	shalt  }
0x66: {  	_ =	shalt  }
0x67: {  	_ =	shalt  }
0x68: {  	_ =	shalt  }
0x69: {  	_ =	shalt  }
0x6a: {  	_ =	shalt  }
0x6b: {  	_ =	shalt  }
0x6c: {  	_ =	shalt  }
0x6d: {  	_ =	shalt  }
0x6e: {  	_ =	shalt  }
0x6f: {  	_ =	shalt  }
0x70: {  	_ =	shalt  }
0x71: {  	_ =	shalt  }
0x72: {  	_ =	shalt  }
0x73: {  	_ =	shalt  }
0x74: {  	_ =	shalt  }
0x75: {  	_ =	shalt  }
0x76: {  	_ =	shalt  }
0x77: {  	_ =	shalt  }
0x78: {  	_ =	shalt  }
0x79: {  	_ =	shalt  }
0x7a: {  	_ =	shalt  }
0x7b: {  	_ =	shalt  }
0x7c: {  	_ =	shalt  }
0x7d: {  	_ =	shalt  }
0x7e: {  	_ =	shalt  }
0x7f: {  	_ =	shalt  }
0x80: {  	_ =	shalt  }
0x81: {  	_ =	shalt  }
0x82: {  	_ =	shalt  }
0x83: {  	_ =	shalt  }
0x84: {  	_ =	shalt  }
0x85: {  	_ =	shalt  }
0x86: {  	_ =	shalt  }
0x87: {  	_ =	shalt  }
.Lfunc_end0:
.L_simem_size_0:
called_computation_lowered:
.L_overlay_start_0:
0x88: {  	s2 =	sld [smem:$0x3FD9]  }
0x89: {  	s3 =	sld [smem:$0x3FFE];
	_ =	sdelay $0x1  }
0x8a: {  	s1 =	srdreg.scid  }
0x8b: {  	s0 =	sand.u32 $0x1, s1  }
0x8c: {  	s17 =	sshll.u32 s0, $0xA;
	s2 =	sadd.s32 s3, s2  }
0x8d: {  	s2 =	sadd.s32 s2, s17  }
0x8e: {  	[smem:$0x3FBF] =	sst s2  }
0x8f: {  	_ = 	snop  }
0x90: {  	s2 =	sld [smem:$0x3FD0];
	(tm) =	ssettm $0x1  }
0x91: {  	s18 =	sld [smem:$0x3FFB];
	_ =	sdelay $0x3  }
0x92: {  	_ =	strace s18  }
0x93: {  	s3 =	sld [smem:$0x3FFC];
	_ =	sdelay $0x3  }
0x94: {  	_ =	strace s3  }
0x95: {  	s3 =	sld [smem:$0x3FFD];
	_ =	sdelay $0x3  }
0x96: {  	_ =	strace s3  }
0x97: {  	_ =	strace $0x8FFFFFFF  }
0x98: {  	s19 =	sld [smem:$0x3FDB];
	_ =	sdelay $0x1  }
0x99: {  	s4 =	simm.s32 $_scs_section_size  }
0x9a: {  	s5 =	simm.s32 $_size__tile_overlayer_lowered;
	s6 =	simm.s32 $_tile_overlayer_lowered  }
0x9b: {  	s22 =	simm.s32 $0x1BFF;
	s21 =	sshll.u32 s6, $0x1;
	s3 =	sadd.s32 s4, s19  }
0x9c: {  	s7 =	simm.s32 $0x0;
	s20 =	sshll.u32 s5, $0x1;
	s5 =	sadd.s32 s21, s3  }
0x9d: {  	[timem:s7], [sflag:s22] =	dma.local [hbm:s5], s20  }
0x9e: {  	_ =	swait.ge [sflag:s22], s20  }
0x9f: {  	s4 =	ssub.s32 $0x0, s20;
	[sflag:s22] =	ssyncset.done $0x0  }
0xa0: {  	[sflag:s22] =	ssyncadd.s32 s4;
	_ =	sdelay $0x1  }
0xa1: {  	s23 =	simm.s32 $0x1B8B  }
0xa2: {  	_ =	swait.ge [sflag:s23], $0x1  }
0xa3: {  	[sflag:s23] =	ssyncset.done $0x0  }
0xa4: {  	s25 =	simm.s32 $0x1B8E;
	s24 =	sld [smem:$0x3FFE];
	[sflag:s23] =	ssyncadd.s32 $0xFFFFFFFF  }
0xa5: {  	s26 =	simm.s32 $execute0_lowered;
	[smem:$0x3FD2] =	sst s25  }
0xa6: {  	s5 =	sshll.u32 s26, $0x1;
	_ =	strace $0x80000046;
	[dreg:$0x1] =	wrdreg $0xFFFFFFFF  }
0xa7: {  	s28 =	simm.s32 $_size_execute0_lowered;
	s3 =	sadd.s32 s3, s5;
	[dreg:$0x0] =	wrdreg $0x0  }
0xa8: {  	s5 =	sshll.u32 s28, $0x1;
	[dreg:$0x2] =	wrdreg s3  }
0xa9: {  	[dreg:$0x3] =	wrdreg s5  }
0xaa: {  	[dreg:$0x4] =	wrdreg $0xC0  }
0xab: {  	_ =	task [dreg:s7], $0x5FFFF  }
0xac: {  	[dreg:$0x1] =	wrdreg $0xFFFFFFFF  }
0xad: {  	[dreg:$0x0] =	wrdreg $0x60  }
0xae: {  	[dreg:$0x2] =	wrdreg s24  }
0xaf: {  	[dreg:$0x3] =	wrdreg s2  }
0xb0: {  	[dreg:$0x4] =	wrdreg $0x7D000  }
0xb1: {  	[dreg:$0x5] =	wrdreg $0x9  }
0xb2: {  	_ =	task.clear_ibuf [dreg:s7], $0x6FFFF;
	_ =	strace $0x90000046  }
0xb3: {  	s29 =	simm.s32 $0x9;
	_ =	strace $0x80000048  }
0xb4: {  	_ =	swait.ge [sflag:s29], $0x1  }
0xb5: {  	[sflag:s29] =	ssyncadd.s32 $0xFFFFFFFF  }
0xb6: {  	_ =	strace $0x90000048  }
0xb7: {  	_ =	sfence  }
0xb8: {  	s30 =	sld [smem:$0x0];
	_ =	sdelay $0x2  }
0xb9: {  	s31 =	sshll.u32 s1, $0xD;
	s1 =	sshrl.u32 s1, $0x2  }
0xba: {  	s3 =	sand.u32 $0x4000, s31;
	s1 =	sadd.s32 s1, s30  }
0xbb: {  	s0 =	sor.u32 s3, s0;
	s1 =	sshll.u32 s1, $0x11  }
0xbc: {  	s0 =	sor.u32 s1, s0  }
0xbd: {  	s0 =	sadd.s32 $0x8F2B, s0  }
0xbe: {  	[sflag:s0] =	ssyncadd.remote.s32 $0x1  }
0xbf: {  	_ =	sfence.sel $0xFFFF  }
0xc0: {  	[dreg:$0x0] =	wrdreg $0xFFFFFFFF;
	(pc) =	sbr.abs _section_cstart, $3  }
0xc1: {  	[dreg:$0x1] =	wrdreg $0xFFFFFFFF  }
0xc2: {  	_ =	task.clear_ibuf [dreg:s7], $0x2FFFF;
	_ =	strace $0x9FFFFFFF  }
0xc3: {  	(tm) =	ssettm $0x7FFFFFFF  }
tec
execute0_lowered:
.L_overlay_start_1:
0x0: {  	(tag) =	ssettag $0x1  }
0x1: {  	s4 =	rddreg [dreg:$0x0];
	s1 =	srdreg.scid  }
0x2: {  	s0 =	stileid.u32;
	s8 =	rddreg [dreg:$0x1]  }
0x3: {  	s2 =	rddreg [dreg:$0x2];
	s12 =	simm.s32 $0x4B00;
	s13 =	simm.s32 $0x7080  }
0x4: {  	s14 =	simm.s32 $0x1;
	s15 =	simm.s32 $0x2;
	s5 =	sand.u32 $0x1, s1  }
0x5: {  	s30 =	sshll.u32 s0, $0x1;
	s1 =	rddreg [dreg:$0x3];
	s9 =	smul.u32 $0xC40, s0  }
0x6: {  	s3 =	sor.u32 s5, s30;
	s7 =	ssub.s32 $0x2, s5;
	s11 =	smul.u32 $0xC400, s5  }
0x7: {  	s6 =	smul.u32 $0x4B0, s3;
	s3 =	simm.s32 $0x0;
	s10 =	sshrl.u32 s7, $0x1  }
0x8: {  	s16 =	simm.s32 $0x0;
	[smem:$0x7FF] =	sst s3;
	s10 =	ssub.s32 s7, s10  }
0x9: {  	s11 =	sadd.s32 s9, s11;
	s7 =	sadd.s32 s9, s2;
	_ =	strace $0x80000047  }
0xa: {  	s6 =	sadd.s32 s6, s4;
	s31 =	sshrl.u32 s11, $0x3;
	s9 =	smax.u32 s10, $0x1  }
0xb: {  	s10 =	simm.s32 $0x3;
	s11 =	simm.s32 $0x2580;
	s4 =	sadd.s32 $0xB200, s6  }
0xc: {  	v0 =	vimm.f32 $0.0e+00;
	s5 =	sadd.s32 $0x1C00, s6;
	s6 =	sadd.s32 $0x14800, s6;
	s8 =	sadd.s32 s8, s31  }
.LBB2_1:
0xd: {  	[tilespmem:s3], [sflag:$0x3] =	stream.linear.gather [hbm4b:s4+s3], $0x2580, $0x38;
	[tilespmem:$0x8940] =	vst v63  }
0xe: {  	_ =	swait.ge [sflag:s10], $0x2580  }
0xf: {  	[sflag:s10] =	ssyncset.done $0x0  }
0x10: {  	[sflag:s10] =	ssyncadd.s32 $0xFFFFDA80  }
0x11: {  	[tilespmem:s11], [sflag:$0x3] =	stream.linear.gather [hbm4b:s5+s3], $0x2580, $0x38;
	[tilespmem:$0x8940] =	vst v63  }
0x12: {  	_ =	swait.ge [sflag:s10], $0x2580  }
0x13: {  	[sflag:s10] =	ssyncset.done $0x0  }
0x14: {  	[sflag:s10] =	ssyncadd.s32 $0xFFFFDA80  }
0x15: {  	[tilespmem:s12], [sflag:$0x3] =	stream.linear.gather [hbm4b:s6+s3], $0x2580, $0x38;
	[tilespmem:$0x8940] =	vst v63  }
0x16: {  	_ =	swait.ge [sflag:s10], $0x2580  }
0x17: {  	[sflag:s10] =	ssyncset.done $0x0  }
0x18: {  	s17 =	simm.s32 $0x40;
	s18 =	simm.s32 $0x0;
	[sflag:s10] =	ssyncadd.s32 $0xFFFFDA80  }
.LBB2_2:
0x19: {  	p0 =	sne.s32 s17, $0x30C0;
	[tilespmem:s18+$0x7080] =	vst v0;
	s18 =	smov.u32 s17;
	s17 =	sadd.s32 $0x40, s17  }
.Ltmp0:
0x1a: {  	(pc) =	sbr.rel @p0 .LBB2_2-.Ltmp0, $2  }
0x1b: {  	_ =	sdelay $0x2  }
0x1c: {  	s18 =	sshra.s32 s18, $0x2  }
0x1d: {  	[tilespmem:s18+$0x7080] =	vst v0  }
0x1e: {  	[spmem:s7] =	stream.linear.scatter [tilespmem:s13], [sflag:$0x3], $0xC40, $0x38;
	[tilespmem:$0x8940] =	vst v63  }
0x1f: {  	_ =	swait.ge [sflag:s10], $0xC40  }
0x20: {  	[sflag:s10] =	ssyncset.done $0x0  }
0x21: {  	[sflag:s10] =	ssyncadd.s32 $0xFFFFF3C0  }
0x22: {  	[bflag:$0x0] =	sbarrier.arrive $0xFFFF  }
0x23: {  	[spmem:s2] =	stream.indirect.scatter.add.f32 [tilespmem:s12], [sflag:$0x1], $0x1, s3, s11, $0xb8;
	[tilespmem:$0x8940] =	vst v63  }
0x24: {  	_ = 	snop  }
0x25: {  	[spmem:s2] =	stream.indirect.scatter.add.f32 [tilespmem:s12], [sflag:$0x2], $0x1, s11, s11, $0xb8;
	[tilespmem:$0x8940] =	vst v63  }
0x26: {  	_ =	swait.ge [sflag:s14], $0x2580  }
0x27: {  	[sflag:s14] =	ssyncset.done $0x0  }
0x28: {  	[sflag:s14] =	ssyncadd.s32 $0xFFFFDA80  }
0x29: {  	_ =	swait.ge [sflag:s15], $0x2580  }
0x2a: {  	[sflag:s15] =	ssyncset.done $0x0  }
0x2b: {  	[sflag:s15] =	ssyncadd.s32 $0xFFFFDA80  }
0x2c: {  	[bflag:$0x0] =	sbarrier.arrive $0xFFFF  }
0x2d: {  	[tilespmem:s13], [sflag:$0x3] =	stream.linear.gather [spmem:s7], $0xC40, $0x38;
	[tilespmem:$0x8940] =	vst v63  }
0x2e: {  	s16 =	sadd.s32 $0x1, s16;
	_ =	swait.ge [sflag:s10], $0xC40  }
0x2f: {  	p0 =	sne.s32 s16, s9;
	[sflag:s10] =	ssyncset.done $0x0  }
.Ltmp1:
0x30: {  	[sflag:s10] =	ssyncadd.s32 $0xFFFFF3C0;
	(pc) =	sbr.rel @p0 .LBB2_1-.Ltmp1, $4  }
0x31: {  	[hbm4b:s8+s3] =	stream.linear.scatter [tilespmem:s13], [sflag:$0x3], $0xC40, $0x38;
	[tilespmem:$0x8940] =	vst v63  }
0x32: {  	_ =	swait.ge [sflag:s10], $0xC40  }
0x33: {  	[sflag:s10] =	ssyncset.done $0x0  }
0x34: {  	[sflag:s10] =	ssyncadd.s32 $0xFFFFF3C0  }
0x35: {  	_ =	sfence.sel $0x180000  }
0x36: {  	[bflag:$0x0] =	sbarrier.arrive $0xFFFF  }
0x37: {  	p0 =	sne.s32 s0, $0x0;
	_ =	strace $0x90000047  }
0x38: {  	s0 =	sadd.s32 @!p0 $0x100000, s1;
	[bflag:$0x2] =	sbarrier.arrive $0xFFFF  }
0x39: {  	[sflag:s0] =	ssyncadd.tile.s32 @!p0 $0x1;
	_ =	shalt  }
.Lfunc_end2:
_tile_overlayer_lowered:
.L_overlay_start_2:
0x3a: {  	(tag) =	ssettag $0x2  }
0x3b: {  	s0 =	rddreg [dreg:$0x0];
	s2 =	stileid.u32  }
0x3c: {  	s1 =	rddreg [dreg:$0x1];
	p0 =	sne.s32 s2, $0x0  }
0x3d: {  	s3 =	rddreg [dreg:$0x2];
	[bflag:$0x3] =	sbarrier.arrive $0xFFFF;
	s2 =	simm.s32 @!p0 $0x1C03  }
0x3e: {  	[timem:s3], [sflag:s2] =	dma.local @!p0 [hbm:s0], s1  }
0x3f: {  	s0 =	simm.s32 @!p0 $0x3  }
0x40: {  	_ =	swait.ge @!p0 [sflag:s0], s1  }
0x41: {  	s1 =	ssub.s32 @!p0 $0x0, s1;
	[sflag:s0] =	ssyncset.done @!p0 $0x0  }
0x42: {  	[sflag:s0] =	ssyncadd.s32 @!p0 s1  }
0x43: {  	[bflag:$0x3] =	sbarrier.arrive $0xFFFF  }
0x44: {  	_ =	shalt  }

</sc_bundles>
